<compile_context>
chip_gen: v7x
topology: tpu7x:2x2x1
jax: 0.10.2.dev20260603
libtpu: 0.0.44.dev20260713+nightly
codegen_flags: <defaults>
</compile_context>

<pallas_src>
import functools
import math

import jax
import jax.numpy as jnp
from jax import lax
from jax.experimental import pallas as pl
from jax.experimental.pallas import tpu as pltpu
from jax.experimental.pallas import tpu_sc as plsc

D_MODEL = 64
SCALE = math.sqrt(D_MODEL)
LANES = 16

NC, NS = 2, 16
NW = NC * NS
BB = 128
NBUF = 5
AHEAD = 2


def _emb_kernel(batch: int, hist: int):
    nbb = batch // BB
    bb_per_w = nbb // NW
    steps = bb_per_w * hist
    fb = D_MODEL // 8

    mesh = plsc.VectorSubcoreMesh(core_axis_name="c", subcore_axis_name="s")

    @functools.partial(
        pl.kernel,
        out_type=jax.ShapeDtypeStruct((hist, fb, nbb, 8, BB), jnp.float32),
        mesh=mesh,
        compiler_params=pltpu.CompilerParams(
            use_tc_tiling_on_sc=False, needs_layout_passes=False
        ),
        scratch_types=dict(
            idx_t=pltpu.VMEM((hist, BB * bb_per_w), jnp.int32),
            gbufs=[pltpu.VMEM((BB, D_MODEL), jnp.float32) for _ in range(NBUF)],
            tbufs=[pltpu.VMEM((fb, 8, BB), jnp.float32) for _ in range(NBUF)],
            gsems=[pltpu.SemaphoreType.DMA for _ in range(NBUF)],
            ssems=[pltpu.SemaphoreType.DMA for _ in range(NBUF)],
        ),
    )
    def body(x_hbm, lut_hbm, out_hbm, idx_t, gbufs, tbufs, gsems, ssems):
        wid = lax.axis_index("s") * NC + lax.axis_index("c")

        pltpu.sync_copy(x_hbm.at[:, wid], idx_t)

        iot = lax.iota(jnp.int32, LANES)
        rowvecs = [iot + k * LANES for k in range(BB // LANES)]

        def start_gather(g, b):
            bl = g // hist
            h = g - bl * hist
            pltpu.async_copy(
                lut_hbm.at[idx_t.at[h, pl.ds(bl * BB, BB)]], gbufs[b], gsems[b]
            )

        def wait_gather(b):
            pltpu.make_async_copy(
                lut_hbm.at[idx_t.at[0, pl.ds(0, BB)]], gbufs[b], gsems[b]
            ).wait()

        def start_scatter(g, b):
            bl = g // hist
            h = g - bl * hist
            pltpu.async_copy(
                tbufs[b], out_hbm.at[h, :, wid * bb_per_w + bl], ssems[b]
            )

        def wait_scatter(b):
            pltpu.make_async_copy(
                tbufs[b], out_hbm.at[0, :, 0], ssems[b]
            ).wait()

        for g in range(AHEAD):
            start_gather(g, g)

        @pl.loop(0, steps, step=NBUF)
        def _steps(g0):
            for b in range(NBUF):
                g = g0 + b
                bn = (b + AHEAD) % NBUF

                @pl.when(g >= NBUF - AHEAD)
                def _():
                    wait_scatter(bn)

                @pl.when(g + AHEAD < steps)
                def _():
                    start_gather(g + AHEAD, bn)

                wait_gather(b)

                @pl.loop(0, LANES)
                def _tr(j):
                    jd = (iot + j) & (LANES - 1)
                    cols = []
                    vals = []
                    for c0 in range(0, D_MODEL, LANES):
                        fvec = jd + c0
                        fbv = lax.shift_right_logical(fvec, 3)
                        fiv = fvec & 7
                        cols.append((fbv, fiv))
                        for k in range(BB // LANES):
                            vals.append(
                                plsc.load_gather(gbufs[b], [rowvecs[k], fvec])
                            )
                    for ci in range(D_MODEL // LANES):
                        fbv, fiv = cols[ci]
                        for k in range(BB // LANES):
                            plsc.store_scatter(
                                tbufs[b],
                                [fbv, fiv, rowvecs[k]],
                                vals[ci * (BB // LANES) + k] * SCALE,
                            )

                start_scatter(g, b)

        for g in range(steps - (NBUF - AHEAD), steps):
            wait_scatter(g % NBUF)

    return body


def kernel(x, lut):
    batch, hist = x.shape
    xt3 = x.astype(jnp.int32).T.reshape(hist, NW, batch // NW)
    out5 = _emb_kernel(batch, hist)(xt3, lut)
    return out5.transpose(2, 4, 0, 1, 3).reshape(batch, hist, D_MODEL)

# --- scband reference (transcript-rebuilt; emitter-appended) ---
"""Pipeline reference for scband-embeddings-true-4140348473356 (READ-ONLY COPY).

The authoritative reference and input builder live on the scoring server;
editing this copy changes nothing except your own understanding.
"""

import jax, jax.numpy as jnp
import numpy as np
import math

D_MODEL = 64
VOCAB = 1000000
BATCH = 16384
HIST = 50

def setup_inputs(seed: int = 0) -> dict:
    key = jax.random.key(seed)
    k1, k2 = jax.random.split(key)
    x = jax.random.randint(k1, (BATCH, HIST), 0, VOCAB, dtype=jnp.int64 if jax.config.jax_enable_x64 else jnp.int32)
    lut = jax.random.normal(k2, (VOCAB, D_MODEL), dtype=jnp.float32)
    return {"x": x, "lut": lut}

def reference(x, lut):
    # Embedding lookup scaled by sqrt(d_model)
    emb = jnp.take(lut, x, axis=0)
    return emb * math.sqrt(D_MODEL)

if __name__ == "__main__":
    import jax
    _d = setup_inputs()
    print(jax.jit(kernel)(*tuple(_d.values())))

</pallas_src>

<mosaic_0001>
#map = affine_map<(d0, d1) -> (0, 0, 0)>
#map1 = affine_map<(d0, d1) -> (0, 0)>
#map2 = affine_map<(d0, d1) -> (0, 0, 0, 0, 0)>
module attributes {stable_mosaic.version = 14 : i64} {
  func.func @body(%arg0: i32, %arg1: i32, %arg2: memref<50x32x512xi32, #tpu.memory_space<hbm>>, %arg3: memref<1000000x64xf32, #tpu.memory_space<hbm>>, %arg4: memref<50x8x128x8x128xf32, #tpu.memory_space<hbm>>, %arg5: memref<128x64xf32, #tpu.memory_space<vmem>>, %arg6: memref<128x64xf32, #tpu.memory_space<vmem>>, %arg7: memref<128x64xf32, #tpu.memory_space<vmem>>, %arg8: memref<128x64xf32, #tpu.memory_space<vmem>>, %arg9: memref<128x64xf32, #tpu.memory_space<vmem>>, %arg10: memref<!tpu.dma_semaphore, #tpu.memory_space<semaphore_mem>>, %arg11: memref<!tpu.dma_semaphore, #tpu.memory_space<semaphore_mem>>, %arg12: memref<!tpu.dma_semaphore, #tpu.memory_space<semaphore_mem>>, %arg13: memref<!tpu.dma_semaphore, #tpu.memory_space<semaphore_mem>>, %arg14: memref<!tpu.dma_semaphore, #tpu.memory_space<semaphore_mem>>, %arg15: memref<50x512xi32, #tpu.memory_space<vmem>>, %arg16: memref<!tpu.dma_semaphore, #tpu.memory_space<semaphore_mem>>, %arg17: memref<!tpu.dma_semaphore, #tpu.memory_space<semaphore_mem>>, %arg18: memref<!tpu.dma_semaphore, #tpu.memory_space<semaphore_mem>>, %arg19: memref<!tpu.dma_semaphore, #tpu.memory_space<semaphore_mem>>, %arg20: memref<!tpu.dma_semaphore, #tpu.memory_space<semaphore_mem>>, %arg21: memref<8x8x128xf32, #tpu.memory_space<vmem>>, %arg22: memref<8x8x128xf32, #tpu.memory_space<vmem>>, %arg23: memref<8x8x128xf32, #tpu.memory_space<vmem>>, %arg24: memref<8x8x128xf32, #tpu.memory_space<vmem>>, %arg25: memref<8x8x128xf32, #tpu.memory_space<vmem>>) attributes {dimension_semantics = [#tpu.dimension_semantics<core_parallel>, #tpu.dimension_semantics<subcore_parallel>], iteration_bounds = array<i64: 2, 16>, scalar_prefetch = 0 : i64, scratch_operands = 21 : i64, tpu.core_type = #tpu.core_type<sc_vector_subcore>, window_params = [{transform_indices = #map}, {transform_indices = #map1}, {transform_indices = #map2}]} {
    %mul3A = arith.constant 2 : i32
    %mul3A_0 = arith.muli %arg1, %mul3A : i32
    %add3A = arith.addi %mul3A_0, %arg0 : i32
    "tpu.region"() ({
      %run_scoped3A = tpu.sem_alloc : memref<!tpu.dma_semaphore, #tpu.memory_space<semaphore_mem>>
      %dma_start3A_77 = arith.constant 0 : i32
      %dma_start3A_78 = arith.constant 0 : i32
      %dma_start3A_79 = tpu.memref_slice %arg2[%dma_start3A_77, %add3A, %dma_start3A_78] : memref<50x32x512xi32, #tpu.memory_space<hbm>> -> memref<50x1x512xi32, #tpu.memory_space<hbm>>
      %dma_start3A_80 = tpu.memref_squeeze %dma_start3A_79 : memref<50x1x512xi32, #tpu.memory_space<hbm>> -> memref<50x512xi32, #tpu.memory_space<hbm>>
      %dma_start3A_81 = arith.constant 0 : i32
      %dma_start3A_82 = arith.constant 0 : i32
      %dma_start3A_83 = tpu.memref_slice %arg2[%dma_start3A_81, %add3A, %dma_start3A_82] : memref<50x32x512xi32, #tpu.memory_space<hbm>> -> memref<50x1x512xi32, #tpu.memory_space<hbm>>
      %dma_start3A_84 = tpu.memref_squeeze %dma_start3A_83 : memref<50x1x512xi32, #tpu.memory_space<hbm>> -> memref<50x512xi32, #tpu.memory_space<hbm>>
      tpu.enqueue_dma source(%dma_start3A_84 : memref<50x512xi32, #tpu.memory_space<hbm>>) target(%arg15 : memref<50x512xi32, #tpu.memory_space<vmem>>) target_semaphore(%run_scoped3A : memref<!tpu.dma_semaphore, #tpu.memory_space<semaphore_mem>>)
      %dma_wait3A_85 = arith.constant 0 : i32
      %dma_wait3A_86 = arith.constant 0 : i32
      %dma_wait3A_87 = tpu.memref_slice %arg2[%dma_wait3A_85, %add3A, %dma_wait3A_86] : memref<50x32x512xi32, #tpu.memory_space<hbm>> -> memref<50x1x512xi32, #tpu.memory_space<hbm>>
      %dma_wait3A_88 = tpu.memref_squeeze %dma_wait3A_87 : memref<50x1x512xi32, #tpu.memory_space<hbm>> -> memref<50x512xi32, #tpu.memory_space<hbm>>
      %dma_wait3A_89 = arith.constant 0 : i32
      %dma_wait3A_90 = arith.constant 0 : i32
      %dma_wait3A_91 = tpu.memref_slice %arg2[%dma_wait3A_89, %add3A, %dma_wait3A_90] : memref<50x32x512xi32, #tpu.memory_space<hbm>> -> memref<50x1x512xi32, #tpu.memory_space<hbm>>
      %dma_wait3A_92 = tpu.memref_squeeze %dma_wait3A_91 : memref<50x1x512xi32, #tpu.memory_space<hbm>> -> memref<50x512xi32, #tpu.memory_space<hbm>>
      tpu.wait_dma2 semaphore(%run_scoped3A : memref<!tpu.dma_semaphore, #tpu.memory_space<semaphore_mem>>) src(%dma_wait3A_92 : memref<50x512xi32, #tpu.memory_space<hbm>>) dst(%arg15 : memref<50x512xi32, #tpu.memory_space<vmem>>)
      tpu.yield
    }) : () -> ()
    %iota3A = tpu.iota {dimensions = array<i32: 0>} : vector<16xi32>
    %add3A_1 = arith.constant 0 : i32
    %add3A_2 = vector.broadcast %add3A_1 : i32 to vector<16xi32>
    %add3A_3 = arith.addi %iota3A, %add3A_2 : vector<16xi32>
    %add3A_4 = arith.constant 16 : i32
    %add3A_5 = vector.broadcast %add3A_4 : i32 to vector<16xi32>
    %add3A_6 = arith.addi %iota3A, %add3A_5 : vector<16xi32>
    %add3A_7 = arith.constant 32 : i32
    %add3A_8 = vector.broadcast %add3A_7 : i32 to vector<16xi32>
    %add3A_9 = arith.addi %iota3A, %add3A_8 : vector<16xi32>
    %add3A_10 = arith.constant 48 : i32
    %add3A_11 = vector.broadcast %add3A_10 : i32 to vector<16xi32>
    %add3A_12 = arith.addi %iota3A, %add3A_11 : vector<16xi32>
    %add3A_13 = arith.constant 64 : i32
    %add3A_14 = vector.broadcast %add3A_13 : i32 to vector<16xi32>
    %add3A_15 = arith.addi %iota3A, %add3A_14 : vector<16xi32>
    %add3A_16 = arith.constant 80 : i32
    %add3A_17 = vector.broadcast %add3A_16 : i32 to vector<16xi32>
    %add3A_18 = arith.addi %iota3A, %add3A_17 : vector<16xi32>
    %add3A_19 = arith.constant 96 : i32
    %add3A_20 = vector.broadcast %add3A_19 : i32 to vector<16xi32>
    %add3A_21 = arith.addi %iota3A, %add3A_20 : vector<16xi32>
    %add3A_22 = arith.constant 112 : i32
    %add3A_23 = vector.broadcast %add3A_22 : i32 to vector<16xi32>
    %add3A_24 = arith.addi %iota3A, %add3A_23 : vector<16xi32>
    %dma_start3A = arith.constant 0 : i32
    %dma_start3A_25 = arith.constant 0 : i32
    %dma_start3A_26 = tpu.memref_slice %arg15[%dma_start3A, %dma_start3A_25] : memref<50x512xi32, #tpu.memory_space<vmem>> -> memref<1x128xi32, #tpu.memory_space<vmem>>
    %dma_start3A_27 = tpu.memref_squeeze %dma_start3A_26 : memref<1x128xi32, #tpu.memory_space<vmem>> -> memref<128xi32, #tpu.memory_space<vmem>>
    %dma_start3A_28 = arith.constant 0 : i32
    %dma_start3A_29 = arith.constant 0 : i32
    %dma_start3A_30 = tpu.memref_slice %arg3[%dma_start3A_28, %dma_start3A_29] : memref<1000000x64xf32, #tpu.memory_space<hbm>> -> memref<1000000x64xf32, #tpu.memory_space<hbm>>
    tpu.enqueue_indirect_dma source(%dma_start3A_30 : memref<1000000x64xf32, #tpu.memory_space<hbm>>) target(%arg5 : memref<128x64xf32, #tpu.memory_space<vmem>>) offsets(%dma_start3A_27 : memref<128xi32, #tpu.memory_space<vmem>>) semaphore(%arg10 : memref<!tpu.dma_semaphore, #tpu.memory_space<semaphore_mem>>)
    %dma_start3A_31 = arith.constant 1 : i32
    %dma_start3A_32 = arith.constant 0 : i32
    %dma_start3A_33 = tpu.memref_slice %arg15[%dma_start3A_31, %dma_start3A_32] : memref<50x512xi32, #tpu.memory_space<vmem>> -> memref<1x128xi32, #tpu.memory_space<vmem>>
    %dma_start3A_34 = tpu.memref_squeeze %dma_start3A_33 : memref<1x128xi32, #tpu.memory_space<vmem>> -> memref<128xi32, #tpu.memory_space<vmem>>
    %dma_start3A_35 = arith.constant 0 : i32
    %dma_start3A_36 = arith.constant 0 : i32
    %dma_start3A_37 = tpu.memref_slice %arg3[%dma_start3A_35, %dma_start3A_36] : memref<1000000x64xf32, #tpu.memory_space<hbm>> -> memref<1000000x64xf32, #tpu.memory_space<hbm>>
    tpu.enqueue_indirect_dma source(%dma_start3A_37 : memref<1000000x64xf32, #tpu.memory_space<hbm>>) target(%arg6 : memref<128x64xf32, #tpu.memory_space<vmem>>) offsets(%dma_start3A_34 : memref<128xi32, #tpu.memory_space<vmem>>) semaphore(%arg11 : memref<!tpu.dma_semaphore, #tpu.memory_space<semaphore_mem>>)
    %scan3A = arith.constant 0 : i32
    %scan3A_38 = arith.constant 40 : i32
    %scan3A_39 = arith.addi %scan3A, %scan3A_38 : i32
    %scan3A_40 = arith.constant 1 : i32
    scf.for %scan3A_77 = %scan3A to %scan3A_39 step %scan3A_40  : i32 {
      %mul3A_78 = arith.constant 5 : i32
      %mul3A_79 = arith.muli %scan3A_77, %mul3A_78 : i32
      %add3A_80 = arith.constant 0 : i32
      %add3A_81 = arith.addi %add3A_80, %mul3A_79 : i32
      %add3A_82 = arith.constant 0 : i32
      %add3A_83 = arith.addi %add3A_81, %add3A_82 : i32
      %ge3A = arith.constant 3 : i32
      %ge3A_84 = arith.cmpi sge, %add3A_83, %ge3A : i32
      %convert_element_type3A = arith.extui %ge3A_84 : i1 to i32
      %cond3A = arith.constant 0 : i32
      %cond3A_85 = arith.cmpi ne, %convert_element_type3A, %cond3A : i32
      scf.if %cond3A_85 {
        %dma_wait3A_400 = arith.constant 0 : i32
        %dma_wait3A_401 = arith.constant 0 : i32
        %dma_wait3A_402 = arith.constant 0 : i32
        %dma_wait3A_403 = arith.constant 0 : i32
        %dma_wait3A_404 = arith.constant 0 : i32
        %dma_wait3A_405 = tpu.memref_slice %arg4[%dma_wait3A_400, %dma_wait3A_402, %dma_wait3A_401, %dma_wait3A_403, %dma_wait3A_404] : memref<50x8x128x8x128xf32, #tpu.memory_space<hbm>> -> memref<1x8x1x8x128xf32, #tpu.memory_space<hbm>>
        %dma_wait3A_406 = tpu.memref_squeeze %dma_wait3A_405 : memref<1x8x1x8x128xf32, #tpu.memory_space<hbm>> -> memref<8x8x128xf32, #tpu.memory_space<hbm>>
        %dma_wait3A_407 = arith.constant 0 : i32
        %dma_wait3A_408 = arith.constant 0 : i32
        %dma_wait3A_409 = arith.constant 0 : i32
        %dma_wait3A_410 = tpu.memref_slice %arg4[%dma_wait3A_400, %dma_wait3A_407, %dma_wait3A_401, %dma_wait3A_408, %dma_wait3A_409] : memref<50x8x128x8x128xf32, #tpu.memory_space<hbm>> -> memref<1x8x1x8x128xf32, #tpu.memory_space<hbm>>
        %dma_wait3A_411 = tpu.memref_squeeze %dma_wait3A_410 : memref<1x8x1x8x128xf32, #tpu.memory_space<hbm>> -> memref<8x8x128xf32, #tpu.memory_space<hbm>>
        tpu.wait_dma2 semaphore(%arg18 : memref<!tpu.dma_semaphore, #tpu.memory_space<semaphore_mem>>) src(%arg23 : memref<8x8x128xf32, #tpu.memory_space<vmem>>) dst(%dma_wait3A_411 : memref<8x8x128xf32, #tpu.memory_space<hbm>>)
      } else {
      }
      %add3A_86 = arith.constant 2 : i32
      %add3A_87 = arith.addi %add3A_83, %add3A_86 : i32
      %lt3A = arith.constant 200 : i32
      %lt3A_88 = arith.cmpi slt, %add3A_87, %lt3A : i32
      %convert_element_type3A_89 = arith.extui %lt3A_88 : i1 to i32
      %cond3A_90 = arith.constant 0 : i32
      %cond3A_91 = arith.cmpi ne, %convert_element_type3A_89, %cond3A_90 : i32
      scf.if %cond3A_91 {
        %add3A_400 = arith.constant 2 : i32
        %add3A_401 = arith.addi %add3A_83, %add3A_400 : i32
        %jit3A_402 = arith.constant 50 : i32
        %div3A_403 = arith.divsi %add3A_401, %jit3A_402 : i32
        %sign3A_404 = arith.constant 0 : i32
        %sign3A_405 = arith.cmpi sgt, %add3A_401, %sign3A_404 : i32
        %sign3A_406 = arith.extui %sign3A_405 : i1 to i32
        %sign3A_407 = arith.constant 0 : i32
        %sign3A_408 = arith.cmpi slt, %add3A_401, %sign3A_407 : i32
        %sign3A_409 = arith.extui %sign3A_408 : i1 to i32
        %sign3A_410 = arith.subi %sign3A_406, %sign3A_409 : i32
        %sign3A_411 = arith.constant 0 : i32
        %sign3A_412 = arith.cmpi sgt, %jit3A_402, %sign3A_411 : i32
        %sign3A_413 = arith.extui %sign3A_412 : i1 to i32
        %sign3A_414 = arith.constant 0 : i32
        %sign3A_415 = arith.cmpi slt, %jit3A_402, %sign3A_414 : i32
        %sign3A_416 = arith.extui %sign3A_415 : i1 to i32
        %sign3A_417 = arith.subi %sign3A_413, %sign3A_416 : i32
        %ne3A_418 = arith.cmpi ne, %sign3A_410, %sign3A_417 : i32
        %rem3A_419 = arith.remsi %add3A_401, %jit3A_402 : i32
        %ne3A_420 = arith.constant 0 : i32
        %ne3A_421 = arith.cmpi ne, %rem3A_419, %ne3A_420 : i32
        %and3A_422 = arith.andi %ne3A_418, %ne3A_421 : i1
        %sub3A_423 = arith.constant 1 : i32
        %sub3A_424 = arith.subi %div3A_403, %sub3A_423 : i32
        %select_n3A_425 = arith.select %and3A_422, %sub3A_424, %div3A_403 : i32
        %mul3A_426 = arith.constant 50 : i32
        %mul3A_427 = arith.muli %select_n3A_425, %mul3A_426 : i32
        %sub3A_428 = arith.subi %add3A_401, %mul3A_427 : i32
        %mul3A_429 = arith.constant 128 : i32
        %mul3A_430 = arith.muli %select_n3A_425, %mul3A_429 : i32
        %dma_start3A_431 = tpu.memref_slice %arg15[%sub3A_428, %mul3A_430] : memref<50x512xi32, #tpu.memory_space<vmem>> -> memref<1x128xi32, #tpu.memory_space<vmem>>
        %dma_start3A_432 = tpu.memref_squeeze %dma_start3A_431 : memref<1x128xi32, #tpu.memory_space<vmem>> -> memref<128xi32, #tpu.memory_space<vmem>>
        %dma_start3A_433 = arith.constant 0 : i32
        %dma_start3A_434 = arith.constant 0 : i32
        %dma_start3A_435 = tpu.memref_slice %arg3[%dma_start3A_433, %dma_start3A_434] : memref<1000000x64xf32, #tpu.memory_space<hbm>> -> memref<1000000x64xf32, #tpu.memory_space<hbm>>
        tpu.enqueue_indirect_dma source(%dma_start3A_435 : memref<1000000x64xf32, #tpu.memory_space<hbm>>) target(%arg7 : memref<128x64xf32, #tpu.memory_space<vmem>>) offsets(%dma_start3A_432 : memref<128xi32, #tpu.memory_space<vmem>>) semaphore(%arg12 : memref<!tpu.dma_semaphore, #tpu.memory_space<semaphore_mem>>)
      } else {
      }
      %dma_wait3A_92 = arith.constant 0 : i32
      %dma_wait3A_93 = arith.constant 0 : i32
      %dma_wait3A_94 = tpu.memref_slice %arg15[%dma_wait3A_92, %dma_wait3A_93] : memref<50x512xi32, #tpu.memory_space<vmem>> -> memref<1x128xi32, #tpu.memory_space<vmem>>
      %dma_wait3A_95 = tpu.memref_squeeze %dma_wait3A_94 : memref<1x128xi32, #tpu.memory_space<vmem>> -> memref<128xi32, #tpu.memory_space<vmem>>
      %dma_wait3A_96 = arith.constant 0 : i32
      %dma_wait3A_97 = arith.constant 0 : i32
      %dma_wait3A_98 = tpu.memref_slice %arg3[%dma_wait3A_96, %dma_wait3A_97] : memref<1000000x64xf32, #tpu.memory_space<hbm>> -> memref<1000000x64xf32, #tpu.memory_space<hbm>>
      tpu.wait_indirect_dma semaphore(%arg10 : memref<!tpu.dma_semaphore, #tpu.memory_space<semaphore_mem>>) src(%dma_wait3A_98 : memref<1000000x64xf32, #tpu.memory_space<hbm>>) dst(%arg5 : memref<128x64xf32, #tpu.memory_space<vmem>>)
      %scan3A_99 = arith.constant 0 : i32
      %scan3A_100 = arith.constant 16 : i32
      %scan3A_101 = arith.addi %scan3A_99, %scan3A_100 : i32
      %scan3A_102 = arith.constant 1 : i32
      scf.for %scan3A_400 = %scan3A_99 to %scan3A_101 step %scan3A_102  : i32 {
        %mul3A_401 = arith.constant 1 : i32
        %mul3A_402 = arith.muli %scan3A_400, %mul3A_401 : i32
        %add3A_403 = arith.constant 0 : i32
        %add3A_404 = arith.addi %add3A_403, %mul3A_402 : i32
        %add3A_405 = vector.broadcast %add3A_404 : i32 to vector<16xi32>
        %add3A_406 = arith.addi %iota3A, %add3A_405 : vector<16xi32>
        %and3A_407 = arith.constant 15 : i32
        %and3A_408 = vector.broadcast %and3A_407 : i32 to vector<16xi32>
        %and3A_409 = arith.andi %add3A_406, %and3A_408 : vector<16xi32>
        %add3A_410 = arith.constant 0 : i32
        %add3A_411 = vector.broadcast %add3A_410 : i32 to vector<16xi32>
        %add3A_412 = arith.addi %and3A_409, %add3A_411 : vector<16xi32>
        %shift_right_logical3A = arith.constant 3 : i32
        %shift_right_logical3A_413 = vector.broadcast %shift_right_logical3A : i32 to vector<16xi32>
        %shift_right_logical3A_414 = arith.shrui %add3A_412, %shift_right_logical3A_413 : vector<16xi32>
        %and3A_415 = arith.constant 7 : i32
        %and3A_416 = vector.broadcast %and3A_415 : i32 to vector<16xi32>
        %and3A_417 = arith.andi %add3A_412, %and3A_416 : vector<16xi32>
        %gather3A = tpu.vector_load_idx %arg5[%add3A_3, %add3A_412] : memref<128x64xf32, #tpu.memory_space<vmem>>[vector<16xi32>, vector<16xi32>], vector<16xf32>,
        %gather3A_418 = tpu.vector_load_idx %arg5[%add3A_6, %add3A_412] : memref<128x64xf32, #tpu.memory_space<vmem>>[vector<16xi32>, vector<16xi32>], vector<16xf32>,
        %gather3A_419 = tpu.vector_load_idx %arg5[%add3A_9, %add3A_412] : memref<128x64xf32, #tpu.memory_space<vmem>>[vector<16xi32>, vector<16xi32>], vector<16xf32>,
        %gather3A_420 = tpu.vector_load_idx %arg5[%add3A_12, %add3A_412] : memref<128x64xf32, #tpu.memory_space<vmem>>[vector<16xi32>, vector<16xi32>], vector<16xf32>,
        %gather3A_421 = tpu.vector_load_idx %arg5[%add3A_15, %add3A_412] : memref<128x64xf32, #tpu.memory_space<vmem>>[vector<16xi32>, vector<16xi32>], vector<16xf32>,
        %gather3A_422 = tpu.vector_load_idx %arg5[%add3A_18, %add3A_412] : memref<128x64xf32, #tpu.memory_space<vmem>>[vector<16xi32>, vector<16xi32>], vector<16xf32>,
        %gather3A_423 = tpu.vector_load_idx %arg5[%add3A_21, %add3A_412] : memref<128x64xf32, #tpu.memory_space<vmem>>[vector<16xi32>, vector<16xi32>], vector<16xf32>,
        %gather3A_424 = tpu.vector_load_idx %arg5[%add3A_24, %add3A_412] : memref<128x64xf32, #tpu.memory_space<vmem>>[vector<16xi32>, vector<16xi32>], vector<16xf32>,
        %add3A_425 = arith.constant 16 : i32
        %add3A_426 = vector.broadcast %add3A_425 : i32 to vector<16xi32>
        %add3A_427 = arith.addi %and3A_409, %add3A_426 : vector<16xi32>
        %shift_right_logical3A_428 = arith.constant 3 : i32
        %shift_right_logical3A_429 = vector.broadcast %shift_right_logical3A_428 : i32 to vector<16xi32>
        %shift_right_logical3A_430 = arith.shrui %add3A_427, %shift_right_logical3A_429 : vector<16xi32>
        %and3A_431 = arith.constant 7 : i32
        %and3A_432 = vector.broadcast %and3A_431 : i32 to vector<16xi32>
        %and3A_433 = arith.andi %add3A_427, %and3A_432 : vector<16xi32>
        %gather3A_434 = tpu.vector_load_idx %arg5[%add3A_3, %add3A_427] : memref<128x64xf32, #tpu.memory_space<vmem>>[vector<16xi32>, vector<16xi32>], vector<16xf32>,
        %gather3A_435 = tpu.vector_load_idx %arg5[%add3A_6, %add3A_427] : memref<128x64xf32, #tpu.memory_space<vmem>>[vector<16xi32>, vector<16xi32>], vector<16xf32>,
        %gather3A_436 = tpu.vector_load_idx %arg5[%add3A_9, %add3A_427] : memref<128x64xf32, #tpu.memory_space<vmem>>[vector<16xi32>, vector<16xi32>], vector<16xf32>,
        %gather3A_437 = tpu.vector_load_idx %arg5[%add3A_12, %add3A_427] : memref<128x64xf32, #tpu.memory_space<vmem>>[vector<16xi32>, vector<16xi32>], vector<16xf32>,
        %gather3A_438 = tpu.vector_load_idx %arg5[%add3A_15, %add3A_427] : memref<128x64xf32, #tpu.memory_space<vmem>>[vector<16xi32>, vector<16xi32>], vector<16xf32>,
        %gather3A_439 = tpu.vector_load_idx %arg5[%add3A_18, %add3A_427] : memref<128x64xf32, #tpu.memory_space<vmem>>[vector<16xi32>, vector<16xi32>], vector<16xf32>,
        %gather3A_440 = tpu.vector_load_idx %arg5[%add3A_21, %add3A_427] : memref<128x64xf32, #tpu.memory_space<vmem>>[vector<16xi32>, vector<16xi32>], vector<16xf32>,
        %gather3A_441 = tpu.vector_load_idx %arg5[%add3A_24, %add3A_427] : memref<128x64xf32, #tpu.memory_space<vmem>>[vector<16xi32>, vector<16xi32>], vector<16xf32>,
        %add3A_442 = arith.constant 32 : i32
        %add3A_443 = vector.broadcast %add3A_442 : i32 to vector<16xi32>
        %add3A_444 = arith.addi %and3A_409, %add3A_443 : vector<16xi32>
        %shift_right_logical3A_445 = arith.constant 3 : i32
        %shift_right_logical3A_446 = vector.broadcast %shift_right_logical3A_445 : i32 to vector<16xi32>
        %shift_right_logical3A_447 = arith.shrui %add3A_444, %shift_right_logical3A_446 : vector<16xi32>
        %and3A_448 = arith.constant 7 : i32
        %and3A_449 = vector.broadcast %and3A_448 : i32 to vector<16xi32>
        %and3A_450 = arith.andi %add3A_444, %and3A_449 : vector<16xi32>
        %gather3A_451 = tpu.vector_load_idx %arg5[%add3A_3, %add3A_444] : memref<128x64xf32, #tpu.memory_space<vmem>>[vector<16xi32>, vector<16xi32>], vector<16xf32>,
        %gather3A_452 = tpu.vector_load_idx %arg5[%add3A_6, %add3A_444] : memref<128x64xf32, #tpu.memory_space<vmem>>[vector<16xi32>, vector<16xi32>], vector<16xf32>,
        %gather3A_453 = tpu.vector_load_idx %arg5[%add3A_9, %add3A_444] : memref<128x64xf32, #tpu.memory_space<vmem>>[vector<16xi32>, vector<16xi32>], vector<16xf32>,
        %gather3A_454 = tpu.vector_load_idx %arg5[%add3A_12, %add3A_444] : memref<128x64xf32, #tpu.memory_space<vmem>>[vector<16xi32>, vector<16xi32>], vector<16xf32>,
        %gather3A_455 = tpu.vector_load_idx %arg5[%add3A_15, %add3A_444] : memref<128x64xf32, #tpu.memory_space<vmem>>[vector<16xi32>, vector<16xi32>], vector<16xf32>,
        %gather3A_456 = tpu.vector_load_idx %arg5[%add3A_18, %add3A_444] : memref<128x64xf32, #tpu.memory_space<vmem>>[vector<16xi32>, vector<16xi32>], vector<16xf32>,
        %gather3A_457 = tpu.vector_load_idx %arg5[%add3A_21, %add3A_444] : memref<128x64xf32, #tpu.memory_space<vmem>>[vector<16xi32>, vector<16xi32>], vector<16xf32>,
        %gather3A_458 = tpu.vector_load_idx %arg5[%add3A_24, %add3A_444] : memref<128x64xf32, #tpu.memory_space<vmem>>[vector<16xi32>, vector<16xi32>], vector<16xf32>,
        %add3A_459 = arith.constant 48 : i32
        %add3A_460 = vector.broadcast %add3A_459 : i32 to vector<16xi32>
        %add3A_461 = arith.addi %and3A_409, %add3A_460 : vector<16xi32>
        %shift_right_logical3A_462 = arith.constant 3 : i32
        %shift_right_logical3A_463 = vector.broadcast %shift_right_logical3A_462 : i32 to vector<16xi32>
        %shift_right_logical3A_464 = arith.shrui %add3A_461, %shift_right_logical3A_463 : vector<16xi32>
        %and3A_465 = arith.constant 7 : i32
        %and3A_466 = vector.broadcast %and3A_465 : i32 to vector<16xi32>
        %and3A_467 = arith.andi %add3A_461, %and3A_466 : vector<16xi32>
        %gather3A_468 = tpu.vector_load_idx %arg5[%add3A_3, %add3A_461] : memref<128x64xf32, #tpu.memory_space<vmem>>[vector<16xi32>, vector<16xi32>], vector<16xf32>,
        %gather3A_469 = tpu.vector_load_idx %arg5[%add3A_6, %add3A_461] : memref<128x64xf32, #tpu.memory_space<vmem>>[vector<16xi32>, vector<16xi32>], vector<16xf32>,
        %gather3A_470 = tpu.vector_load_idx %arg5[%add3A_9, %add3A_461] : memref<128x64xf32, #tpu.memory_space<vmem>>[vector<16xi32>, vector<16xi32>], vector<16xf32>,
        %gather3A_471 = tpu.vector_load_idx %arg5[%add3A_12, %add3A_461] : memref<128x64xf32, #tpu.memory_space<vmem>>[vector<16xi32>, vector<16xi32>], vector<16xf32>,
        %gather3A_472 = tpu.vector_load_idx %arg5[%add3A_15, %add3A_461] : memref<128x64xf32, #tpu.memory_space<vmem>>[vector<16xi32>, vector<16xi32>], vector<16xf32>,
        %gather3A_473 = tpu.vector_load_idx %arg5[%add3A_18, %add3A_461] : memref<128x64xf32, #tpu.memory_space<vmem>>[vector<16xi32>, vector<16xi32>], vector<16xf32>,
        %gather3A_474 = tpu.vector_load_idx %arg5[%add3A_21, %add3A_461] : memref<128x64xf32, #tpu.memory_space<vmem>>[vector<16xi32>, vector<16xi32>], vector<16xf32>,
        %gather3A_475 = tpu.vector_load_idx %arg5[%add3A_24, %add3A_461] : memref<128x64xf32, #tpu.memory_space<vmem>>[vector<16xi32>, vector<16xi32>], vector<16xf32>,
        %mul3A_476 = arith.constant 8.000000e+00 : f32
        %mul3A_477 = vector.broadcast %mul3A_476 : f32 to vector<16xf32>
        %mul3A_478 = arith.mulf %gather3A, %mul3A_477 : vector<16xf32>
        tpu.vector_store_idx %arg21[%shift_right_logical3A_414, %and3A_417, %add3A_3], %mul3A_478 : memref<8x8x128xf32, #tpu.memory_space<vmem>>[vector<16xi32>, vector<16xi32>, vector<16xi32>], vector<16xf32>,
        %mul3A_479 = arith.constant 8.000000e+00 : f32
        %mul3A_480 = vector.broadcast %mul3A_479 : f32 to vector<16xf32>
        %mul3A_481 = arith.mulf %gather3A_418, %mul3A_480 : vector<16xf32>
        tpu.vector_store_idx %arg21[%shift_right_logical3A_414, %and3A_417, %add3A_6], %mul3A_481 : memref<8x8x128xf32, #tpu.memory_space<vmem>>[vector<16xi32>, vector<16xi32>, vector<16xi32>], vector<16xf32>,
        %mul3A_482 = arith.constant 8.000000e+00 : f32
        %mul3A_483 = vector.broadcast %mul3A_482 : f32 to vector<16xf32>
        %mul3A_484 = arith.mulf %gather3A_419, %mul3A_483 : vector<16xf32>
        tpu.vector_store_idx %arg21[%shift_right_logical3A_414, %and3A_417, %add3A_9], %mul3A_484 : memref<8x8x128xf32, #tpu.memory_space<vmem>>[vector<16xi32>, vector<16xi32>, vector<16xi32>], vector<16xf32>,
        %mul3A_485 = arith.constant 8.000000e+00 : f32
        %mul3A_486 = vector.broadcast %mul3A_485 : f32 to vector<16xf32>
        %mul3A_487 = arith.mulf %gather3A_420, %mul3A_486 : vector<16xf32>
        tpu.vector_store_idx %arg21[%shift_right_logical3A_414, %and3A_417, %add3A_12], %mul3A_487 : memref<8x8x128xf32, #tpu.memory_space<vmem>>[vector<16xi32>, vector<16xi32>, vector<16xi32>], vector<16xf32>,
        %mul3A_488 = arith.constant 8.000000e+00 : f32
        %mul3A_489 = vector.broadcast %mul3A_488 : f32 to vector<16xf32>
        %mul3A_490 = arith.mulf %gather3A_421, %mul3A_489 : vector<16xf32>
        tpu.vector_store_idx %arg21[%shift_right_logical3A_414, %and3A_417, %add3A_15], %mul3A_490 : memref<8x8x128xf32, #tpu.memory_space<vmem>>[vector<16xi32>, vector<16xi32>, vector<16xi32>], vector<16xf32>,
        %mul3A_491 = arith.constant 8.000000e+00 : f32
        %mul3A_492 = vector.broadcast %mul3A_491 : f32 to vector<16xf32>
        %mul3A_493 = arith.mulf %gather3A_422, %mul3A_492 : vector<16xf32>
        tpu.vector_store_idx %arg21[%shift_right_logical3A_414, %and3A_417, %add3A_18], %mul3A_493 : memref<8x8x128xf32, #tpu.memory_space<vmem>>[vector<16xi32>, vector<16xi32>, vector<16xi32>], vector<16xf32>,
        %mul3A_494 = arith.constant 8.000000e+00 : f32
        %mul3A_495 = vector.broadcast %mul3A_494 : f32 to vector<16xf32>
        %mul3A_496 = arith.mulf %gather3A_423, %mul3A_495 : vector<16xf32>
        tpu.vector_store_idx %arg21[%shift_right_logical3A_414, %and3A_417, %add3A_21], %mul3A_496 : memref<8x8x128xf32, #tpu.memory_space<vmem>>[vector<16xi32>, vector<16xi32>, vector<16xi32>], vector<16xf32>,
        %mul3A_497 = arith.constant 8.000000e+00 : f32
        %mul3A_498 = vector.broadcast %mul3A_497 : f32 to vector<16xf32>
        %mul3A_499 = arith.mulf %gather3A_424, %mul3A_498 : vector<16xf32>
        tpu.vector_store_idx %arg21[%shift_right_logical3A_414, %and3A_417, %add3A_24], %mul3A_499 : memref<8x8x128xf32, #tpu.memory_space<vmem>>[vector<16xi32>, vector<16xi32>, vector<16xi32>], vector<16xf32>,
        %mul3A_500 = arith.constant 8.000000e+00 : f32
        %mul3A_501 = vector.broadcast %mul3A_500 : f32 to vector<16xf32>
        %mul3A_502 = arith.mulf %gather3A_434, %mul3A_501 : vector<16xf32>
        tpu.vector_store_idx %arg21[%shift_right_logical3A_430, %and3A_433, %add3A_3], %mul3A_502 : memref<8x8x128xf32, #tpu.memory_space<vmem>>[vector<16xi32>, vector<16xi32>, vector<16xi32>], vector<16xf32>,
        %mul3A_503 = arith.constant 8.000000e+00 : f32
        %mul3A_504 = vector.broadcast %mul3A_503 : f32 to vector<16xf32>
        %mul3A_505 = arith.mulf %gather3A_435, %mul3A_504 : vector<16xf32>
        tpu.vector_store_idx %arg21[%shift_right_logical3A_430, %and3A_433, %add3A_6], %mul3A_505 : memref<8x8x128xf32, #tpu.memory_space<vmem>>[vector<16xi32>, vector<16xi32>, vector<16xi32>], vector<16xf32>,
        %mul3A_506 = arith.constant 8.000000e+00 : f32
        %mul3A_507 = vector.broadcast %mul3A_506 : f32 to vector<16xf32>
        %mul3A_508 = arith.mulf %gather3A_436, %mul3A_507 : vector<16xf32>
        tpu.vector_store_idx %arg21[%shift_right_logical3A_430, %and3A_433, %add3A_9], %mul3A_508 : memref<8x8x128xf32, #tpu.memory_space<vmem>>[vector<16xi32>, vector<16xi32>, vector<16xi32>], vector<16xf32>,
        %mul3A_509 = arith.constant 8.000000e+00 : f32
        %mul3A_510 = vector.broadcast %mul3A_509 : f32 to vector<16xf32>
        %mul3A_511 = arith.mulf %gather3A_437, %mul3A_510 : vector<16xf32>
        tpu.vector_store_idx %arg21[%shift_right_logical3A_430, %and3A_433, %add3A_12], %mul3A_511 : memref<8x8x128xf32, #tpu.memory_space<vmem>>[vector<16xi32>, vector<16xi32>, vector<16xi32>], vector<16xf32>,
        %mul3A_512 = arith.constant 8.000000e+00 : f32
        %mul3A_513 = vector.broadcast %mul3A_512 : f32 to vector<16xf32>
        %mul3A_514 = arith.mulf %gather3A_438, %mul3A_513 : vector<16xf32>
        tpu.vector_store_idx %arg21[%shift_right_logical3A_430, %and3A_433, %add3A_15], %mul3A_514 : memref<8x8x128xf32, #tpu.memory_space<vmem>>[vector<16xi32>, vector<16xi32>, vector<16xi32>], vector<16xf32>,
        %mul3A_515 = arith.constant 8.000000e+00 : f32
        %mul3A_516 = vector.broadcast %mul3A_515 : f32 to vector<16xf32>
        %mul3A_517 = arith.mulf %gather3A_439, %mul3A_516 : vector<16xf32>
        tpu.vector_store_idx %arg21[%shift_right_logical3A_430, %and3A_433, %add3A_18], %mul3A_517 : memref<8x8x128xf32, #tpu.memory_space<vmem>>[vector<16xi32>, vector<16xi32>, vector<16xi32>], vector<16xf32>,
        %mul3A_518 = arith.constant 8.000000e+00 : f32
        %mul3A_519 = vector.broadcast %mul3A_518 : f32 to vector<16xf32>
        %mul3A_520 = arith.mulf %gather3A_440, %mul3A_519 : vector<16xf32>
        tpu.vector_store_idx %arg21[%shift_right_logical3A_430, %and3A_433, %add3A_21], %mul3A_520 : memref<8x8x128xf32, #tpu.memory_space<vmem>>[vector<16xi32>, vector<16xi32>, vector<16xi32>], vector<16xf32>,
        %mul3A_521 = arith.constant 8.000000e+00 : f32
        %mul3A_522 = vector.broadcast %mul3A_521 : f32 to vector<16xf32>
        %mul3A_523 = arith.mulf %gather3A_441, %mul3A_522 : vector<16xf32>
        tpu.vector_store_idx %arg21[%shift_right_logical3A_430, %and3A_433, %add3A_24], %mul3A_523 : memref<8x8x128xf32, #tpu.memory_space<vmem>>[vector<16xi32>, vector<16xi32>, vector<16xi32>], vector<16xf32>,
        %mul3A_524 = arith.constant 8.000000e+00 : f32
        %mul3A_525 = vector.broadcast %mul3A_524 : f32 to vector<16xf32>
        %mul3A_526 = arith.mulf %gather3A_451, %mul3A_525 : vector<16xf32>
        tpu.vector_store_idx %arg21[%shift_right_logical3A_447, %and3A_450, %add3A_3], %mul3A_526 : memref<8x8x128xf32, #tpu.memory_space<vmem>>[vector<16xi32>, vector<16xi32>, vector<16xi32>], vector<16xf32>,
        %mul3A_527 = arith.constant 8.000000e+00 : f32
        %mul3A_528 = vector.broadcast %mul3A_527 : f32 to vector<16xf32>
        %mul3A_529 = arith.mulf %gather3A_452, %mul3A_528 : vector<16xf32>
        tpu.vector_store_idx %arg21[%shift_right_logical3A_447, %and3A_450, %add3A_6], %mul3A_529 : memref<8x8x128xf32, #tpu.memory_space<vmem>>[vector<16xi32>, vector<16xi32>, vector<16xi32>], vector<16xf32>,
        %mul3A_530 = arith.constant 8.000000e+00 : f32
        %mul3A_531 = vector.broadcast %mul3A_530 : f32 to vector<16xf32>
        %mul3A_532 = arith.mulf %gather3A_453, %mul3A_531 : vector<16xf32>
        tpu.vector_store_idx %arg21[%shift_right_logical3A_447, %and3A_450, %add3A_9], %mul3A_532 : memref<8x8x128xf32, #tpu.memory_space<vmem>>[vector<16xi32>, vector<16xi32>, vector<16xi32>], vector<16xf32>,
        %mul3A_533 = arith.constant 8.000000e+00 : f32
        %mul3A_534 = vector.broadcast %mul3A_533 : f32 to vector<16xf32>
        %mul3A_535 = arith.mulf %gather3A_454, %mul3A_534 : vector<16xf32>
        tpu.vector_store_idx %arg21[%shift_right_logical3A_447, %and3A_450, %add3A_12], %mul3A_535 : memref<8x8x128xf32, #tpu.memory_space<vmem>>[vector<16xi32>, vector<16xi32>, vector<16xi32>], vector<16xf32>,
        %mul3A_536 = arith.constant 8.000000e+00 : f32
        %mul3A_537 = vector.broadcast %mul3A_536 : f32 to vector<16xf32>
        %mul3A_538 = arith.mulf %gather3A_455, %mul3A_537 : vector<16xf32>
        tpu.vector_store_idx %arg21[%shift_right_logical3A_447, %and3A_450, %add3A_15], %mul3A_538 : memref<8x8x128xf32, #tpu.memory_space<vmem>>[vector<16xi32>, vector<16xi32>, vector<16xi32>], vector<16xf32>,
        %mul3A_539 = arith.constant 8.000000e+00 : f32
        %mul3A_540 = vector.broadcast %mul3A_539 : f32 to vector<16xf32>
        %mul3A_541 = arith.mulf %gather3A_456, %mul3A_540 : vector<16xf32>
        tpu.vector_store_idx %arg21[%shift_right_logical3A_447, %and3A_450, %add3A_18], %mul3A_541 : memref<8x8x128xf32, #tpu.memory_space<vmem>>[vector<16xi32>, vector<16xi32>, vector<16xi32>], vector<16xf32>,
        %mul3A_542 = arith.constant 8.000000e+00 : f32
        %mul3A_543 = vector.broadcast %mul3A_542 : f32 to vector<16xf32>
        %mul3A_544 = arith.mulf %gather3A_457, %mul3A_543 : vector<16xf32>
        tpu.vector_store_idx %arg21[%shift_right_logical3A_447, %and3A_450, %add3A_21], %mul3A_544 : memref<8x8x128xf32, #tpu.memory_space<vmem>>[vector<16xi32>, vector<16xi32>, vector<16xi32>], vector<16xf32>,
        %mul3A_545 = arith.constant 8.000000e+00 : f32
        %mul3A_546 = vector.broadcast %mul3A_545 : f32 to vector<16xf32>
        %mul3A_547 = arith.mulf %gather3A_458, %mul3A_546 : vector<16xf32>
        tpu.vector_store_idx %arg21[%shift_right_logical3A_447, %and3A_450, %add3A_24], %mul3A_547 : memref<8x8x128xf32, #tpu.memory_space<vmem>>[vector<16xi32>, vector<16xi32>, vector<16xi32>], vector<16xf32>,
        %mul3A_548 = arith.constant 8.000000e+00 : f32
        %mul3A_549 = vector.broadcast %mul3A_548 : f32 to vector<16xf32>
        %mul3A_550 = arith.mulf %gather3A_468, %mul3A_549 : vector<16xf32>
        tpu.vector_store_idx %arg21[%shift_right_logical3A_464, %and3A_467, %add3A_3], %mul3A_550 : memref<8x8x128xf32, #tpu.memory_space<vmem>>[vector<16xi32>, vector<16xi32>, vector<16xi32>], vector<16xf32>,
        %mul3A_551 = arith.constant 8.000000e+00 : f32
        %mul3A_552 = vector.broadcast %mul3A_551 : f32 to vector<16xf32>
        %mul3A_553 = arith.mulf %gather3A_469, %mul3A_552 : vector<16xf32>
        tpu.vector_store_idx %arg21[%shift_right_logical3A_464, %and3A_467, %add3A_6], %mul3A_553 : memref<8x8x128xf32, #tpu.memory_space<vmem>>[vector<16xi32>, vector<16xi32>, vector<16xi32>], vector<16xf32>,
        %mul3A_554 = arith.constant 8.000000e+00 : f32
        %mul3A_555 = vector.broadcast %mul3A_554 : f32 to vector<16xf32>
        %mul3A_556 = arith.mulf %gather3A_470, %mul3A_555 : vector<16xf32>
        tpu.vector_store_idx %arg21[%shift_right_logical3A_464, %and3A_467, %add3A_9], %mul3A_556 : memref<8x8x128xf32, #tpu.memory_space<vmem>>[vector<16xi32>, vector<16xi32>, vector<16xi32>], vector<16xf32>,
        %mul3A_557 = arith.constant 8.000000e+00 : f32
        %mul3A_558 = vector.broadcast %mul3A_557 : f32 to vector<16xf32>
        %mul3A_559 = arith.mulf %gather3A_471, %mul3A_558 : vector<16xf32>
        tpu.vector_store_idx %arg21[%shift_right_logical3A_464, %and3A_467, %add3A_12], %mul3A_559 : memref<8x8x128xf32, #tpu.memory_space<vmem>>[vector<16xi32>, vector<16xi32>, vector<16xi32>], vector<16xf32>,
        %mul3A_560 = arith.constant 8.000000e+00 : f32
        %mul3A_561 = vector.broadcast %mul3A_560 : f32 to vector<16xf32>
        %mul3A_562 = arith.mulf %gather3A_472, %mul3A_561 : vector<16xf32>
        tpu.vector_store_idx %arg21[%shift_right_logical3A_464, %and3A_467, %add3A_15], %mul3A_562 : memref<8x8x128xf32, #tpu.memory_space<vmem>>[vector<16xi32>, vector<16xi32>, vector<16xi32>], vector<16xf32>,
        %mul3A_563 = arith.constant 8.000000e+00 : f32
        %mul3A_564 = vector.broadcast %mul3A_563 : f32 to vector<16xf32>
        %mul3A_565 = arith.mulf %gather3A_473, %mul3A_564 : vector<16xf32>
        tpu.vector_store_idx %arg21[%shift_right_logical3A_464, %and3A_467, %add3A_18], %mul3A_565 : memref<8x8x128xf32, #tpu.memory_space<vmem>>[vector<16xi32>, vector<16xi32>, vector<16xi32>], vector<16xf32>,
        %mul3A_566 = arith.constant 8.000000e+00 : f32
        %mul3A_567 = vector.broadcast %mul3A_566 : f32 to vector<16xf32>
        %mul3A_568 = arith.mulf %gather3A_474, %mul3A_567 : vector<16xf32>
        tpu.vector_store_idx %arg21[%shift_right_logical3A_464, %and3A_467, %add3A_21], %mul3A_568 : memref<8x8x128xf32, #tpu.memory_space<vmem>>[vector<16xi32>, vector<16xi32>, vector<16xi32>], vector<16xf32>,
        %mul3A_569 = arith.constant 8.000000e+00 : f32
        %mul3A_570 = vector.broadcast %mul3A_569 : f32 to vector<16xf32>
        %mul3A_571 = arith.mulf %gather3A_475, %mul3A_570 : vector<16xf32>
        tpu.vector_store_idx %arg21[%shift_right_logical3A_464, %and3A_467, %add3A_24], %mul3A_571 : memref<8x8x128xf32, #tpu.memory_space<vmem>>[vector<16xi32>, vector<16xi32>, vector<16xi32>], vector<16xf32>,
      }
      %scan3A_103 = arith.constant 16 : i32
      %jit3A = arith.constant 50 : i32
      %div3A = arith.divsi %add3A_83, %jit3A : i32
      %sign3A = arith.constant 0 : i32
      %sign3A_104 = arith.cmpi sgt, %add3A_83, %sign3A : i32
      %sign3A_105 = arith.extui %sign3A_104 : i1 to i32
      %sign3A_106 = arith.constant 0 : i32
      %sign3A_107 = arith.cmpi slt, %add3A_83, %sign3A_106 : i32
      %sign3A_108 = arith.extui %sign3A_107 : i1 to i32
      %sign3A_109 = arith.subi %sign3A_105, %sign3A_108 : i32
      %sign3A_110 = arith.constant 0 : i32
      %sign3A_111 = arith.cmpi sgt, %jit3A, %sign3A_110 : i32
      %sign3A_112 = arith.extui %sign3A_111 : i1 to i32
      %sign3A_113 = arith.constant 0 : i32
      %sign3A_114 = arith.cmpi slt, %jit3A, %sign3A_113 : i32
      %sign3A_115 = arith.extui %sign3A_114 : i1 to i32
      %sign3A_116 = arith.subi %sign3A_112, %sign3A_115 : i32
      %ne3A = arith.cmpi ne, %sign3A_109, %sign3A_116 : i32
      %rem3A = arith.remsi %add3A_83, %jit3A : i32
      %ne3A_117 = arith.constant 0 : i32
      %ne3A_118 = arith.cmpi ne, %rem3A, %ne3A_117 : i32
      %and3A = arith.andi %ne3A, %ne3A_118 : i1
      %sub3A = arith.constant 1 : i32
      %sub3A_119 = arith.subi %div3A, %sub3A : i32
      %select_n3A = arith.select %and3A, %sub3A_119, %div3A : i32
      %mul3A_120 = arith.constant 50 : i32
      %mul3A_121 = arith.muli %select_n3A, %mul3A_120 : i32
      %sub3A_122 = arith.subi %add3A_83, %mul3A_121 : i32
      %mul3A_123 = arith.constant 4 : i32
      %mul3A_124 = arith.muli %add3A, %mul3A_123 : i32
      %add3A_125 = arith.addi %mul3A_124, %select_n3A : i32
      %dma_start3A_126 = arith.constant 0 : i32
      %dma_start3A_127 = arith.constant 0 : i32
      %dma_start3A_128 = arith.constant 0 : i32
      %dma_start3A_129 = tpu.memref_slice %arg4[%sub3A_122, %dma_start3A_126, %add3A_125, %dma_start3A_127, %dma_start3A_128] : memref<50x8x128x8x128xf32, #tpu.memory_space<hbm>> -> memref<1x8x1x8x128xf32, #tpu.memory_space<hbm>>
      %dma_start3A_130 = tpu.memref_squeeze %dma_start3A_129 : memref<1x8x1x8x128xf32, #tpu.memory_space<hbm>> -> memref<8x8x128xf32, #tpu.memory_space<hbm>>
      %dma_start3A_131 = arith.constant 0 : i32
      %dma_start3A_132 = arith.constant 0 : i32
      %dma_start3A_133 = arith.constant 0 : i32
      %dma_start3A_134 = tpu.memref_slice %arg4[%sub3A_122, %dma_start3A_131, %add3A_125, %dma_start3A_132, %dma_start3A_133] : memref<50x8x128x8x128xf32, #tpu.memory_space<hbm>> -> memref<1x8x1x8x128xf32, #tpu.memory_space<hbm>>
      %dma_start3A_135 = tpu.memref_squeeze %dma_start3A_134 : memref<1x8x1x8x128xf32, #tpu.memory_space<hbm>> -> memref<8x8x128xf32, #tpu.memory_space<hbm>>
      tpu.enqueue_dma source(%arg21 : memref<8x8x128xf32, #tpu.memory_space<vmem>>) target(%dma_start3A_135 : memref<8x8x128xf32, #tpu.memory_space<hbm>>) target_semaphore(%arg16 : memref<!tpu.dma_semaphore, #tpu.memory_space<semaphore_mem>>)
      %add3A_136 = arith.constant 1 : i32
      %add3A_137 = arith.addi %add3A_81, %add3A_136 : i32
      %ge3A_138 = arith.constant 3 : i32
      %ge3A_139 = arith.cmpi sge, %add3A_137, %ge3A_138 : i32
      %convert_element_type3A_140 = arith.extui %ge3A_139 : i1 to i32
      %cond3A_141 = arith.constant 0 : i32
      %cond3A_142 = arith.cmpi ne, %convert_element_type3A_140, %cond3A_141 : i32
      scf.if %cond3A_142 {
        %dma_wait3A_400 = arith.constant 0 : i32
        %dma_wait3A_401 = arith.constant 0 : i32
        %dma_wait3A_402 = arith.constant 0 : i32
        %dma_wait3A_403 = arith.constant 0 : i32
        %dma_wait3A_404 = arith.constant 0 : i32
        %dma_wait3A_405 = tpu.memref_slice %arg4[%dma_wait3A_400, %dma_wait3A_402, %dma_wait3A_401, %dma_wait3A_403, %dma_wait3A_404] : memref<50x8x128x8x128xf32, #tpu.memory_space<hbm>> -> memref<1x8x1x8x128xf32, #tpu.memory_space<hbm>>
        %dma_wait3A_406 = tpu.memref_squeeze %dma_wait3A_405 : memref<1x8x1x8x128xf32, #tpu.memory_space<hbm>> -> memref<8x8x128xf32, #tpu.memory_space<hbm>>
        %dma_wait3A_407 = arith.constant 0 : i32
        %dma_wait3A_408 = arith.constant 0 : i32
        %dma_wait3A_409 = arith.constant 0 : i32
        %dma_wait3A_410 = tpu.memref_slice %arg4[%dma_wait3A_400, %dma_wait3A_407, %dma_wait3A_401, %dma_wait3A_408, %dma_wait3A_409] : memref<50x8x128x8x128xf32, #tpu.memory_space<hbm>> -> memref<1x8x1x8x128xf32, #tpu.memory_space<hbm>>
        %dma_wait3A_411 = tpu.memref_squeeze %dma_wait3A_410 : memref<1x8x1x8x128xf32, #tpu.memory_space<hbm>> -> memref<8x8x128xf32, #tpu.memory_space<hbm>>
        tpu.wait_dma2 semaphore(%arg19 : memref<!tpu.dma_semaphore, #tpu.memory_space<semaphore_mem>>) src(%arg24 : memref<8x8x128xf32, #tpu.memory_space<vmem>>) dst(%dma_wait3A_411 : memref<8x8x128xf32, #tpu.memory_space<hbm>>)
      } else {
      }
      %add3A_143 = arith.constant 2 : i32
      %add3A_144 = arith.addi %add3A_137, %add3A_143 : i32
      %lt3A_145 = arith.constant 200 : i32
      %lt3A_146 = arith.cmpi slt, %add3A_144, %lt3A_145 : i32
      %convert_element_type3A_147 = arith.extui %lt3A_146 : i1 to i32
      %cond3A_148 = arith.constant 0 : i32
      %cond3A_149 = arith.cmpi ne, %convert_element_type3A_147, %cond3A_148 : i32
      scf.if %cond3A_149 {
        %add3A_400 = arith.constant 2 : i32
        %add3A_401 = arith.addi %add3A_137, %add3A_400 : i32
        %jit3A_402 = arith.constant 50 : i32
        %div3A_403 = arith.divsi %add3A_401, %jit3A_402 : i32
        %sign3A_404 = arith.constant 0 : i32
        %sign3A_405 = arith.cmpi sgt, %add3A_401, %sign3A_404 : i32
        %sign3A_406 = arith.extui %sign3A_405 : i1 to i32
        %sign3A_407 = arith.constant 0 : i32
        %sign3A_408 = arith.cmpi slt, %add3A_401, %sign3A_407 : i32
        %sign3A_409 = arith.extui %sign3A_408 : i1 to i32
        %sign3A_410 = arith.subi %sign3A_406, %sign3A_409 : i32
        %sign3A_411 = arith.constant 0 : i32
        %sign3A_412 = arith.cmpi sgt, %jit3A_402, %sign3A_411 : i32
        %sign3A_413 = arith.extui %sign3A_412 : i1 to i32
        %sign3A_414 = arith.constant 0 : i32
        %sign3A_415 = arith.cmpi slt, %jit3A_402, %sign3A_414 : i32
        %sign3A_416 = arith.extui %sign3A_415 : i1 to i32
        %sign3A_417 = arith.subi %sign3A_413, %sign3A_416 : i32
        %ne3A_418 = arith.cmpi ne, %sign3A_410, %sign3A_417 : i32
        %rem3A_419 = arith.remsi %add3A_401, %jit3A_402 : i32
        %ne3A_420 = arith.constant 0 : i32
        %ne3A_421 = arith.cmpi ne, %rem3A_419, %ne3A_420 : i32
        %and3A_422 = arith.andi %ne3A_418, %ne3A_421 : i1
        %sub3A_423 = arith.constant 1 : i32
        %sub3A_424 = arith.subi %div3A_403, %sub3A_423 : i32
        %select_n3A_425 = arith.select %and3A_422, %sub3A_424, %div3A_403 : i32
        %mul3A_426 = arith.constant 50 : i32
        %mul3A_427 = arith.muli %select_n3A_425, %mul3A_426 : i32
        %sub3A_428 = arith.subi %add3A_401, %mul3A_427 : i32
        %mul3A_429 = arith.constant 128 : i32
        %mul3A_430 = arith.muli %select_n3A_425, %mul3A_429 : i32
        %dma_start3A_431 = tpu.memref_slice %arg15[%sub3A_428, %mul3A_430] : memref<50x512xi32, #tpu.memory_space<vmem>> -> memref<1x128xi32, #tpu.memory_space<vmem>>
        %dma_start3A_432 = tpu.memref_squeeze %dma_start3A_431 : memref<1x128xi32, #tpu.memory_space<vmem>> -> memref<128xi32, #tpu.memory_space<vmem>>
        %dma_start3A_433 = arith.constant 0 : i32
        %dma_start3A_434 = arith.constant 0 : i32
        %dma_start3A_435 = tpu.memref_slice %arg3[%dma_start3A_433, %dma_start3A_434] : memref<1000000x64xf32, #tpu.memory_space<hbm>> -> memref<1000000x64xf32, #tpu.memory_space<hbm>>
        tpu.enqueue_indirect_dma source(%dma_start3A_435 : memref<1000000x64xf32, #tpu.memory_space<hbm>>) target(%arg8 : memref<128x64xf32, #tpu.memory_space<vmem>>) offsets(%dma_start3A_432 : memref<128xi32, #tpu.memory_space<vmem>>) semaphore(%arg13 : memref<!tpu.dma_semaphore, #tpu.memory_space<semaphore_mem>>)
      } else {
      }
      %dma_wait3A_150 = arith.constant 0 : i32
      %dma_wait3A_151 = arith.constant 0 : i32
      %dma_wait3A_152 = tpu.memref_slice %arg15[%dma_wait3A_150, %dma_wait3A_151] : memref<50x512xi32, #tpu.memory_space<vmem>> -> memref<1x128xi32, #tpu.memory_space<vmem>>
      %dma_wait3A_153 = tpu.memref_squeeze %dma_wait3A_152 : memref<1x128xi32, #tpu.memory_space<vmem>> -> memref<128xi32, #tpu.memory_space<vmem>>
      %dma_wait3A_154 = arith.constant 0 : i32
      %dma_wait3A_155 = arith.constant 0 : i32
      %dma_wait3A_156 = tpu.memref_slice %arg3[%dma_wait3A_154, %dma_wait3A_155] : memref<1000000x64xf32, #tpu.memory_space<hbm>> -> memref<1000000x64xf32, #tpu.memory_space<hbm>>
      tpu.wait_indirect_dma semaphore(%arg11 : memref<!tpu.dma_semaphore, #tpu.memory_space<semaphore_mem>>) src(%dma_wait3A_156 : memref<1000000x64xf32, #tpu.memory_space<hbm>>) dst(%arg6 : memref<128x64xf32, #tpu.memory_space<vmem>>)
      %scan3A_157 = arith.constant 0 : i32
      %scan3A_158 = arith.constant 16 : i32
      %scan3A_159 = arith.addi %scan3A_157, %scan3A_158 : i32
      %scan3A_160 = arith.constant 1 : i32
      scf.for %scan3A_400 = %scan3A_157 to %scan3A_159 step %scan3A_160  : i32 {
        %mul3A_401 = arith.constant 1 : i32
        %mul3A_402 = arith.muli %scan3A_400, %mul3A_401 : i32
        %add3A_403 = arith.constant 0 : i32
        %add3A_404 = arith.addi %add3A_403, %mul3A_402 : i32
        %add3A_405 = vector.broadcast %add3A_404 : i32 to vector<16xi32>
        %add3A_406 = arith.addi %iota3A, %add3A_405 : vector<16xi32>
        %and3A_407 = arith.constant 15 : i32
        %and3A_408 = vector.broadcast %and3A_407 : i32 to vector<16xi32>
        %and3A_409 = arith.andi %add3A_406, %and3A_408 : vector<16xi32>
        %add3A_410 = arith.constant 0 : i32
        %add3A_411 = vector.broadcast %add3A_410 : i32 to vector<16xi32>
        %add3A_412 = arith.addi %and3A_409, %add3A_411 : vector<16xi32>
        %shift_right_logical3A = arith.constant 3 : i32
        %shift_right_logical3A_413 = vector.broadcast %shift_right_logical3A : i32 to vector<16xi32>
        %shift_right_logical3A_414 = arith.shrui %add3A_412, %shift_right_logical3A_413 : vector<16xi32>
        %and3A_415 = arith.constant 7 : i32
        %and3A_416 = vector.broadcast %and3A_415 : i32 to vector<16xi32>
        %and3A_417 = arith.andi %add3A_412, %and3A_416 : vector<16xi32>
        %gather3A = tpu.vector_load_idx %arg6[%add3A_3, %add3A_412] : memref<128x64xf32, #tpu.memory_space<vmem>>[vector<16xi32>, vector<16xi32>], vector<16xf32>,
        %gather3A_418 = tpu.vector_load_idx %arg6[%add3A_6, %add3A_412] : memref<128x64xf32, #tpu.memory_space<vmem>>[vector<16xi32>, vector<16xi32>], vector<16xf32>,
        %gather3A_419 = tpu.vector_load_idx %arg6[%add3A_9, %add3A_412] : memref<128x64xf32, #tpu.memory_space<vmem>>[vector<16xi32>, vector<16xi32>], vector<16xf32>,
        %gather3A_420 = tpu.vector_load_idx %arg6[%add3A_12, %add3A_412] : memref<128x64xf32, #tpu.memory_space<vmem>>[vector<16xi32>, vector<16xi32>], vector<16xf32>,
        %gather3A_421 = tpu.vector_load_idx %arg6[%add3A_15, %add3A_412] : memref<128x64xf32, #tpu.memory_space<vmem>>[vector<16xi32>, vector<16xi32>], vector<16xf32>,
        %gather3A_422 = tpu.vector_load_idx %arg6[%add3A_18, %add3A_412] : memref<128x64xf32, #tpu.memory_space<vmem>>[vector<16xi32>, vector<16xi32>], vector<16xf32>,
        %gather3A_423 = tpu.vector_load_idx %arg6[%add3A_21, %add3A_412] : memref<128x64xf32, #tpu.memory_space<vmem>>[vector<16xi32>, vector<16xi32>], vector<16xf32>,
        %gather3A_424 = tpu.vector_load_idx %arg6[%add3A_24, %add3A_412] : memref<128x64xf32, #tpu.memory_space<vmem>>[vector<16xi32>, vector<16xi32>], vector<16xf32>,
        %add3A_425 = arith.constant 16 : i32
        %add3A_426 = vector.broadcast %add3A_425 : i32 to vector<16xi32>
        %add3A_427 = arith.addi %and3A_409, %add3A_426 : vector<16xi32>
        %shift_right_logical3A_428 = arith.constant 3 : i32
        %shift_right_logical3A_429 = vector.broadcast %shift_right_logical3A_428 : i32 to vector<16xi32>
        %shift_right_logical3A_430 = arith.shrui %add3A_427, %shift_right_logical3A_429 : vector<16xi32>
        %and3A_431 = arith.constant 7 : i32
        %and3A_432 = vector.broadcast %and3A_431 : i32 to vector<16xi32>
        %and3A_433 = arith.andi %add3A_427, %and3A_432 : vector<16xi32>
        %gather3A_434 = tpu.vector_load_idx %arg6[%add3A_3, %add3A_427] : memref<128x64xf32, #tpu.memory_space<vmem>>[vector<16xi32>, vector<16xi32>], vector<16xf32>,
        %gather3A_435 = tpu.vector_load_idx %arg6[%add3A_6, %add3A_427] : memref<128x64xf32, #tpu.memory_space<vmem>>[vector<16xi32>, vector<16xi32>], vector<16xf32>,
        %gather3A_436 = tpu.vector_load_idx %arg6[%add3A_9, %add3A_427] : memref<128x64xf32, #tpu.memory_space<vmem>>[vector<16xi32>, vector<16xi32>], vector<16xf32>,
        %gather3A_437 = tpu.vector_load_idx %arg6[%add3A_12, %add3A_427] : memref<128x64xf32, #tpu.memory_space<vmem>>[vector<16xi32>, vector<16xi32>], vector<16xf32>,
        %gather3A_438 = tpu.vector_load_idx %arg6[%add3A_15, %add3A_427] : memref<128x64xf32, #tpu.memory_space<vmem>>[vector<16xi32>, vector<16xi32>], vector<16xf32>,
        %gather3A_439 = tpu.vector_load_idx %arg6[%add3A_18, %add3A_427] : memref<128x64xf32, #tpu.memory_space<vmem>>[vector<16xi32>, vector<16xi32>], vector<16xf32>,
        %gather3A_440 = tpu.vector_load_idx %arg6[%add3A_21, %add3A_427] : memref<128x64xf32, #tpu.memory_space<vmem>>[vector<16xi32>, vector<16xi32>], vector<16xf32>,
        %gather3A_441 = tpu.vector_load_idx %arg6[%add3A_24, %add3A_427] : memref<128x64xf32, #tpu.memory_space<vmem>>[vector<16xi32>, vector<16xi32>], vector<16xf32>,
        %add3A_442 = arith.constant 32 : i32
        %add3A_443 = vector.broadcast %add3A_442 : i32 to vector<16xi32>
        %add3A_444 = arith.addi %and3A_409, %add3A_443 : vector<16xi32>
        %shift_right_logical3A_445 = arith.constant 3 : i32
        %shift_right_logical3A_446 = vector.broadcast %shift_right_logical3A_445 : i32 to vector<16xi32>
        %shift_right_logical3A_447 = arith.shrui %add3A_444, %shift_right_logical3A_446 : vector<16xi32>
        %and3A_448 = arith.constant 7 : i32
        %and3A_449 = vector.broadcast %and3A_448 : i32 to vector<16xi32>
        %and3A_450 = arith.andi %add3A_444, %and3A_449 : vector<16xi32>
        %gather3A_451 = tpu.vector_load_idx %arg6[%add3A_3, %add3A_444] : memref<128x64xf32, #tpu.memory_space<vmem>>[vector<16xi32>, vector<16xi32>], vector<16xf32>,
        %gather3A_452 = tpu.vector_load_idx %arg6[%add3A_6, %add3A_444] : memref<128x64xf32, #tpu.memory_space<vmem>>[vector<16xi32>, vector<16xi32>], vector<16xf32>,
        %gather3A_453 = tpu.vector_load_idx %arg6[%add3A_9, %add3A_444] : memref<128x64xf32, #tpu.memory_space<vmem>>[vector<16xi32>, vector<16xi32>], vector<16xf32>,
        %gather3A_454 = tpu.vector_load_idx %arg6[%add3A_12, %add3A_444] : memref<128x64xf32, #tpu.memory_space<vmem>>[vector<16xi32>, vector<16xi32>], vector<16xf32>,
        %gather3A_455 = tpu.vector_load_idx %arg6[%add3A_15, %add3A_444] : memref<128x64xf32, #tpu.memory_space<vmem>>[vector<16xi32>, vector<16xi32>], vector<16xf32>,
        %gather3A_456 = tpu.vector_load_idx %arg6[%add3A_18, %add3A_444] : memref<128x64xf32, #tpu.memory_space<vmem>>[vector<16xi32>, vector<16xi32>], vector<16xf32>,
        %gather3A_457 = tpu.vector_load_idx %arg6[%add3A_21, %add3A_444] : memref<128x64xf32, #tpu.memory_space<vmem>>[vector<16xi32>, vector<16xi32>], vector<16xf32>,
        %gather3A_458 = tpu.vector_load_idx %arg6[%add3A_24, %add3A_444] : memref<128x64xf32, #tpu.memory_space<vmem>>[vector<16xi32>, vector<16xi32>], vector<16xf32>,
        %add3A_459 = arith.constant 48 : i32
        %add3A_460 = vector.broadcast %add3A_459 : i32 to vector<16xi32>
        %add3A_461 = arith.addi %and3A_409, %add3A_460 : vector<16xi32>
        %shift_right_logical3A_462 = arith.constant 3 : i32
        %shift_right_logical3A_463 = vector.broadcast %shift_right_logical3A_462 : i32 to vector<16xi32>
        %shift_right_logical3A_464 = arith.shrui %add3A_461, %shift_right_logical3A_463 : vector<16xi32>
        %and3A_465 = arith.constant 7 : i32
        %and3A_466 = vector.broadcast %and3A_465 : i32 to vector<16xi32>
        %and3A_467 = arith.andi %add3A_461, %and3A_466 : vector<16xi32>
        %gather3A_468 = tpu.vector_load_idx %arg6[%add3A_3, %add3A_461] : memref<128x64xf32, #tpu.memory_space<vmem>>[vector<16xi32>, vector<16xi32>], vector<16xf32>,
        %gather3A_469 = tpu.vector_load_idx %arg6[%add3A_6, %add3A_461] : memref<128x64xf32, #tpu.memory_space<vmem>>[vector<16xi32>, vector<16xi32>], vector<16xf32>,
        %gather3A_470 = tpu.vector_load_idx %arg6[%add3A_9, %add3A_461] : memref<128x64xf32, #tpu.memory_space<vmem>>[vector<16xi32>, vector<16xi32>], vector<16xf32>,
        %gather3A_471 = tpu.vector_load_idx %arg6[%add3A_12, %add3A_461] : memref<128x64xf32, #tpu.memory_space<vmem>>[vector<16xi32>, vector<16xi32>], vector<16xf32>,
        %gather3A_472 = tpu.vector_load_idx %arg6[%add3A_15, %add3A_461] : memref<128x64xf32, #tpu.memory_space<vmem>>[vector<16xi32>, vector<16xi32>], vector<16xf32>,
        %gather3A_473 = tpu.vector_load_idx %arg6[%add3A_18, %add3A_461] : memref<128x64xf32, #tpu.memory_space<vmem>>[vector<16xi32>, vector<16xi32>], vector<16xf32>,
        %gather3A_474 = tpu.vector_load_idx %arg6[%add3A_21, %add3A_461] : memref<128x64xf32, #tpu.memory_space<vmem>>[vector<16xi32>, vector<16xi32>], vector<16xf32>,
        %gather3A_475 = tpu.vector_load_idx %arg6[%add3A_24, %add3A_461] : memref<128x64xf32, #tpu.memory_space<vmem>>[vector<16xi32>, vector<16xi32>], vector<16xf32>,
        %mul3A_476 = arith.constant 8.000000e+00 : f32
        %mul3A_477 = vector.broadcast %mul3A_476 : f32 to vector<16xf32>
        %mul3A_478 = arith.mulf %gather3A, %mul3A_477 : vector<16xf32>
        tpu.vector_store_idx %arg22[%shift_right_logical3A_414, %and3A_417, %add3A_3], %mul3A_478 : memref<8x8x128xf32, #tpu.memory_space<vmem>>[vector<16xi32>, vector<16xi32>, vector<16xi32>], vector<16xf32>,
        %mul3A_479 = arith.constant 8.000000e+00 : f32
        %mul3A_480 = vector.broadcast %mul3A_479 : f32 to vector<16xf32>
        %mul3A_481 = arith.mulf %gather3A_418, %mul3A_480 : vector<16xf32>
        tpu.vector_store_idx %arg22[%shift_right_logical3A_414, %and3A_417, %add3A_6], %mul3A_481 : memref<8x8x128xf32, #tpu.memory_space<vmem>>[vector<16xi32>, vector<16xi32>, vector<16xi32>], vector<16xf32>,
        %mul3A_482 = arith.constant 8.000000e+00 : f32
        %mul3A_483 = vector.broadcast %mul3A_482 : f32 to vector<16xf32>
        %mul3A_484 = arith.mulf %gather3A_419, %mul3A_483 : vector<16xf32>
        tpu.vector_store_idx %arg22[%shift_right_logical3A_414, %and3A_417, %add3A_9], %mul3A_484 : memref<8x8x128xf32, #tpu.memory_space<vmem>>[vector<16xi32>, vector<16xi32>, vector<16xi32>], vector<16xf32>,
        %mul3A_485 = arith.constant 8.000000e+00 : f32
        %mul3A_486 = vector.broadcast %mul3A_485 : f32 to vector<16xf32>
        %mul3A_487 = arith.mulf %gather3A_420, %mul3A_486 : vector<16xf32>
        tpu.vector_store_idx %arg22[%shift_right_logical3A_414, %and3A_417, %add3A_12], %mul3A_487 : memref<8x8x128xf32, #tpu.memory_space<vmem>>[vector<16xi32>, vector<16xi32>, vector<16xi32>], vector<16xf32>,
        %mul3A_488 = arith.constant 8.000000e+00 : f32
        %mul3A_489 = vector.broadcast %mul3A_488 : f32 to vector<16xf32>
        %mul3A_490 = arith.mulf %gather3A_421, %mul3A_489 : vector<16xf32>
        tpu.vector_store_idx %arg22[%shift_right_logical3A_414, %and3A_417, %add3A_15], %mul3A_490 : memref<8x8x128xf32, #tpu.memory_space<vmem>>[vector<16xi32>, vector<16xi32>, vector<16xi32>], vector<16xf32>,
        %mul3A_491 = arith.constant 8.000000e+00 : f32
        %mul3A_492 = vector.broadcast %mul3A_491 : f32 to vector<16xf32>
        %mul3A_493 = arith.mulf %gather3A_422, %mul3A_492 : vector<16xf32>
        tpu.vector_store_idx %arg22[%shift_right_logical3A_414, %and3A_417, %add3A_18], %mul3A_493 : memref<8x8x128xf32, #tpu.memory_space<vmem>>[vector<16xi32>, vector<16xi32>, vector<16xi32>], vector<16xf32>,
        %mul3A_494 = arith.constant 8.000000e+00 : f32
        %mul3A_495 = vector.broadcast %mul3A_494 : f32 to vector<16xf32>
        %mul3A_496 = arith.mulf %gather3A_423, %mul3A_495 : vector<16xf32>
        tpu.vector_store_idx %arg22[%shift_right_logical3A_414, %and3A_417, %add3A_21], %mul3A_496 : memref<8x8x128xf32, #tpu.memory_space<vmem>>[vector<16xi32>, vector<16xi32>, vector<16xi32>], vector<16xf32>,
        %mul3A_497 = arith.constant 8.000000e+00 : f32
        %mul3A_498 = vector.broadcast %mul3A_497 : f32 to vector<16xf32>
        %mul3A_499 = arith.mulf %gather3A_424, %mul3A_498 : vector<16xf32>
        tpu.vector_store_idx %arg22[%shift_right_logical3A_414, %and3A_417, %add3A_24], %mul3A_499 : memref<8x8x128xf32, #tpu.memory_space<vmem>>[vector<16xi32>, vector<16xi32>, vector<16xi32>], vector<16xf32>,
        %mul3A_500 = arith.constant 8.000000e+00 : f32
        %mul3A_501 = vector.broadcast %mul3A_500 : f32 to vector<16xf32>
        %mul3A_502 = arith.mulf %gather3A_434, %mul3A_501 : vector<16xf32>
        tpu.vector_store_idx %arg22[%shift_right_logical3A_430, %and3A_433, %add3A_3], %mul3A_502 : memref<8x8x128xf32, #tpu.memory_space<vmem>>[vector<16xi32>, vector<16xi32>, vector<16xi32>], vector<16xf32>,
        %mul3A_503 = arith.constant 8.000000e+00 : f32
        %mul3A_504 = vector.broadcast %mul3A_503 : f32 to vector<16xf32>
        %mul3A_505 = arith.mulf %gather3A_435, %mul3A_504 : vector<16xf32>
        tpu.vector_store_idx %arg22[%shift_right_logical3A_430, %and3A_433, %add3A_6], %mul3A_505 : memref<8x8x128xf32, #tpu.memory_space<vmem>>[vector<16xi32>, vector<16xi32>, vector<16xi32>], vector<16xf32>,
        %mul3A_506 = arith.constant 8.000000e+00 : f32
        %mul3A_507 = vector.broadcast %mul3A_506 : f32 to vector<16xf32>
        %mul3A_508 = arith.mulf %gather3A_436, %mul3A_507 : vector<16xf32>
        tpu.vector_store_idx %arg22[%shift_right_logical3A_430, %and3A_433, %add3A_9], %mul3A_508 : memref<8x8x128xf32, #tpu.memory_space<vmem>>[vector<16xi32>, vector<16xi32>, vector<16xi32>], vector<16xf32>,
        %mul3A_509 = arith.constant 8.000000e+00 : f32
        %mul3A_510 = vector.broadcast %mul3A_509 : f32 to vector<16xf32>
        %mul3A_511 = arith.mulf %gather3A_437, %mul3A_510 : vector<16xf32>
        tpu.vector_store_idx %arg22[%shift_right_logical3A_430, %and3A_433, %add3A_12], %mul3A_511 : memref<8x8x128xf32, #tpu.memory_space<vmem>>[vector<16xi32>, vector<16xi32>, vector<16xi32>], vector<16xf32>,
        %mul3A_512 = arith.constant 8.000000e+00 : f32
        %mul3A_513 = vector.broadcast %mul3A_512 : f32 to vector<16xf32>
        %mul3A_514 = arith.mulf %gather3A_438, %mul3A_513 : vector<16xf32>
        tpu.vector_store_idx %arg22[%shift_right_logical3A_430, %and3A_433, %add3A_15], %mul3A_514 : memref<8x8x128xf32, #tpu.memory_space<vmem>>[vector<16xi32>, vector<16xi32>, vector<16xi32>], vector<16xf32>,
        %mul3A_515 = arith.constant 8.000000e+00 : f32
        %mul3A_516 = vector.broadcast %mul3A_515 : f32 to vector<16xf32>
        %mul3A_517 = arith.mulf %gather3A_439, %mul3A_516 : vector<16xf32>
        tpu.vector_store_idx %arg22[%shift_right_logical3A_430, %and3A_433, %add3A_18], %mul3A_517 : memref<8x8x128xf32, #tpu.memory_space<vmem>>[vector<16xi32>, vector<16xi32>, vector<16xi32>], vector<16xf32>,
        %mul3A_518 = arith.constant 8.000000e+00 : f32
        %mul3A_519 = vector.broadcast %mul3A_518 : f32 to vector<16xf32>
        %mul3A_520 = arith.mulf %gather3A_440, %mul3A_519 : vector<16xf32>
        tpu.vector_store_idx %arg22[%shift_right_logical3A_430, %and3A_433, %add3A_21], %mul3A_520 : memref<8x8x128xf32, #tpu.memory_space<vmem>>[vector<16xi32>, vector<16xi32>, vector<16xi32>], vector<16xf32>,
        %mul3A_521 = arith.constant 8.000000e+00 : f32
        %mul3A_522 = vector.broadcast %mul3A_521 : f32 to vector<16xf32>
        %mul3A_523 = arith.mulf %gather3A_441, %mul3A_522 : vector<16xf32>
        tpu.vector_store_idx %arg22[%shift_right_logical3A_430, %and3A_433, %add3A_24], %mul3A_523 : memref<8x8x128xf32, #tpu.memory_space<vmem>>[vector<16xi32>, vector<16xi32>, vector<16xi32>], vector<16xf32>,
        %mul3A_524 = arith.constant 8.000000e+00 : f32
        %mul3A_525 = vector.broadcast %mul3A_524 : f32 to vector<16xf32>
        %mul3A_526 = arith.mulf %gather3A_451, %mul3A_525 : vector<16xf32>
        tpu.vector_store_idx %arg22[%shift_right_logical3A_447, %and3A_450, %add3A_3], %mul3A_526 : memref<8x8x128xf32, #tpu.memory_space<vmem>>[vector<16xi32>, vector<16xi32>, vector<16xi32>], vector<16xf32>,
        %mul3A_527 = arith.constant 8.000000e+00 : f32
        %mul3A_528 = vector.broadcast %mul3A_527 : f32 to vector<16xf32>
        %mul3A_529 = arith.mulf %gather3A_452, %mul3A_528 : vector<16xf32>
        tpu.vector_store_idx %arg22[%shift_right_logical3A_447, %and3A_450, %add3A_6], %mul3A_529 : memref<8x8x128xf32, #tpu.memory_space<vmem>>[vector<16xi32>, vector<16xi32>, vector<16xi32>], vector<16xf32>,
        %mul3A_530 = arith.constant 8.000000e+00 : f32
        %mul3A_531 = vector.broadcast %mul3A_530 : f32 to vector<16xf32>
        %mul3A_532 = arith.mulf %gather3A_453, %mul3A_531 : vector<16xf32>
        tpu.vector_store_idx %arg22[%shift_right_logical3A_447, %and3A_450, %add3A_9], %mul3A_532 : memref<8x8x128xf32, #tpu.memory_space<vmem>>[vector<16xi32>, vector<16xi32>, vector<16xi32>], vector<16xf32>,
        %mul3A_533 = arith.constant 8.000000e+00 : f32
        %mul3A_534 = vector.broadcast %mul3A_533 : f32 to vector<16xf32>
        %mul3A_535 = arith.mulf %gather3A_454, %mul3A_534 : vector<16xf32>
        tpu.vector_store_idx %arg22[%shift_right_logical3A_447, %and3A_450, %add3A_12], %mul3A_535 : memref<8x8x128xf32, #tpu.memory_space<vmem>>[vector<16xi32>, vector<16xi32>, vector<16xi32>], vector<16xf32>,
        %mul3A_536 = arith.constant 8.000000e+00 : f32
        %mul3A_537 = vector.broadcast %mul3A_536 : f32 to vector<16xf32>
        %mul3A_538 = arith.mulf %gather3A_455, %mul3A_537 : vector<16xf32>
        tpu.vector_store_idx %arg22[%shift_right_logical3A_447, %and3A_450, %add3A_15], %mul3A_538 : memref<8x8x128xf32, #tpu.memory_space<vmem>>[vector<16xi32>, vector<16xi32>, vector<16xi32>], vector<16xf32>,
        %mul3A_539 = arith.constant 8.000000e+00 : f32
        %mul3A_540 = vector.broadcast %mul3A_539 : f32 to vector<16xf32>
        %mul3A_541 = arith.mulf %gather3A_456, %mul3A_540 : vector<16xf32>
        tpu.vector_store_idx %arg22[%shift_right_logical3A_447, %and3A_450, %add3A_18], %mul3A_541 : memref<8x8x128xf32, #tpu.memory_space<vmem>>[vector<16xi32>, vector<16xi32>, vector<16xi32>], vector<16xf32>,
        %mul3A_542 = arith.constant 8.000000e+00 : f32
        %mul3A_543 = vector.broadcast %mul3A_542 : f32 to vector<16xf32>
        %mul3A_544 = arith.mulf %gather3A_457, %mul3A_543 : vector<16xf32>
        tpu.vector_store_idx %arg22[%shift_right_logical3A_447, %and3A_450, %add3A_21], %mul3A_544 : memref<8x8x128xf32, #tpu.memory_space<vmem>>[vector<16xi32>, vector<16xi32>, vector<16xi32>], vector<16xf32>,
        %mul3A_545 = arith.constant 8.000000e+00 : f32
        %mul3A_546 = vector.broadcast %mul3A_545 : f32 to vector<16xf32>
        %mul3A_547 = arith.mulf %gather3A_458, %mul3A_546 : vector<16xf32>
        tpu.vector_store_idx %arg22[%shift_right_logical3A_447, %and3A_450, %add3A_24], %mul3A_547 : memref<8x8x128xf32, #tpu.memory_space<vmem>>[vector<16xi32>, vector<16xi32>, vector<16xi32>], vector<16xf32>,
        %mul3A_548 = arith.constant 8.000000e+00 : f32
        %mul3A_549 = vector.broadcast %mul3A_548 : f32 to vector<16xf32>
        %mul3A_550 = arith.mulf %gather3A_468, %mul3A_549 : vector<16xf32>
        tpu.vector_store_idx %arg22[%shift_right_logical3A_464, %and3A_467, %add3A_3], %mul3A_550 : memref<8x8x128xf32, #tpu.memory_space<vmem>>[vector<16xi32>, vector<16xi32>, vector<16xi32>], vector<16xf32>,
        %mul3A_551 = arith.constant 8.000000e+00 : f32
        %mul3A_552 = vector.broadcast %mul3A_551 : f32 to vector<16xf32>
        %mul3A_553 = arith.mulf %gather3A_469, %mul3A_552 : vector<16xf32>
        tpu.vector_store_idx %arg22[%shift_right_logical3A_464, %and3A_467, %add3A_6], %mul3A_553 : memref<8x8x128xf32, #tpu.memory_space<vmem>>[vector<16xi32>, vector<16xi32>, vector<16xi32>], vector<16xf32>,
        %mul3A_554 = arith.constant 8.000000e+00 : f32
        %mul3A_555 = vector.broadcast %mul3A_554 : f32 to vector<16xf32>
        %mul3A_556 = arith.mulf %gather3A_470, %mul3A_555 : vector<16xf32>
        tpu.vector_store_idx %arg22[%shift_right_logical3A_464, %and3A_467, %add3A_9], %mul3A_556 : memref<8x8x128xf32, #tpu.memory_space<vmem>>[vector<16xi32>, vector<16xi32>, vector<16xi32>], vector<16xf32>,
        %mul3A_557 = arith.constant 8.000000e+00 : f32
        %mul3A_558 = vector.broadcast %mul3A_557 : f32 to vector<16xf32>
        %mul3A_559 = arith.mulf %gather3A_471, %mul3A_558 : vector<16xf32>
        tpu.vector_store_idx %arg22[%shift_right_logical3A_464, %and3A_467, %add3A_12], %mul3A_559 : memref<8x8x128xf32, #tpu.memory_space<vmem>>[vector<16xi32>, vector<16xi32>, vector<16xi32>], vector<16xf32>,
        %mul3A_560 = arith.constant 8.000000e+00 : f32
        %mul3A_561 = vector.broadcast %mul3A_560 : f32 to vector<16xf32>
        %mul3A_562 = arith.mulf %gather3A_472, %mul3A_561 : vector<16xf32>
        tpu.vector_store_idx %arg22[%shift_right_logical3A_464, %and3A_467, %add3A_15], %mul3A_562 : memref<8x8x128xf32, #tpu.memory_space<vmem>>[vector<16xi32>, vector<16xi32>, vector<16xi32>], vector<16xf32>,
        %mul3A_563 = arith.constant 8.000000e+00 : f32
        %mul3A_564 = vector.broadcast %mul3A_563 : f32 to vector<16xf32>
        %mul3A_565 = arith.mulf %gather3A_473, %mul3A_564 : vector<16xf32>
        tpu.vector_store_idx %arg22[%shift_right_logical3A_464, %and3A_467, %add3A_18], %mul3A_565 : memref<8x8x128xf32, #tpu.memory_space<vmem>>[vector<16xi32>, vector<16xi32>, vector<16xi32>], vector<16xf32>,
        %mul3A_566 = arith.constant 8.000000e+00 : f32
        %mul3A_567 = vector.broadcast %mul3A_566 : f32 to vector<16xf32>
        %mul3A_568 = arith.mulf %gather3A_474, %mul3A_567 : vector<16xf32>
        tpu.vector_store_idx %arg22[%shift_right_logical3A_464, %and3A_467, %add3A_21], %mul3A_568 : memref<8x8x128xf32, #tpu.memory_space<vmem>>[vector<16xi32>, vector<16xi32>, vector<16xi32>], vector<16xf32>,
        %mul3A_569 = arith.constant 8.000000e+00 : f32
        %mul3A_570 = vector.broadcast %mul3A_569 : f32 to vector<16xf32>
        %mul3A_571 = arith.mulf %gather3A_475, %mul3A_570 : vector<16xf32>
        tpu.vector_store_idx %arg22[%shift_right_logical3A_464, %and3A_467, %add3A_24], %mul3A_571 : memref<8x8x128xf32, #tpu.memory_space<vmem>>[vector<16xi32>, vector<16xi32>, vector<16xi32>], vector<16xf32>,
      }
      %scan3A_161 = arith.constant 16 : i32
      %jit3A_162 = arith.constant 50 : i32
      %div3A_163 = arith.divsi %add3A_137, %jit3A_162 : i32
      %sign3A_164 = arith.constant 0 : i32
      %sign3A_165 = arith.cmpi sgt, %add3A_137, %sign3A_164 : i32
      %sign3A_166 = arith.extui %sign3A_165 : i1 to i32
      %sign3A_167 = arith.constant 0 : i32
      %sign3A_168 = arith.cmpi slt, %add3A_137, %sign3A_167 : i32
      %sign3A_169 = arith.extui %sign3A_168 : i1 to i32
      %sign3A_170 = arith.subi %sign3A_166, %sign3A_169 : i32
      %sign3A_171 = arith.constant 0 : i32
      %sign3A_172 = arith.cmpi sgt, %jit3A_162, %sign3A_171 : i32
      %sign3A_173 = arith.extui %sign3A_172 : i1 to i32
      %sign3A_174 = arith.constant 0 : i32
      %sign3A_175 = arith.cmpi slt, %jit3A_162, %sign3A_174 : i32
      %sign3A_176 = arith.extui %sign3A_175 : i1 to i32
      %sign3A_177 = arith.subi %sign3A_173, %sign3A_176 : i32
      %ne3A_178 = arith.cmpi ne, %sign3A_170, %sign3A_177 : i32
      %rem3A_179 = arith.remsi %add3A_137, %jit3A_162 : i32
      %ne3A_180 = arith.constant 0 : i32
      %ne3A_181 = arith.cmpi ne, %rem3A_179, %ne3A_180 : i32
      %and3A_182 = arith.andi %ne3A_178, %ne3A_181 : i1
      %sub3A_183 = arith.constant 1 : i32
      %sub3A_184 = arith.subi %div3A_163, %sub3A_183 : i32
      %select_n3A_185 = arith.select %and3A_182, %sub3A_184, %div3A_163 : i32
      %mul3A_186 = arith.constant 50 : i32
      %mul3A_187 = arith.muli %select_n3A_185, %mul3A_186 : i32
      %sub3A_188 = arith.subi %add3A_137, %mul3A_187 : i32
      %mul3A_189 = arith.constant 4 : i32
      %mul3A_190 = arith.muli %add3A, %mul3A_189 : i32
      %add3A_191 = arith.addi %mul3A_190, %select_n3A_185 : i32
      %dma_start3A_192 = arith.constant 0 : i32
      %dma_start3A_193 = arith.constant 0 : i32
      %dma_start3A_194 = arith.constant 0 : i32
      %dma_start3A_195 = tpu.memref_slice %arg4[%sub3A_188, %dma_start3A_192, %add3A_191, %dma_start3A_193, %dma_start3A_194] : memref<50x8x128x8x128xf32, #tpu.memory_space<hbm>> -> memref<1x8x1x8x128xf32, #tpu.memory_space<hbm>>
      %dma_start3A_196 = tpu.memref_squeeze %dma_start3A_195 : memref<1x8x1x8x128xf32, #tpu.memory_space<hbm>> -> memref<8x8x128xf32, #tpu.memory_space<hbm>>
      %dma_start3A_197 = arith.constant 0 : i32
      %dma_start3A_198 = arith.constant 0 : i32
      %dma_start3A_199 = arith.constant 0 : i32
      %dma_start3A_200 = tpu.memref_slice %arg4[%sub3A_188, %dma_start3A_197, %add3A_191, %dma_start3A_198, %dma_start3A_199] : memref<50x8x128x8x128xf32, #tpu.memory_space<hbm>> -> memref<1x8x1x8x128xf32, #tpu.memory_space<hbm>>
      %dma_start3A_201 = tpu.memref_squeeze %dma_start3A_200 : memref<1x8x1x8x128xf32, #tpu.memory_space<hbm>> -> memref<8x8x128xf32, #tpu.memory_space<hbm>>
      tpu.enqueue_dma source(%arg22 : memref<8x8x128xf32, #tpu.memory_space<vmem>>) target(%dma_start3A_201 : memref<8x8x128xf32, #tpu.memory_space<hbm>>) target_semaphore(%arg17 : memref<!tpu.dma_semaphore, #tpu.memory_space<semaphore_mem>>)
      %add3A_202 = arith.constant 2 : i32
      %add3A_203 = arith.addi %add3A_81, %add3A_202 : i32
      %ge3A_204 = arith.constant 3 : i32
      %ge3A_205 = arith.cmpi sge, %add3A_203, %ge3A_204 : i32
      %convert_element_type3A_206 = arith.extui %ge3A_205 : i1 to i32
      %cond3A_207 = arith.constant 0 : i32
      %cond3A_208 = arith.cmpi ne, %convert_element_type3A_206, %cond3A_207 : i32
      scf.if %cond3A_208 {
        %dma_wait3A_400 = arith.constant 0 : i32
        %dma_wait3A_401 = arith.constant 0 : i32
        %dma_wait3A_402 = arith.constant 0 : i32
        %dma_wait3A_403 = arith.constant 0 : i32
        %dma_wait3A_404 = arith.constant 0 : i32
        %dma_wait3A_405 = tpu.memref_slice %arg4[%dma_wait3A_400, %dma_wait3A_402, %dma_wait3A_401, %dma_wait3A_403, %dma_wait3A_404] : memref<50x8x128x8x128xf32, #tpu.memory_space<hbm>> -> memref<1x8x1x8x128xf32, #tpu.memory_space<hbm>>
        %dma_wait3A_406 = tpu.memref_squeeze %dma_wait3A_405 : memref<1x8x1x8x128xf32, #tpu.memory_space<hbm>> -> memref<8x8x128xf32, #tpu.memory_space<hbm>>
        %dma_wait3A_407 = arith.constant 0 : i32
        %dma_wait3A_408 = arith.constant 0 : i32
        %dma_wait3A_409 = arith.constant 0 : i32
        %dma_wait3A_410 = tpu.memref_slice %arg4[%dma_wait3A_400, %dma_wait3A_407, %dma_wait3A_401, %dma_wait3A_408, %dma_wait3A_409] : memref<50x8x128x8x128xf32, #tpu.memory_space<hbm>> -> memref<1x8x1x8x128xf32, #tpu.memory_space<hbm>>
        %dma_wait3A_411 = tpu.memref_squeeze %dma_wait3A_410 : memref<1x8x1x8x128xf32, #tpu.memory_space<hbm>> -> memref<8x8x128xf32, #tpu.memory_space<hbm>>
        tpu.wait_dma2 semaphore(%arg20 : memref<!tpu.dma_semaphore, #tpu.memory_space<semaphore_mem>>) src(%arg25 : memref<8x8x128xf32, #tpu.memory_space<vmem>>) dst(%dma_wait3A_411 : memref<8x8x128xf32, #tpu.memory_space<hbm>>)
      } else {
      }
      %add3A_209 = arith.constant 2 : i32
      %add3A_210 = arith.addi %add3A_203, %add3A_209 : i32
      %lt3A_211 = arith.constant 200 : i32
      %lt3A_212 = arith.cmpi slt, %add3A_210, %lt3A_211 : i32
      %convert_element_type3A_213 = arith.extui %lt3A_212 : i1 to i32
      %cond3A_214 = arith.constant 0 : i32
      %cond3A_215 = arith.cmpi ne, %convert_element_type3A_213, %cond3A_214 : i32
      scf.if %cond3A_215 {
        %add3A_400 = arith.constant 2 : i32
        %add3A_401 = arith.addi %add3A_203, %add3A_400 : i32
        %jit3A_402 = arith.constant 50 : i32
        %div3A_403 = arith.divsi %add3A_401, %jit3A_402 : i32
        %sign3A_404 = arith.constant 0 : i32
        %sign3A_405 = arith.cmpi sgt, %add3A_401, %sign3A_404 : i32
        %sign3A_406 = arith.extui %sign3A_405 : i1 to i32
        %sign3A_407 = arith.constant 0 : i32
        %sign3A_408 = arith.cmpi slt, %add3A_401, %sign3A_407 : i32
        %sign3A_409 = arith.extui %sign3A_408 : i1 to i32
        %sign3A_410 = arith.subi %sign3A_406, %sign3A_409 : i32
        %sign3A_411 = arith.constant 0 : i32
        %sign3A_412 = arith.cmpi sgt, %jit3A_402, %sign3A_411 : i32
        %sign3A_413 = arith.extui %sign3A_412 : i1 to i32
        %sign3A_414 = arith.constant 0 : i32
        %sign3A_415 = arith.cmpi slt, %jit3A_402, %sign3A_414 : i32
        %sign3A_416 = arith.extui %sign3A_415 : i1 to i32
        %sign3A_417 = arith.subi %sign3A_413, %sign3A_416 : i32
        %ne3A_418 = arith.cmpi ne, %sign3A_410, %sign3A_417 : i32
        %rem3A_419 = arith.remsi %add3A_401, %jit3A_402 : i32
        %ne3A_420 = arith.constant 0 : i32
        %ne3A_421 = arith.cmpi ne, %rem3A_419, %ne3A_420 : i32
        %and3A_422 = arith.andi %ne3A_418, %ne3A_421 : i1
        %sub3A_423 = arith.constant 1 : i32
        %sub3A_424 = arith.subi %div3A_403, %sub3A_423 : i32
        %select_n3A_425 = arith.select %and3A_422, %sub3A_424, %div3A_403 : i32
        %mul3A_426 = arith.constant 50 : i32
        %mul3A_427 = arith.muli %select_n3A_425, %mul3A_426 : i32
        %sub3A_428 = arith.subi %add3A_401, %mul3A_427 : i32
        %mul3A_429 = arith.constant 128 : i32
        %mul3A_430 = arith.muli %select_n3A_425, %mul3A_429 : i32
        %dma_start3A_431 = tpu.memref_slice %arg15[%sub3A_428, %mul3A_430] : memref<50x512xi32, #tpu.memory_space<vmem>> -> memref<1x128xi32, #tpu.memory_space<vmem>>
        %dma_start3A_432 = tpu.memref_squeeze %dma_start3A_431 : memref<1x128xi32, #tpu.memory_space<vmem>> -> memref<128xi32, #tpu.memory_space<vmem>>
        %dma_start3A_433 = arith.constant 0 : i32
        %dma_start3A_434 = arith.constant 0 : i32
        %dma_start3A_435 = tpu.memref_slice %arg3[%dma_start3A_433, %dma_start3A_434] : memref<1000000x64xf32, #tpu.memory_space<hbm>> -> memref<1000000x64xf32, #tpu.memory_space<hbm>>
        tpu.enqueue_indirect_dma source(%dma_start3A_435 : memref<1000000x64xf32, #tpu.memory_space<hbm>>) target(%arg9 : memref<128x64xf32, #tpu.memory_space<vmem>>) offsets(%dma_start3A_432 : memref<128xi32, #tpu.memory_space<vmem>>) semaphore(%arg14 : memref<!tpu.dma_semaphore, #tpu.memory_space<semaphore_mem>>)
      } else {
      }
      %dma_wait3A_216 = arith.constant 0 : i32
      %dma_wait3A_217 = arith.constant 0 : i32
      %dma_wait3A_218 = tpu.memref_slice %arg15[%dma_wait3A_216, %dma_wait3A_217] : memref<50x512xi32, #tpu.memory_space<vmem>> -> memref<1x128xi32, #tpu.memory_space<vmem>>
      %dma_wait3A_219 = tpu.memref_squeeze %dma_wait3A_218 : memref<1x128xi32, #tpu.memory_space<vmem>> -> memref<128xi32, #tpu.memory_space<vmem>>
      %dma_wait3A_220 = arith.constant 0 : i32
      %dma_wait3A_221 = arith.constant 0 : i32
      %dma_wait3A_222 = tpu.memref_slice %arg3[%dma_wait3A_220, %dma_wait3A_221] : memref<1000000x64xf32, #tpu.memory_space<hbm>> -> memref<1000000x64xf32, #tpu.memory_space<hbm>>
      tpu.wait_indirect_dma semaphore(%arg12 : memref<!tpu.dma_semaphore, #tpu.memory_space<semaphore_mem>>) src(%dma_wait3A_222 : memref<1000000x64xf32, #tpu.memory_space<hbm>>) dst(%arg7 : memref<128x64xf32, #tpu.memory_space<vmem>>)
      %scan3A_223 = arith.constant 0 : i32
      %scan3A_224 = arith.constant 16 : i32
      %scan3A_225 = arith.addi %scan3A_223, %scan3A_224 : i32
      %scan3A_226 = arith.constant 1 : i32
      scf.for %scan3A_400 = %scan3A_223 to %scan3A_225 step %scan3A_226  : i32 {
        %mul3A_401 = arith.constant 1 : i32
        %mul3A_402 = arith.muli %scan3A_400, %mul3A_401 : i32
        %add3A_403 = arith.constant 0 : i32
        %add3A_404 = arith.addi %add3A_403, %mul3A_402 : i32
        %add3A_405 = vector.broadcast %add3A_404 : i32 to vector<16xi32>
        %add3A_406 = arith.addi %iota3A, %add3A_405 : vector<16xi32>
        %and3A_407 = arith.constant 15 : i32
        %and3A_408 = vector.broadcast %and3A_407 : i32 to vector<16xi32>
        %and3A_409 = arith.andi %add3A_406, %and3A_408 : vector<16xi32>
        %add3A_410 = arith.constant 0 : i32
        %add3A_411 = vector.broadcast %add3A_410 : i32 to vector<16xi32>
        %add3A_412 = arith.addi %and3A_409, %add3A_411 : vector<16xi32>
        %shift_right_logical3A = arith.constant 3 : i32
        %shift_right_logical3A_413 = vector.broadcast %shift_right_logical3A : i32 to vector<16xi32>
        %shift_right_logical3A_414 = arith.shrui %add3A_412, %shift_right_logical3A_413 : vector<16xi32>
        %and3A_415 = arith.constant 7 : i32
        %and3A_416 = vector.broadcast %and3A_415 : i32 to vector<16xi32>
        %and3A_417 = arith.andi %add3A_412, %and3A_416 : vector<16xi32>
        %gather3A = tpu.vector_load_idx %arg7[%add3A_3, %add3A_412] : memref<128x64xf32, #tpu.memory_space<vmem>>[vector<16xi32>, vector<16xi32>], vector<16xf32>,
        %gather3A_418 = tpu.vector_load_idx %arg7[%add3A_6, %add3A_412] : memref<128x64xf32, #tpu.memory_space<vmem>>[vector<16xi32>, vector<16xi32>], vector<16xf32>,
        %gather3A_419 = tpu.vector_load_idx %arg7[%add3A_9, %add3A_412] : memref<128x64xf32, #tpu.memory_space<vmem>>[vector<16xi32>, vector<16xi32>], vector<16xf32>,
        %gather3A_420 = tpu.vector_load_idx %arg7[%add3A_12, %add3A_412] : memref<128x64xf32, #tpu.memory_space<vmem>>[vector<16xi32>, vector<16xi32>], vector<16xf32>,
        %gather3A_421 = tpu.vector_load_idx %arg7[%add3A_15, %add3A_412] : memref<128x64xf32, #tpu.memory_space<vmem>>[vector<16xi32>, vector<16xi32>], vector<16xf32>,
        %gather3A_422 = tpu.vector_load_idx %arg7[%add3A_18, %add3A_412] : memref<128x64xf32, #tpu.memory_space<vmem>>[vector<16xi32>, vector<16xi32>], vector<16xf32>,
        %gather3A_423 = tpu.vector_load_idx %arg7[%add3A_21, %add3A_412] : memref<128x64xf32, #tpu.memory_space<vmem>>[vector<16xi32>, vector<16xi32>], vector<16xf32>,
        %gather3A_424 = tpu.vector_load_idx %arg7[%add3A_24, %add3A_412] : memref<128x64xf32, #tpu.memory_space<vmem>>[vector<16xi32>, vector<16xi32>], vector<16xf32>,
        %add3A_425 = arith.constant 16 : i32
        %add3A_426 = vector.broadcast %add3A_425 : i32 to vector<16xi32>
        %add3A_427 = arith.addi %and3A_409, %add3A_426 : vector<16xi32>
        %shift_right_logical3A_428 = arith.constant 3 : i32
        %shift_right_logical3A_429 = vector.broadcast %shift_right_logical3A_428 : i32 to vector<16xi32>
        %shift_right_logical3A_430 = arith.shrui %add3A_427, %shift_right_logical3A_429 : vector<16xi32>
        %and3A_431 = arith.constant 7 : i32
        %and3A_432 = vector.broadcast %and3A_431 : i32 to vector<16xi32>
        %and3A_433 = arith.andi %add3A_427, %and3A_432 : vector<16xi32>
        %gather3A_434 = tpu.vector_load_idx %arg7[%add3A_3, %add3A_427] : memref<128x64xf32, #tpu.memory_space<vmem>>[vector<16xi32>, vector<16xi32>], vector<16xf32>,
        %gather3A_435 = tpu.vector_load_idx %arg7[%add3A_6, %add3A_427] : memref<128x64xf32, #tpu.memory_space<vmem>>[vector<16xi32>, vector<16xi32>], vector<16xf32>,
        %gather3A_436 = tpu.vector_load_idx %arg7[%add3A_9, %add3A_427] : memref<128x64xf32, #tpu.memory_space<vmem>>[vector<16xi32>, vector<16xi32>], vector<16xf32>,
        %gather3A_437 = tpu.vector_load_idx %arg7[%add3A_12, %add3A_427] : memref<128x64xf32, #tpu.memory_space<vmem>>[vector<16xi32>, vector<16xi32>], vector<16xf32>,
        %gather3A_438 = tpu.vector_load_idx %arg7[%add3A_15, %add3A_427] : memref<128x64xf32, #tpu.memory_space<vmem>>[vector<16xi32>, vector<16xi32>], vector<16xf32>,
        %gather3A_439 = tpu.vector_load_idx %arg7[%add3A_18, %add3A_427] : memref<128x64xf32, #tpu.memory_space<vmem>>[vector<16xi32>, vector<16xi32>], vector<16xf32>,
        %gather3A_440 = tpu.vector_load_idx %arg7[%add3A_21, %add3A_427] : memref<128x64xf32, #tpu.memory_space<vmem>>[vector<16xi32>, vector<16xi32>], vector<16xf32>,
        %gather3A_441 = tpu.vector_load_idx %arg7[%add3A_24, %add3A_427] : memref<128x64xf32, #tpu.memory_space<vmem>>[vector<16xi32>, vector<16xi32>], vector<16xf32>,
        %add3A_442 = arith.constant 32 : i32
        %add3A_443 = vector.broadcast %add3A_442 : i32 to vector<16xi32>
        %add3A_444 = arith.addi %and3A_409, %add3A_443 : vector<16xi32>
        %shift_right_logical3A_445 = arith.constant 3 : i32
        %shift_right_logical3A_446 = vector.broadcast %shift_right_logical3A_445 : i32 to vector<16xi32>
        %shift_right_logical3A_447 = arith.shrui %add3A_444, %shift_right_logical3A_446 : vector<16xi32>
        %and3A_448 = arith.constant 7 : i32
        %and3A_449 = vector.broadcast %and3A_448 : i32 to vector<16xi32>
        %and3A_450 = arith.andi %add3A_444, %and3A_449 : vector<16xi32>
        %gather3A_451 = tpu.vector_load_idx %arg7[%add3A_3, %add3A_444] : memref<128x64xf32, #tpu.memory_space<vmem>>[vector<16xi32>, vector<16xi32>], vector<16xf32>,
        %gather3A_452 = tpu.vector_load_idx %arg7[%add3A_6, %add3A_444] : memref<128x64xf32, #tpu.memory_space<vmem>>[vector<16xi32>, vector<16xi32>], vector<16xf32>,
        %gather3A_453 = tpu.vector_load_idx %arg7[%add3A_9, %add3A_444] : memref<128x64xf32, #tpu.memory_space<vmem>>[vector<16xi32>, vector<16xi32>], vector<16xf32>,
        %gather3A_454 = tpu.vector_load_idx %arg7[%add3A_12, %add3A_444] : memref<128x64xf32, #tpu.memory_space<vmem>>[vector<16xi32>, vector<16xi32>], vector<16xf32>,
        %gather3A_455 = tpu.vector_load_idx %arg7[%add3A_15, %add3A_444] : memref<128x64xf32, #tpu.memory_space<vmem>>[vector<16xi32>, vector<16xi32>], vector<16xf32>,
        %gather3A_456 = tpu.vector_load_idx %arg7[%add3A_18, %add3A_444] : memref<128x64xf32, #tpu.memory_space<vmem>>[vector<16xi32>, vector<16xi32>], vector<16xf32>,
        %gather3A_457 = tpu.vector_load_idx %arg7[%add3A_21, %add3A_444] : memref<128x64xf32, #tpu.memory_space<vmem>>[vector<16xi32>, vector<16xi32>], vector<16xf32>,
        %gather3A_458 = tpu.vector_load_idx %arg7[%add3A_24, %add3A_444] : memref<128x64xf32, #tpu.memory_space<vmem>>[vector<16xi32>, vector<16xi32>], vector<16xf32>,
        %add3A_459 = arith.constant 48 : i32
        %add3A_460 = vector.broadcast %add3A_459 : i32 to vector<16xi32>
        %add3A_461 = arith.addi %and3A_409, %add3A_460 : vector<16xi32>
        %shift_right_logical3A_462 = arith.constant 3 : i32
        %shift_right_logical3A_463 = vector.broadcast %shift_right_logical3A_462 : i32 to vector<16xi32>
        %shift_right_logical3A_464 = arith.shrui %add3A_461, %shift_right_logical3A_463 : vector<16xi32>
        %and3A_465 = arith.constant 7 : i32
        %and3A_466 = vector.broadcast %and3A_465 : i32 to vector<16xi32>
        %and3A_467 = arith.andi %add3A_461, %and3A_466 : vector<16xi32>
        %gather3A_468 = tpu.vector_load_idx %arg7[%add3A_3, %add3A_461] : memref<128x64xf32, #tpu.memory_space<vmem>>[vector<16xi32>, vector<16xi32>], vector<16xf32>,
        %gather3A_469 = tpu.vector_load_idx %arg7[%add3A_6, %add3A_461] : memref<128x64xf32, #tpu.memory_space<vmem>>[vector<16xi32>, vector<16xi32>], vector<16xf32>,
        %gather3A_470 = tpu.vector_load_idx %arg7[%add3A_9, %add3A_461] : memref<128x64xf32, #tpu.memory_space<vmem>>[vector<16xi32>, vector<16xi32>], vector<16xf32>,
        %gather3A_471 = tpu.vector_load_idx %arg7[%add3A_12, %add3A_461] : memref<128x64xf32, #tpu.memory_space<vmem>>[vector<16xi32>, vector<16xi32>], vector<16xf32>,
        %gather3A_472 = tpu.vector_load_idx %arg7[%add3A_15, %add3A_461] : memref<128x64xf32, #tpu.memory_space<vmem>>[vector<16xi32>, vector<16xi32>], vector<16xf32>,
        %gather3A_473 = tpu.vector_load_idx %arg7[%add3A_18, %add3A_461] : memref<128x64xf32, #tpu.memory_space<vmem>>[vector<16xi32>, vector<16xi32>], vector<16xf32>,
        %gather3A_474 = tpu.vector_load_idx %arg7[%add3A_21, %add3A_461] : memref<128x64xf32, #tpu.memory_space<vmem>>[vector<16xi32>, vector<16xi32>], vector<16xf32>,
        %gather3A_475 = tpu.vector_load_idx %arg7[%add3A_24, %add3A_461] : memref<128x64xf32, #tpu.memory_space<vmem>>[vector<16xi32>, vector<16xi32>], vector<16xf32>,
        %mul3A_476 = arith.constant 8.000000e+00 : f32
        %mul3A_477 = vector.broadcast %mul3A_476 : f32 to vector<16xf32>
        %mul3A_478 = arith.mulf %gather3A, %mul3A_477 : vector<16xf32>
        tpu.vector_store_idx %arg23[%shift_right_logical3A_414, %and3A_417, %add3A_3], %mul3A_478 : memref<8x8x128xf32, #tpu.memory_space<vmem>>[vector<16xi32>, vector<16xi32>, vector<16xi32>], vector<16xf32>,
        %mul3A_479 = arith.constant 8.000000e+00 : f32
        %mul3A_480 = vector.broadcast %mul3A_479 : f32 to vector<16xf32>
        %mul3A_481 = arith.mulf %gather3A_418, %mul3A_480 : vector<16xf32>
        tpu.vector_store_idx %arg23[%shift_right_logical3A_414, %and3A_417, %add3A_6], %mul3A_481 : memref<8x8x128xf32, #tpu.memory_space<vmem>>[vector<16xi32>, vector<16xi32>, vector<16xi32>], vector<16xf32>,
        %mul3A_482 = arith.constant 8.000000e+00 : f32
        %mul3A_483 = vector.broadcast %mul3A_482 : f32 to vector<16xf32>
        %mul3A_484 = arith.mulf %gather3A_419, %mul3A_483 : vector<16xf32>
        tpu.vector_store_idx %arg23[%shift_right_logical3A_414, %and3A_417, %add3A_9], %mul3A_484 : memref<8x8x128xf32, #tpu.memory_space<vmem>>[vector<16xi32>, vector<16xi32>, vector<16xi32>], vector<16xf32>,
        %mul3A_485 = arith.constant 8.000000e+00 : f32
        %mul3A_486 = vector.broadcast %mul3A_485 : f32 to vector<16xf32>
        %mul3A_487 = arith.mulf %gather3A_420, %mul3A_486 : vector<16xf32>
        tpu.vector_store_idx %arg23[%shift_right_logical3A_414, %and3A_417, %add3A_12], %mul3A_487 : memref<8x8x128xf32, #tpu.memory_space<vmem>>[vector<16xi32>, vector<16xi32>, vector<16xi32>], vector<16xf32>,
        %mul3A_488 = arith.constant 8.000000e+00 : f32
        %mul3A_489 = vector.broadcast %mul3A_488 : f32 to vector<16xf32>
        %mul3A_490 = arith.mulf %gather3A_421, %mul3A_489 : vector<16xf32>
        tpu.vector_store_idx %arg23[%shift_right_logical3A_414, %and3A_417, %add3A_15], %mul3A_490 : memref<8x8x128xf32, #tpu.memory_space<vmem>>[vector<16xi32>, vector<16xi32>, vector<16xi32>], vector<16xf32>,
        %mul3A_491 = arith.constant 8.000000e+00 : f32
        %mul3A_492 = vector.broadcast %mul3A_491 : f32 to vector<16xf32>
        %mul3A_493 = arith.mulf %gather3A_422, %mul3A_492 : vector<16xf32>
        tpu.vector_store_idx %arg23[%shift_right_logical3A_414, %and3A_417, %add3A_18], %mul3A_493 : memref<8x8x128xf32, #tpu.memory_space<vmem>>[vector<16xi32>, vector<16xi32>, vector<16xi32>], vector<16xf32>,
        %mul3A_494 = arith.constant 8.000000e+00 : f32
        %mul3A_495 = vector.broadcast %mul3A_494 : f32 to vector<16xf32>
        %mul3A_496 = arith.mulf %gather3A_423, %mul3A_495 : vector<16xf32>
        tpu.vector_store_idx %arg23[%shift_right_logical3A_414, %and3A_417, %add3A_21], %mul3A_496 : memref<8x8x128xf32, #tpu.memory_space<vmem>>[vector<16xi32>, vector<16xi32>, vector<16xi32>], vector<16xf32>,
        %mul3A_497 = arith.constant 8.000000e+00 : f32
        %mul3A_498 = vector.broadcast %mul3A_497 : f32 to vector<16xf32>
        %mul3A_499 = arith.mulf %gather3A_424, %mul3A_498 : vector<16xf32>
        tpu.vector_store_idx %arg23[%shift_right_logical3A_414, %and3A_417, %add3A_24], %mul3A_499 : memref<8x8x128xf32, #tpu.memory_space<vmem>>[vector<16xi32>, vector<16xi32>, vector<16xi32>], vector<16xf32>,
        %mul3A_500 = arith.constant 8.000000e+00 : f32
        %mul3A_501 = vector.broadcast %mul3A_500 : f32 to vector<16xf32>
        %mul3A_502 = arith.mulf %gather3A_434, %mul3A_501 : vector<16xf32>
        tpu.vector_store_idx %arg23[%shift_right_logical3A_430, %and3A_433, %add3A_3], %mul3A_502 : memref<8x8x128xf32, #tpu.memory_space<vmem>>[vector<16xi32>, vector<16xi32>, vector<16xi32>], vector<16xf32>,
        %mul3A_503 = arith.constant 8.000000e+00 : f32
        %mul3A_504 = vector.broadcast %mul3A_503 : f32 to vector<16xf32>
        %mul3A_505 = arith.mulf %gather3A_435, %mul3A_504 : vector<16xf32>
        tpu.vector_store_idx %arg23[%shift_right_logical3A_430, %and3A_433, %add3A_6], %mul3A_505 : memref<8x8x128xf32, #tpu.memory_space<vmem>>[vector<16xi32>, vector<16xi32>, vector<16xi32>], vector<16xf32>,
        %mul3A_506 = arith.constant 8.000000e+00 : f32
        %mul3A_507 = vector.broadcast %mul3A_506 : f32 to vector<16xf32>
        %mul3A_508 = arith.mulf %gather3A_436, %mul3A_507 : vector<16xf32>
        tpu.vector_store_idx %arg23[%shift_right_logical3A_430, %and3A_433, %add3A_9], %mul3A_508 : memref<8x8x128xf32, #tpu.memory_space<vmem>>[vector<16xi32>, vector<16xi32>, vector<16xi32>], vector<16xf32>,
        %mul3A_509 = arith.constant 8.000000e+00 : f32
        %mul3A_510 = vector.broadcast %mul3A_509 : f32 to vector<16xf32>
        %mul3A_511 = arith.mulf %gather3A_437, %mul3A_510 : vector<16xf32>
        tpu.vector_store_idx %arg23[%shift_right_logical3A_430, %and3A_433, %add3A_12], %mul3A_511 : memref<8x8x128xf32, #tpu.memory_space<vmem>>[vector<16xi32>, vector<16xi32>, vector<16xi32>], vector<16xf32>,
        %mul3A_512 = arith.constant 8.000000e+00 : f32
        %mul3A_513 = vector.broadcast %mul3A_512 : f32 to vector<16xf32>
        %mul3A_514 = arith.mulf %gather3A_438, %mul3A_513 : vector<16xf32>
        tpu.vector_store_idx %arg23[%shift_right_logical3A_430, %and3A_433, %add3A_15], %mul3A_514 : memref<8x8x128xf32, #tpu.memory_space<vmem>>[vector<16xi32>, vector<16xi32>, vector<16xi32>], vector<16xf32>,
        %mul3A_515 = arith.constant 8.000000e+00 : f32
        %mul3A_516 = vector.broadcast %mul3A_515 : f32 to vector<16xf32>
        %mul3A_517 = arith.mulf %gather3A_439, %mul3A_516 : vector<16xf32>
        tpu.vector_store_idx %arg23[%shift_right_logical3A_430, %and3A_433, %add3A_18], %mul3A_517 : memref<8x8x128xf32, #tpu.memory_space<vmem>>[vector<16xi32>, vector<16xi32>, vector<16xi32>], vector<16xf32>,
        %mul3A_518 = arith.constant 8.000000e+00 : f32
        %mul3A_519 = vector.broadcast %mul3A_518 : f32 to vector<16xf32>
        %mul3A_520 = arith.mulf %gather3A_440, %mul3A_519 : vector<16xf32>
        tpu.vector_store_idx %arg23[%shift_right_logical3A_430, %and3A_433, %add3A_21], %mul3A_520 : memref<8x8x128xf32, #tpu.memory_space<vmem>>[vector<16xi32>, vector<16xi32>, vector<16xi32>], vector<16xf32>,
        %mul3A_521 = arith.constant 8.000000e+00 : f32
        %mul3A_522 = vector.broadcast %mul3A_521 : f32 to vector<16xf32>
        %mul3A_523 = arith.mulf %gather3A_441, %mul3A_522 : vector<16xf32>
        tpu.vector_store_idx %arg23[%shift_right_logical3A_430, %and3A_433, %add3A_24], %mul3A_523 : memref<8x8x128xf32, #tpu.memory_space<vmem>>[vector<16xi32>, vector<16xi32>, vector<16xi32>], vector<16xf32>,
        %mul3A_524 = arith.constant 8.000000e+00 : f32
        %mul3A_525 = vector.broadcast %mul3A_524 : f32 to vector<16xf32>
        %mul3A_526 = arith.mulf %gather3A_451, %mul3A_525 : vector<16xf32>
        tpu.vector_store_idx %arg23[%shift_right_logical3A_447, %and3A_450, %add3A_3], %mul3A_526 : memref<8x8x128xf32, #tpu.memory_space<vmem>>[vector<16xi32>, vector<16xi32>, vector<16xi32>], vector<16xf32>,
        %mul3A_527 = arith.constant 8.000000e+00 : f32
        %mul3A_528 = vector.broadcast %mul3A_527 : f32 to vector<16xf32>
        %mul3A_529 = arith.mulf %gather3A_452, %mul3A_528 : vector<16xf32>
        tpu.vector_store_idx %arg23[%shift_right_logical3A_447, %and3A_450, %add3A_6], %mul3A_529 : memref<8x8x128xf32, #tpu.memory_space<vmem>>[vector<16xi32>, vector<16xi32>, vector<16xi32>], vector<16xf32>,
        %mul3A_530 = arith.constant 8.000000e+00 : f32
        %mul3A_531 = vector.broadcast %mul3A_530 : f32 to vector<16xf32>
        %mul3A_532 = arith.mulf %gather3A_453, %mul3A_531 : vector<16xf32>
        tpu.vector_store_idx %arg23[%shift_right_logical3A_447, %and3A_450, %add3A_9], %mul3A_532 : memref<8x8x128xf32, #tpu.memory_space<vmem>>[vector<16xi32>, vector<16xi32>, vector<16xi32>], vector<16xf32>,
        %mul3A_533 = arith.constant 8.000000e+00 : f32
        %mul3A_534 = vector.broadcast %mul3A_533 : f32 to vector<16xf32>
        %mul3A_535 = arith.mulf %gather3A_454, %mul3A_534 : vector<16xf32>
        tpu.vector_store_idx %arg23[%shift_right_logical3A_447, %and3A_450, %add3A_12], %mul3A_535 : memref<8x8x128xf32, #tpu.memory_space<vmem>>[vector<16xi32>, vector<16xi32>, vector<16xi32>], vector<16xf32>,
        %mul3A_536 = arith.constant 8.000000e+00 : f32
        %mul3A_537 = vector.broadcast %mul3A_536 : f32 to vector<16xf32>
        %mul3A_538 = arith.mulf %gather3A_455, %mul3A_537 : vector<16xf32>
        tpu.vector_store_idx %arg23[%shift_right_logical3A_447, %and3A_450, %add3A_15], %mul3A_538 : memref<8x8x128xf32, #tpu.memory_space<vmem>>[vector<16xi32>, vector<16xi32>, vector<16xi32>], vector<16xf32>,
        %mul3A_539 = arith.constant 8.000000e+00 : f32
        %mul3A_540 = vector.broadcast %mul3A_539 : f32 to vector<16xf32>
        %mul3A_541 = arith.mulf %gather3A_456, %mul3A_540 : vector<16xf32>
        tpu.vector_store_idx %arg23[%shift_right_logical3A_447, %and3A_450, %add3A_18], %mul3A_541 : memref<8x8x128xf32, #tpu.memory_space<vmem>>[vector<16xi32>, vector<16xi32>, vector<16xi32>], vector<16xf32>,
        %mul3A_542 = arith.constant 8.000000e+00 : f32
        %mul3A_543 = vector.broadcast %mul3A_542 : f32 to vector<16xf32>
        %mul3A_544 = arith.mulf %gather3A_457, %mul3A_543 : vector<16xf32>
        tpu.vector_store_idx %arg23[%shift_right_logical3A_447, %and3A_450, %add3A_21], %mul3A_544 : memref<8x8x128xf32, #tpu.memory_space<vmem>>[vector<16xi32>, vector<16xi32>, vector<16xi32>], vector<16xf32>,
        %mul3A_545 = arith.constant 8.000000e+00 : f32
        %mul3A_546 = vector.broadcast %mul3A_545 : f32 to vector<16xf32>
        %mul3A_547 = arith.mulf %gather3A_458, %mul3A_546 : vector<16xf32>
        tpu.vector_store_idx %arg23[%shift_right_logical3A_447, %and3A_450, %add3A_24], %mul3A_547 : memref<8x8x128xf32, #tpu.memory_space<vmem>>[vector<16xi32>, vector<16xi32>, vector<16xi32>], vector<16xf32>,
        %mul3A_548 = arith.constant 8.000000e+00 : f32
        %mul3A_549 = vector.broadcast %mul3A_548 : f32 to vector<16xf32>
        %mul3A_550 = arith.mulf %gather3A_468, %mul3A_549 : vector<16xf32>
        tpu.vector_store_idx %arg23[%shift_right_logical3A_464, %and3A_467, %add3A_3], %mul3A_550 : memref<8x8x128xf32, #tpu.memory_space<vmem>>[vector<16xi32>, vector<16xi32>, vector<16xi32>], vector<16xf32>,
        %mul3A_551 = arith.constant 8.000000e+00 : f32
        %mul3A_552 = vector.broadcast %mul3A_551 : f32 to vector<16xf32>
        %mul3A_553 = arith.mulf %gather3A_469, %mul3A_552 : vector<16xf32>
        tpu.vector_store_idx %arg23[%shift_right_logical3A_464, %and3A_467, %add3A_6], %mul3A_553 : memref<8x8x128xf32, #tpu.memory_space<vmem>>[vector<16xi32>, vector<16xi32>, vector<16xi32>], vector<16xf32>,
        %mul3A_554 = arith.constant 8.000000e+00 : f32
        %mul3A_555 = vector.broadcast %mul3A_554 : f32 to vector<16xf32>
        %mul3A_556 = arith.mulf %gather3A_470, %mul3A_555 : vector<16xf32>
        tpu.vector_store_idx %arg23[%shift_right_logical3A_464, %and3A_467, %add3A_9], %mul3A_556 : memref<8x8x128xf32, #tpu.memory_space<vmem>>[vector<16xi32>, vector<16xi32>, vector<16xi32>], vector<16xf32>,
        %mul3A_557 = arith.constant 8.000000e+00 : f32
        %mul3A_558 = vector.broadcast %mul3A_557 : f32 to vector<16xf32>
        %mul3A_559 = arith.mulf %gather3A_471, %mul3A_558 : vector<16xf32>
        tpu.vector_store_idx %arg23[%shift_right_logical3A_464, %and3A_467, %add3A_12], %mul3A_559 : memref<8x8x128xf32, #tpu.memory_space<vmem>>[vector<16xi32>, vector<16xi32>, vector<16xi32>], vector<16xf32>,
        %mul3A_560 = arith.constant 8.000000e+00 : f32
        %mul3A_561 = vector.broadcast %mul3A_560 : f32 to vector<16xf32>
        %mul3A_562 = arith.mulf %gather3A_472, %mul3A_561 : vector<16xf32>
        tpu.vector_store_idx %arg23[%shift_right_logical3A_464, %and3A_467, %add3A_15], %mul3A_562 : memref<8x8x128xf32, #tpu.memory_space<vmem>>[vector<16xi32>, vector<16xi32>, vector<16xi32>], vector<16xf32>,
        %mul3A_563 = arith.constant 8.000000e+00 : f32
        %mul3A_564 = vector.broadcast %mul3A_563 : f32 to vector<16xf32>
        %mul3A_565 = arith.mulf %gather3A_473, %mul3A_564 : vector<16xf32>
        tpu.vector_store_idx %arg23[%shift_right_logical3A_464, %and3A_467, %add3A_18], %mul3A_565 : memref<8x8x128xf32, #tpu.memory_space<vmem>>[vector<16xi32>, vector<16xi32>, vector<16xi32>], vector<16xf32>,
        %mul3A_566 = arith.constant 8.000000e+00 : f32
        %mul3A_567 = vector.broadcast %mul3A_566 : f32 to vector<16xf32>
        %mul3A_568 = arith.mulf %gather3A_474, %mul3A_567 : vector<16xf32>
        tpu.vector_store_idx %arg23[%shift_right_logical3A_464, %and3A_467, %add3A_21], %mul3A_568 : memref<8x8x128xf32, #tpu.memory_space<vmem>>[vector<16xi32>, vector<16xi32>, vector<16xi32>], vector<16xf32>,
        %mul3A_569 = arith.constant 8.000000e+00 : f32
        %mul3A_570 = vector.broadcast %mul3A_569 : f32 to vector<16xf32>
        %mul3A_571 = arith.mulf %gather3A_475, %mul3A_570 : vector<16xf32>
        tpu.vector_store_idx %arg23[%shift_right_logical3A_464, %and3A_467, %add3A_24], %mul3A_571 : memref<8x8x128xf32, #tpu.memory_space<vmem>>[vector<16xi32>, vector<16xi32>, vector<16xi32>], vector<16xf32>,
      }
      %scan3A_227 = arith.constant 16 : i32
      %jit3A_228 = arith.constant 50 : i32
      %div3A_229 = arith.divsi %add3A_203, %jit3A_228 : i32
      %sign3A_230 = arith.constant 0 : i32
      %sign3A_231 = arith.cmpi sgt, %add3A_203, %sign3A_230 : i32
      %sign3A_232 = arith.extui %sign3A_231 : i1 to i32
      %sign3A_233 = arith.constant 0 : i32
      %sign3A_234 = arith.cmpi slt, %add3A_203, %sign3A_233 : i32
      %sign3A_235 = arith.extui %sign3A_234 : i1 to i32
      %sign3A_236 = arith.subi %sign3A_232, %sign3A_235 : i32
      %sign3A_237 = arith.constant 0 : i32
      %sign3A_238 = arith.cmpi sgt, %jit3A_228, %sign3A_237 : i32
      %sign3A_239 = arith.extui %sign3A_238 : i1 to i32
      %sign3A_240 = arith.constant 0 : i32
      %sign3A_241 = arith.cmpi slt, %jit3A_228, %sign3A_240 : i32
      %sign3A_242 = arith.extui %sign3A_241 : i1 to i32
      %sign3A_243 = arith.subi %sign3A_239, %sign3A_242 : i32
      %ne3A_244 = arith.cmpi ne, %sign3A_236, %sign3A_243 : i32
      %rem3A_245 = arith.remsi %add3A_203, %jit3A_228 : i32
      %ne3A_246 = arith.constant 0 : i32
      %ne3A_247 = arith.cmpi ne, %rem3A_245, %ne3A_246 : i32
      %and3A_248 = arith.andi %ne3A_244, %ne3A_247 : i1
      %sub3A_249 = arith.constant 1 : i32
      %sub3A_250 = arith.subi %div3A_229, %sub3A_249 : i32
      %select_n3A_251 = arith.select %and3A_248, %sub3A_250, %div3A_229 : i32
      %mul3A_252 = arith.constant 50 : i32
      %mul3A_253 = arith.muli %select_n3A_251, %mul3A_252 : i32
      %sub3A_254 = arith.subi %add3A_203, %mul3A_253 : i32
      %mul3A_255 = arith.constant 4 : i32
      %mul3A_256 = arith.muli %add3A, %mul3A_255 : i32
      %add3A_257 = arith.addi %mul3A_256, %select_n3A_251 : i32
      %dma_start3A_258 = arith.constant 0 : i32
      %dma_start3A_259 = arith.constant 0 : i32
      %dma_start3A_260 = arith.constant 0 : i32
      %dma_start3A_261 = tpu.memref_slice %arg4[%sub3A_254, %dma_start3A_258, %add3A_257, %dma_start3A_259, %dma_start3A_260] : memref<50x8x128x8x128xf32, #tpu.memory_space<hbm>> -> memref<1x8x1x8x128xf32, #tpu.memory_space<hbm>>
      %dma_start3A_262 = tpu.memref_squeeze %dma_start3A_261 : memref<1x8x1x8x128xf32, #tpu.memory_space<hbm>> -> memref<8x8x128xf32, #tpu.memory_space<hbm>>
      %dma_start3A_263 = arith.constant 0 : i32
      %dma_start3A_264 = arith.constant 0 : i32
      %dma_start3A_265 = arith.constant 0 : i32
      %dma_start3A_266 = tpu.memref_slice %arg4[%sub3A_254, %dma_start3A_263, %add3A_257, %dma_start3A_264, %dma_start3A_265] : memref<50x8x128x8x128xf32, #tpu.memory_space<hbm>> -> memref<1x8x1x8x128xf32, #tpu.memory_space<hbm>>
      %dma_start3A_267 = tpu.memref_squeeze %dma_start3A_266 : memref<1x8x1x8x128xf32, #tpu.memory_space<hbm>> -> memref<8x8x128xf32, #tpu.memory_space<hbm>>
      tpu.enqueue_dma source(%arg23 : memref<8x8x128xf32, #tpu.memory_space<vmem>>) target(%dma_start3A_267 : memref<8x8x128xf32, #tpu.memory_space<hbm>>) target_semaphore(%arg18 : memref<!tpu.dma_semaphore, #tpu.memory_space<semaphore_mem>>)
      %add3A_268 = arith.constant 3 : i32
      %add3A_269 = arith.addi %add3A_81, %add3A_268 : i32
      %ge3A_270 = arith.constant 3 : i32
      %ge3A_271 = arith.cmpi sge, %add3A_269, %ge3A_270 : i32
      %convert_element_type3A_272 = arith.extui %ge3A_271 : i1 to i32
      %cond3A_273 = arith.constant 0 : i32
      %cond3A_274 = arith.cmpi ne, %convert_element_type3A_272, %cond3A_273 : i32
      scf.if %cond3A_274 {
        %dma_wait3A_400 = arith.constant 0 : i32
        %dma_wait3A_401 = arith.constant 0 : i32
        %dma_wait3A_402 = arith.constant 0 : i32
        %dma_wait3A_403 = arith.constant 0 : i32
        %dma_wait3A_404 = arith.constant 0 : i32
        %dma_wait3A_405 = tpu.memref_slice %arg4[%dma_wait3A_400, %dma_wait3A_402, %dma_wait3A_401, %dma_wait3A_403, %dma_wait3A_404] : memref<50x8x128x8x128xf32, #tpu.memory_space<hbm>> -> memref<1x8x1x8x128xf32, #tpu.memory_space<hbm>>
        %dma_wait3A_406 = tpu.memref_squeeze %dma_wait3A_405 : memref<1x8x1x8x128xf32, #tpu.memory_space<hbm>> -> memref<8x8x128xf32, #tpu.memory_space<hbm>>
        %dma_wait3A_407 = arith.constant 0 : i32
        %dma_wait3A_408 = arith.constant 0 : i32
        %dma_wait3A_409 = arith.constant 0 : i32
        %dma_wait3A_410 = tpu.memref_slice %arg4[%dma_wait3A_400, %dma_wait3A_407, %dma_wait3A_401, %dma_wait3A_408, %dma_wait3A_409] : memref<50x8x128x8x128xf32, #tpu.memory_space<hbm>> -> memref<1x8x1x8x128xf32, #tpu.memory_space<hbm>>
        %dma_wait3A_411 = tpu.memref_squeeze %dma_wait3A_410 : memref<1x8x1x8x128xf32, #tpu.memory_space<hbm>> -> memref<8x8x128xf32, #tpu.memory_space<hbm>>
        tpu.wait_dma2 semaphore(%arg16 : memref<!tpu.dma_semaphore, #tpu.memory_space<semaphore_mem>>) src(%arg21 : memref<8x8x128xf32, #tpu.memory_space<vmem>>) dst(%dma_wait3A_411 : memref<8x8x128xf32, #tpu.memory_space<hbm>>)
      } else {
      }
      %add3A_275 = arith.constant 2 : i32
      %add3A_276 = arith.addi %add3A_269, %add3A_275 : i32
      %lt3A_277 = arith.constant 200 : i32
      %lt3A_278 = arith.cmpi slt, %add3A_276, %lt3A_277 : i32
      %convert_element_type3A_279 = arith.extui %lt3A_278 : i1 to i32
      %cond3A_280 = arith.constant 0 : i32
      %cond3A_281 = arith.cmpi ne, %convert_element_type3A_279, %cond3A_280 : i32
      scf.if %cond3A_281 {
        %add3A_400 = arith.constant 2 : i32
        %add3A_401 = arith.addi %add3A_269, %add3A_400 : i32
        %jit3A_402 = arith.constant 50 : i32
        %div3A_403 = arith.divsi %add3A_401, %jit3A_402 : i32
        %sign3A_404 = arith.constant 0 : i32
        %sign3A_405 = arith.cmpi sgt, %add3A_401, %sign3A_404 : i32
        %sign3A_406 = arith.extui %sign3A_405 : i1 to i32
        %sign3A_407 = arith.constant 0 : i32
        %sign3A_408 = arith.cmpi slt, %add3A_401, %sign3A_407 : i32
        %sign3A_409 = arith.extui %sign3A_408 : i1 to i32
        %sign3A_410 = arith.subi %sign3A_406, %sign3A_409 : i32
        %sign3A_411 = arith.constant 0 : i32
        %sign3A_412 = arith.cmpi sgt, %jit3A_402, %sign3A_411 : i32
        %sign3A_413 = arith.extui %sign3A_412 : i1 to i32
        %sign3A_414 = arith.constant 0 : i32
        %sign3A_415 = arith.cmpi slt, %jit3A_402, %sign3A_414 : i32
        %sign3A_416 = arith.extui %sign3A_415 : i1 to i32
        %sign3A_417 = arith.subi %sign3A_413, %sign3A_416 : i32
        %ne3A_418 = arith.cmpi ne, %sign3A_410, %sign3A_417 : i32
        %rem3A_419 = arith.remsi %add3A_401, %jit3A_402 : i32
        %ne3A_420 = arith.constant 0 : i32
        %ne3A_421 = arith.cmpi ne, %rem3A_419, %ne3A_420 : i32
        %and3A_422 = arith.andi %ne3A_418, %ne3A_421 : i1
        %sub3A_423 = arith.constant 1 : i32
        %sub3A_424 = arith.subi %div3A_403, %sub3A_423 : i32
        %select_n3A_425 = arith.select %and3A_422, %sub3A_424, %div3A_403 : i32
        %mul3A_426 = arith.constant 50 : i32
        %mul3A_427 = arith.muli %select_n3A_425, %mul3A_426 : i32
        %sub3A_428 = arith.subi %add3A_401, %mul3A_427 : i32
        %mul3A_429 = arith.constant 128 : i32
        %mul3A_430 = arith.muli %select_n3A_425, %mul3A_429 : i32
        %dma_start3A_431 = tpu.memref_slice %arg15[%sub3A_428, %mul3A_430] : memref<50x512xi32, #tpu.memory_space<vmem>> -> memref<1x128xi32, #tpu.memory_space<vmem>>
        %dma_start3A_432 = tpu.memref_squeeze %dma_start3A_431 : memref<1x128xi32, #tpu.memory_space<vmem>> -> memref<128xi32, #tpu.memory_space<vmem>>
        %dma_start3A_433 = arith.constant 0 : i32
        %dma_start3A_434 = arith.constant 0 : i32
        %dma_start3A_435 = tpu.memref_slice %arg3[%dma_start3A_433, %dma_start3A_434] : memref<1000000x64xf32, #tpu.memory_space<hbm>> -> memref<1000000x64xf32, #tpu.memory_space<hbm>>
        tpu.enqueue_indirect_dma source(%dma_start3A_435 : memref<1000000x64xf32, #tpu.memory_space<hbm>>) target(%arg5 : memref<128x64xf32, #tpu.memory_space<vmem>>) offsets(%dma_start3A_432 : memref<128xi32, #tpu.memory_space<vmem>>) semaphore(%arg10 : memref<!tpu.dma_semaphore, #tpu.memory_space<semaphore_mem>>)
      } else {
      }
      %dma_wait3A_282 = arith.constant 0 : i32
      %dma_wait3A_283 = arith.constant 0 : i32
      %dma_wait3A_284 = tpu.memref_slice %arg15[%dma_wait3A_282, %dma_wait3A_283] : memref<50x512xi32, #tpu.memory_space<vmem>> -> memref<1x128xi32, #tpu.memory_space<vmem>>
      %dma_wait3A_285 = tpu.memref_squeeze %dma_wait3A_284 : memref<1x128xi32, #tpu.memory_space<vmem>> -> memref<128xi32, #tpu.memory_space<vmem>>
      %dma_wait3A_286 = arith.constant 0 : i32
      %dma_wait3A_287 = arith.constant 0 : i32
      %dma_wait3A_288 = tpu.memref_slice %arg3[%dma_wait3A_286, %dma_wait3A_287] : memref<1000000x64xf32, #tpu.memory_space<hbm>> -> memref<1000000x64xf32, #tpu.memory_space<hbm>>
      tpu.wait_indirect_dma semaphore(%arg13 : memref<!tpu.dma_semaphore, #tpu.memory_space<semaphore_mem>>) src(%dma_wait3A_288 : memref<1000000x64xf32, #tpu.memory_space<hbm>>) dst(%arg8 : memref<128x64xf32, #tpu.memory_space<vmem>>)
      %scan3A_289 = arith.constant 0 : i32
      %scan3A_290 = arith.constant 16 : i32
      %scan3A_291 = arith.addi %scan3A_289, %scan3A_290 : i32
      %scan3A_292 = arith.constant 1 : i32
      scf.for %scan3A_400 = %scan3A_289 to %scan3A_291 step %scan3A_292  : i32 {
        %mul3A_401 = arith.constant 1 : i32
        %mul3A_402 = arith.muli %scan3A_400, %mul3A_401 : i32
        %add3A_403 = arith.constant 0 : i32
        %add3A_404 = arith.addi %add3A_403, %mul3A_402 : i32
        %add3A_405 = vector.broadcast %add3A_404 : i32 to vector<16xi32>
        %add3A_406 = arith.addi %iota3A, %add3A_405 : vector<16xi32>
        %and3A_407 = arith.constant 15 : i32
        %and3A_408 = vector.broadcast %and3A_407 : i32 to vector<16xi32>
        %and3A_409 = arith.andi %add3A_406, %and3A_408 : vector<16xi32>
        %add3A_410 = arith.constant 0 : i32
        %add3A_411 = vector.broadcast %add3A_410 : i32 to vector<16xi32>
        %add3A_412 = arith.addi %and3A_409, %add3A_411 : vector<16xi32>
        %shift_right_logical3A = arith.constant 3 : i32
        %shift_right_logical3A_413 = vector.broadcast %shift_right_logical3A : i32 to vector<16xi32>
        %shift_right_logical3A_414 = arith.shrui %add3A_412, %shift_right_logical3A_413 : vector<16xi32>
        %and3A_415 = arith.constant 7 : i32
        %and3A_416 = vector.broadcast %and3A_415 : i32 to vector<16xi32>
        %and3A_417 = arith.andi %add3A_412, %and3A_416 : vector<16xi32>
        %gather3A = tpu.vector_load_idx %arg8[%add3A_3, %add3A_412] : memref<128x64xf32, #tpu.memory_space<vmem>>[vector<16xi32>, vector<16xi32>], vector<16xf32>,
        %gather3A_418 = tpu.vector_load_idx %arg8[%add3A_6, %add3A_412] : memref<128x64xf32, #tpu.memory_space<vmem>>[vector<16xi32>, vector<16xi32>], vector<16xf32>,
        %gather3A_419 = tpu.vector_load_idx %arg8[%add3A_9, %add3A_412] : memref<128x64xf32, #tpu.memory_space<vmem>>[vector<16xi32>, vector<16xi32>], vector<16xf32>,
        %gather3A_420 = tpu.vector_load_idx %arg8[%add3A_12, %add3A_412] : memref<128x64xf32, #tpu.memory_space<vmem>>[vector<16xi32>, vector<16xi32>], vector<16xf32>,
        %gather3A_421 = tpu.vector_load_idx %arg8[%add3A_15, %add3A_412] : memref<128x64xf32, #tpu.memory_space<vmem>>[vector<16xi32>, vector<16xi32>], vector<16xf32>,
        %gather3A_422 = tpu.vector_load_idx %arg8[%add3A_18, %add3A_412] : memref<128x64xf32, #tpu.memory_space<vmem>>[vector<16xi32>, vector<16xi32>], vector<16xf32>,
        %gather3A_423 = tpu.vector_load_idx %arg8[%add3A_21, %add3A_412] : memref<128x64xf32, #tpu.memory_space<vmem>>[vector<16xi32>, vector<16xi32>], vector<16xf32>,
        %gather3A_424 = tpu.vector_load_idx %arg8[%add3A_24, %add3A_412] : memref<128x64xf32, #tpu.memory_space<vmem>>[vector<16xi32>, vector<16xi32>], vector<16xf32>,
        %add3A_425 = arith.constant 16 : i32
        %add3A_426 = vector.broadcast %add3A_425 : i32 to vector<16xi32>
        %add3A_427 = arith.addi %and3A_409, %add3A_426 : vector<16xi32>
        %shift_right_logical3A_428 = arith.constant 3 : i32
        %shift_right_logical3A_429 = vector.broadcast %shift_right_logical3A_428 : i32 to vector<16xi32>
        %shift_right_logical3A_430 = arith.shrui %add3A_427, %shift_right_logical3A_429 : vector<16xi32>
        %and3A_431 = arith.constant 7 : i32
        %and3A_432 = vector.broadcast %and3A_431 : i32 to vector<16xi32>
        %and3A_433 = arith.andi %add3A_427, %and3A_432 : vector<16xi32>
        %gather3A_434 = tpu.vector_load_idx %arg8[%add3A_3, %add3A_427] : memref<128x64xf32, #tpu.memory_space<vmem>>[vector<16xi32>, vector<16xi32>], vector<16xf32>,
        %gather3A_435 = tpu.vector_load_idx %arg8[%add3A_6, %add3A_427] : memref<128x64xf32, #tpu.memory_space<vmem>>[vector<16xi32>, vector<16xi32>], vector<16xf32>,
        %gather3A_436 = tpu.vector_load_idx %arg8[%add3A_9, %add3A_427] : memref<128x64xf32, #tpu.memory_space<vmem>>[vector<16xi32>, vector<16xi32>], vector<16xf32>,
        %gather3A_437 = tpu.vector_load_idx %arg8[%add3A_12, %add3A_427] : memref<128x64xf32, #tpu.memory_space<vmem>>[vector<16xi32>, vector<16xi32>], vector<16xf32>,
        %gather3A_438 = tpu.vector_load_idx %arg8[%add3A_15, %add3A_427] : memref<128x64xf32, #tpu.memory_space<vmem>>[vector<16xi32>, vector<16xi32>], vector<16xf32>,
        %gather3A_439 = tpu.vector_load_idx %arg8[%add3A_18, %add3A_427] : memref<128x64xf32, #tpu.memory_space<vmem>>[vector<16xi32>, vector<16xi32>], vector<16xf32>,
        %gather3A_440 = tpu.vector_load_idx %arg8[%add3A_21, %add3A_427] : memref<128x64xf32, #tpu.memory_space<vmem>>[vector<16xi32>, vector<16xi32>], vector<16xf32>,
        %gather3A_441 = tpu.vector_load_idx %arg8[%add3A_24, %add3A_427] : memref<128x64xf32, #tpu.memory_space<vmem>>[vector<16xi32>, vector<16xi32>], vector<16xf32>,
        %add3A_442 = arith.constant 32 : i32
        %add3A_443 = vector.broadcast %add3A_442 : i32 to vector<16xi32>
        %add3A_444 = arith.addi %and3A_409, %add3A_443 : vector<16xi32>
        %shift_right_logical3A_445 = arith.constant 3 : i32
        %shift_right_logical3A_446 = vector.broadcast %shift_right_logical3A_445 : i32 to vector<16xi32>
        %shift_right_logical3A_447 = arith.shrui %add3A_444, %shift_right_logical3A_446 : vector<16xi32>
        %and3A_448 = arith.constant 7 : i32
        %and3A_449 = vector.broadcast %and3A_448 : i32 to vector<16xi32>
        %and3A_450 = arith.andi %add3A_444, %and3A_449 : vector<16xi32>
        %gather3A_451 = tpu.vector_load_idx %arg8[%add3A_3, %add3A_444] : memref<128x64xf32, #tpu.memory_space<vmem>>[vector<16xi32>, vector<16xi32>], vector<16xf32>,
        %gather3A_452 = tpu.vector_load_idx %arg8[%add3A_6, %add3A_444] : memref<128x64xf32, #tpu.memory_space<vmem>>[vector<16xi32>, vector<16xi32>], vector<16xf32>,
        %gather3A_453 = tpu.vector_load_idx %arg8[%add3A_9, %add3A_444] : memref<128x64xf32, #tpu.memory_space<vmem>>[vector<16xi32>, vector<16xi32>], vector<16xf32>,
        %gather3A_454 = tpu.vector_load_idx %arg8[%add3A_12, %add3A_444] : memref<128x64xf32, #tpu.memory_space<vmem>>[vector<16xi32>, vector<16xi32>], vector<16xf32>,
        %gather3A_455 = tpu.vector_load_idx %arg8[%add3A_15, %add3A_444] : memref<128x64xf32, #tpu.memory_space<vmem>>[vector<16xi32>, vector<16xi32>], vector<16xf32>,
        %gather3A_456 = tpu.vector_load_idx %arg8[%add3A_18, %add3A_444] : memref<128x64xf32, #tpu.memory_space<vmem>>[vector<16xi32>, vector<16xi32>], vector<16xf32>,
        %gather3A_457 = tpu.vector_load_idx %arg8[%add3A_21, %add3A_444] : memref<128x64xf32, #tpu.memory_space<vmem>>[vector<16xi32>, vector<16xi32>], vector<16xf32>,
        %gather3A_458 = tpu.vector_load_idx %arg8[%add3A_24, %add3A_444] : memref<128x64xf32, #tpu.memory_space<vmem>>[vector<16xi32>, vector<16xi32>], vector<16xf32>,
        %add3A_459 = arith.constant 48 : i32
        %add3A_460 = vector.broadcast %add3A_459 : i32 to vector<16xi32>
        %add3A_461 = arith.addi %and3A_409, %add3A_460 : vector<16xi32>
        %shift_right_logical3A_462 = arith.constant 3 : i32
        %shift_right_logical3A_463 = vector.broadcast %shift_right_logical3A_462 : i32 to vector<16xi32>
        %shift_right_logical3A_464 = arith.shrui %add3A_461, %shift_right_logical3A_463 : vector<16xi32>
        %and3A_465 = arith.constant 7 : i32
        %and3A_466 = vector.broadcast %and3A_465 : i32 to vector<16xi32>
        %and3A_467 = arith.andi %add3A_461, %and3A_466 : vector<16xi32>
        %gather3A_468 = tpu.vector_load_idx %arg8[%add3A_3, %add3A_461] : memref<128x64xf32, #tpu.memory_space<vmem>>[vector<16xi32>, vector<16xi32>], vector<16xf32>,
        %gather3A_469 = tpu.vector_load_idx %arg8[%add3A_6, %add3A_461] : memref<128x64xf32, #tpu.memory_space<vmem>>[vector<16xi32>, vector<16xi32>], vector<16xf32>,
        %gather3A_470 = tpu.vector_load_idx %arg8[%add3A_9, %add3A_461] : memref<128x64xf32, #tpu.memory_space<vmem>>[vector<16xi32>, vector<16xi32>], vector<16xf32>,
        %gather3A_471 = tpu.vector_load_idx %arg8[%add3A_12, %add3A_461] : memref<128x64xf32, #tpu.memory_space<vmem>>[vector<16xi32>, vector<16xi32>], vector<16xf32>,
        %gather3A_472 = tpu.vector_load_idx %arg8[%add3A_15, %add3A_461] : memref<128x64xf32, #tpu.memory_space<vmem>>[vector<16xi32>, vector<16xi32>], vector<16xf32>,
        %gather3A_473 = tpu.vector_load_idx %arg8[%add3A_18, %add3A_461] : memref<128x64xf32, #tpu.memory_space<vmem>>[vector<16xi32>, vector<16xi32>], vector<16xf32>,
        %gather3A_474 = tpu.vector_load_idx %arg8[%add3A_21, %add3A_461] : memref<128x64xf32, #tpu.memory_space<vmem>>[vector<16xi32>, vector<16xi32>], vector<16xf32>,
        %gather3A_475 = tpu.vector_load_idx %arg8[%add3A_24, %add3A_461] : memref<128x64xf32, #tpu.memory_space<vmem>>[vector<16xi32>, vector<16xi32>], vector<16xf32>,
        %mul3A_476 = arith.constant 8.000000e+00 : f32
        %mul3A_477 = vector.broadcast %mul3A_476 : f32 to vector<16xf32>
        %mul3A_478 = arith.mulf %gather3A, %mul3A_477 : vector<16xf32>
        tpu.vector_store_idx %arg24[%shift_right_logical3A_414, %and3A_417, %add3A_3], %mul3A_478 : memref<8x8x128xf32, #tpu.memory_space<vmem>>[vector<16xi32>, vector<16xi32>, vector<16xi32>], vector<16xf32>,
        %mul3A_479 = arith.constant 8.000000e+00 : f32
        %mul3A_480 = vector.broadcast %mul3A_479 : f32 to vector<16xf32>
        %mul3A_481 = arith.mulf %gather3A_418, %mul3A_480 : vector<16xf32>
        tpu.vector_store_idx %arg24[%shift_right_logical3A_414, %and3A_417, %add3A_6], %mul3A_481 : memref<8x8x128xf32, #tpu.memory_space<vmem>>[vector<16xi32>, vector<16xi32>, vector<16xi32>], vector<16xf32>,
        %mul3A_482 = arith.constant 8.000000e+00 : f32
        %mul3A_483 = vector.broadcast %mul3A_482 : f32 to vector<16xf32>
        %mul3A_484 = arith.mulf %gather3A_419, %mul3A_483 : vector<16xf32>
        tpu.vector_store_idx %arg24[%shift_right_logical3A_414, %and3A_417, %add3A_9], %mul3A_484 : memref<8x8x128xf32, #tpu.memory_space<vmem>>[vector<16xi32>, vector<16xi32>, vector<16xi32>], vector<16xf32>,
        %mul3A_485 = arith.constant 8.000000e+00 : f32
        %mul3A_486 = vector.broadcast %mul3A_485 : f32 to vector<16xf32>
        %mul3A_487 = arith.mulf %gather3A_420, %mul3A_486 : vector<16xf32>
        tpu.vector_store_idx %arg24[%shift_right_logical3A_414, %and3A_417, %add3A_12], %mul3A_487 : memref<8x8x128xf32, #tpu.memory_space<vmem>>[vector<16xi32>, vector<16xi32>, vector<16xi32>], vector<16xf32>,
        %mul3A_488 = arith.constant 8.000000e+00 : f32
        %mul3A_489 = vector.broadcast %mul3A_488 : f32 to vector<16xf32>
        %mul3A_490 = arith.mulf %gather3A_421, %mul3A_489 : vector<16xf32>
        tpu.vector_store_idx %arg24[%shift_right_logical3A_414, %and3A_417, %add3A_15], %mul3A_490 : memref<8x8x128xf32, #tpu.memory_space<vmem>>[vector<16xi32>, vector<16xi32>, vector<16xi32>], vector<16xf32>,
        %mul3A_491 = arith.constant 8.000000e+00 : f32
        %mul3A_492 = vector.broadcast %mul3A_491 : f32 to vector<16xf32>
        %mul3A_493 = arith.mulf %gather3A_422, %mul3A_492 : vector<16xf32>
        tpu.vector_store_idx %arg24[%shift_right_logical3A_414, %and3A_417, %add3A_18], %mul3A_493 : memref<8x8x128xf32, #tpu.memory_space<vmem>>[vector<16xi32>, vector<16xi32>, vector<16xi32>], vector<16xf32>,
        %mul3A_494 = arith.constant 8.000000e+00 : f32
        %mul3A_495 = vector.broadcast %mul3A_494 : f32 to vector<16xf32>
        %mul3A_496 = arith.mulf %gather3A_423, %mul3A_495 : vector<16xf32>
        tpu.vector_store_idx %arg24[%shift_right_logical3A_414, %and3A_417, %add3A_21], %mul3A_496 : memref<8x8x128xf32, #tpu.memory_space<vmem>>[vector<16xi32>, vector<16xi32>, vector<16xi32>], vector<16xf32>,
        %mul3A_497 = arith.constant 8.000000e+00 : f32
        %mul3A_498 = vector.broadcast %mul3A_497 : f32 to vector<16xf32>
        %mul3A_499 = arith.mulf %gather3A_424, %mul3A_498 : vector<16xf32>
        tpu.vector_store_idx %arg24[%shift_right_logical3A_414, %and3A_417, %add3A_24], %mul3A_499 : memref<8x8x128xf32, #tpu.memory_space<vmem>>[vector<16xi32>, vector<16xi32>, vector<16xi32>], vector<16xf32>,
        %mul3A_500 = arith.constant 8.000000e+00 : f32
        %mul3A_501 = vector.broadcast %mul3A_500 : f32 to vector<16xf32>
        %mul3A_502 = arith.mulf %gather3A_434, %mul3A_501 : vector<16xf32>
        tpu.vector_store_idx %arg24[%shift_right_logical3A_430, %and3A_433, %add3A_3], %mul3A_502 : memref<8x8x128xf32, #tpu.memory_space<vmem>>[vector<16xi32>, vector<16xi32>, vector<16xi32>], vector<16xf32>,
        %mul3A_503 = arith.constant 8.000000e+00 : f32
        %mul3A_504 = vector.broadcast %mul3A_503 : f32 to vector<16xf32>
        %mul3A_505 = arith.mulf %gather3A_435, %mul3A_504 : vector<16xf32>
        tpu.vector_store_idx %arg24[%shift_right_logical3A_430, %and3A_433, %add3A_6], %mul3A_505 : memref<8x8x128xf32, #tpu.memory_space<vmem>>[vector<16xi32>, vector<16xi32>, vector<16xi32>], vector<16xf32>,
        %mul3A_506 = arith.constant 8.000000e+00 : f32
        %mul3A_507 = vector.broadcast %mul3A_506 : f32 to vector<16xf32>
        %mul3A_508 = arith.mulf %gather3A_436, %mul3A_507 : vector<16xf32>
        tpu.vector_store_idx %arg24[%shift_right_logical3A_430, %and3A_433, %add3A_9], %mul3A_508 : memref<8x8x128xf32, #tpu.memory_space<vmem>>[vector<16xi32>, vector<16xi32>, vector<16xi32>], vector<16xf32>,
        %mul3A_509 = arith.constant 8.000000e+00 : f32
        %mul3A_510 = vector.broadcast %mul3A_509 : f32 to vector<16xf32>
        %mul3A_511 = arith.mulf %gather3A_437, %mul3A_510 : vector<16xf32>
        tpu.vector_store_idx %arg24[%shift_right_logical3A_430, %and3A_433, %add3A_12], %mul3A_511 : memref<8x8x128xf32, #tpu.memory_space<vmem>>[vector<16xi32>, vector<16xi32>, vector<16xi32>], vector<16xf32>,
        %mul3A_512 = arith.constant 8.000000e+00 : f32
        %mul3A_513 = vector.broadcast %mul3A_512 : f32 to vector<16xf32>
        %mul3A_514 = arith.mulf %gather3A_438, %mul3A_513 : vector<16xf32>
        tpu.vector_store_idx %arg24[%shift_right_logical3A_430, %and3A_433, %add3A_15], %mul3A_514 : memref<8x8x128xf32, #tpu.memory_space<vmem>>[vector<16xi32>, vector<16xi32>, vector<16xi32>], vector<16xf32>,
        %mul3A_515 = arith.constant 8.000000e+00 : f32
        %mul3A_516 = vector.broadcast %mul3A_515 : f32 to vector<16xf32>
        %mul3A_517 = arith.mulf %gather3A_439, %mul3A_516 : vector<16xf32>
        tpu.vector_store_idx %arg24[%shift_right_logical3A_430, %and3A_433, %add3A_18], %mul3A_517 : memref<8x8x128xf32, #tpu.memory_space<vmem>>[vector<16xi32>, vector<16xi32>, vector<16xi32>], vector<16xf32>,
        %mul3A_518 = arith.constant 8.000000e+00 : f32
        %mul3A_519 = vector.broadcast %mul3A_518 : f32 to vector<16xf32>
        %mul3A_520 = arith.mulf %gather3A_440, %mul3A_519 : vector<16xf32>
        tpu.vector_store_idx %arg24[%shift_right_logical3A_430, %and3A_433, %add3A_21], %mul3A_520 : memref<8x8x128xf32, #tpu.memory_space<vmem>>[vector<16xi32>, vector<16xi32>, vector<16xi32>], vector<16xf32>,
        %mul3A_521 = arith.constant 8.000000e+00 : f32
        %mul3A_522 = vector.broadcast %mul3A_521 : f32 to vector<16xf32>
        %mul3A_523 = arith.mulf %gather3A_441, %mul3A_522 : vector<16xf32>
        tpu.vector_store_idx %arg24[%shift_right_logical3A_430, %and3A_433, %add3A_24], %mul3A_523 : memref<8x8x128xf32, #tpu.memory_space<vmem>>[vector<16xi32>, vector<16xi32>, vector<16xi32>], vector<16xf32>,
        %mul3A_524 = arith.constant 8.000000e+00 : f32
        %mul3A_525 = vector.broadcast %mul3A_524 : f32 to vector<16xf32>
        %mul3A_526 = arith.mulf %gather3A_451, %mul3A_525 : vector<16xf32>
        tpu.vector_store_idx %arg24[%shift_right_logical3A_447, %and3A_450, %add3A_3], %mul3A_526 : memref<8x8x128xf32, #tpu.memory_space<vmem>>[vector<16xi32>, vector<16xi32>, vector<16xi32>], vector<16xf32>,
        %mul3A_527 = arith.constant 8.000000e+00 : f32
        %mul3A_528 = vector.broadcast %mul3A_527 : f32 to vector<16xf32>
        %mul3A_529 = arith.mulf %gather3A_452, %mul3A_528 : vector<16xf32>
        tpu.vector_store_idx %arg24[%shift_right_logical3A_447, %and3A_450, %add3A_6], %mul3A_529 : memref<8x8x128xf32, #tpu.memory_space<vmem>>[vector<16xi32>, vector<16xi32>, vector<16xi32>], vector<16xf32>,
        %mul3A_530 = arith.constant 8.000000e+00 : f32
        %mul3A_531 = vector.broadcast %mul3A_530 : f32 to vector<16xf32>
        %mul3A_532 = arith.mulf %gather3A_453, %mul3A_531 : vector<16xf32>
        tpu.vector_store_idx %arg24[%shift_right_logical3A_447, %and3A_450, %add3A_9], %mul3A_532 : memref<8x8x128xf32, #tpu.memory_space<vmem>>[vector<16xi32>, vector<16xi32>, vector<16xi32>], vector<16xf32>,
        %mul3A_533 = arith.constant 8.000000e+00 : f32
        %mul3A_534 = vector.broadcast %mul3A_533 : f32 to vector<16xf32>
        %mul3A_535 = arith.mulf %gather3A_454, %mul3A_534 : vector<16xf32>
        tpu.vector_store_idx %arg24[%shift_right_logical3A_447, %and3A_450, %add3A_12], %mul3A_535 : memref<8x8x128xf32, #tpu.memory_space<vmem>>[vector<16xi32>, vector<16xi32>, vector<16xi32>], vector<16xf32>,
        %mul3A_536 = arith.constant 8.000000e+00 : f32
        %mul3A_537 = vector.broadcast %mul3A_536 : f32 to vector<16xf32>
        %mul3A_538 = arith.mulf %gather3A_455, %mul3A_537 : vector<16xf32>
        tpu.vector_store_idx %arg24[%shift_right_logical3A_447, %and3A_450, %add3A_15], %mul3A_538 : memref<8x8x128xf32, #tpu.memory_space<vmem>>[vector<16xi32>, vector<16xi32>, vector<16xi32>], vector<16xf32>,
        %mul3A_539 = arith.constant 8.000000e+00 : f32
        %mul3A_540 = vector.broadcast %mul3A_539 : f32 to vector<16xf32>
        %mul3A_541 = arith.mulf %gather3A_456, %mul3A_540 : vector<16xf32>
        tpu.vector_store_idx %arg24[%shift_right_logical3A_447, %and3A_450, %add3A_18], %mul3A_541 : memref<8x8x128xf32, #tpu.memory_space<vmem>>[vector<16xi32>, vector<16xi32>, vector<16xi32>], vector<16xf32>,
        %mul3A_542 = arith.constant 8.000000e+00 : f32
        %mul3A_543 = vector.broadcast %mul3A_542 : f32 to vector<16xf32>
        %mul3A_544 = arith.mulf %gather3A_457, %mul3A_543 : vector<16xf32>
        tpu.vector_store_idx %arg24[%shift_right_logical3A_447, %and3A_450, %add3A_21], %mul3A_544 : memref<8x8x128xf32, #tpu.memory_space<vmem>>[vector<16xi32>, vector<16xi32>, vector<16xi32>], vector<16xf32>,
        %mul3A_545 = arith.constant 8.000000e+00 : f32
        %mul3A_546 = vector.broadcast %mul3A_545 : f32 to vector<16xf32>
        %mul3A_547 = arith.mulf %gather3A_458, %mul3A_546 : vector<16xf32>
        tpu.vector_store_idx %arg24[%shift_right_logical3A_447, %and3A_450, %add3A_24], %mul3A_547 : memref<8x8x128xf32, #tpu.memory_space<vmem>>[vector<16xi32>, vector<16xi32>, vector<16xi32>], vector<16xf32>,
        %mul3A_548 = arith.constant 8.000000e+00 : f32
        %mul3A_549 = vector.broadcast %mul3A_548 : f32 to vector<16xf32>
        %mul3A_550 = arith.mulf %gather3A_468, %mul3A_549 : vector<16xf32>
        tpu.vector_store_idx %arg24[%shift_right_logical3A_464, %and3A_467, %add3A_3], %mul3A_550 : memref<8x8x128xf32, #tpu.memory_space<vmem>>[vector<16xi32>, vector<16xi32>, vector<16xi32>], vector<16xf32>,
        %mul3A_551 = arith.constant 8.000000e+00 : f32
        %mul3A_552 = vector.broadcast %mul3A_551 : f32 to vector<16xf32>
        %mul3A_553 = arith.mulf %gather3A_469, %mul3A_552 : vector<16xf32>
        tpu.vector_store_idx %arg24[%shift_right_logical3A_464, %and3A_467, %add3A_6], %mul3A_553 : memref<8x8x128xf32, #tpu.memory_space<vmem>>[vector<16xi32>, vector<16xi32>, vector<16xi32>], vector<16xf32>,
        %mul3A_554 = arith.constant 8.000000e+00 : f32
        %mul3A_555 = vector.broadcast %mul3A_554 : f32 to vector<16xf32>
        %mul3A_556 = arith.mulf %gather3A_470, %mul3A_555 : vector<16xf32>
        tpu.vector_store_idx %arg24[%shift_right_logical3A_464, %and3A_467, %add3A_9], %mul3A_556 : memref<8x8x128xf32, #tpu.memory_space<vmem>>[vector<16xi32>, vector<16xi32>, vector<16xi32>], vector<16xf32>,
        %mul3A_557 = arith.constant 8.000000e+00 : f32
        %mul3A_558 = vector.broadcast %mul3A_557 : f32 to vector<16xf32>
        %mul3A_559 = arith.mulf %gather3A_471, %mul3A_558 : vector<16xf32>
        tpu.vector_store_idx %arg24[%shift_right_logical3A_464, %and3A_467, %add3A_12], %mul3A_559 : memref<8x8x128xf32, #tpu.memory_space<vmem>>[vector<16xi32>, vector<16xi32>, vector<16xi32>], vector<16xf32>,
        %mul3A_560 = arith.constant 8.000000e+00 : f32
        %mul3A_561 = vector.broadcast %mul3A_560 : f32 to vector<16xf32>
        %mul3A_562 = arith.mulf %gather3A_472, %mul3A_561 : vector<16xf32>
        tpu.vector_store_idx %arg24[%shift_right_logical3A_464, %and3A_467, %add3A_15], %mul3A_562 : memref<8x8x128xf32, #tpu.memory_space<vmem>>[vector<16xi32>, vector<16xi32>, vector<16xi32>], vector<16xf32>,
        %mul3A_563 = arith.constant 8.000000e+00 : f32
        %mul3A_564 = vector.broadcast %mul3A_563 : f32 to vector<16xf32>
        %mul3A_565 = arith.mulf %gather3A_473, %mul3A_564 : vector<16xf32>
        tpu.vector_store_idx %arg24[%shift_right_logical3A_464, %and3A_467, %add3A_18], %mul3A_565 : memref<8x8x128xf32, #tpu.memory_space<vmem>>[vector<16xi32>, vector<16xi32>, vector<16xi32>], vector<16xf32>,
        %mul3A_566 = arith.constant 8.000000e+00 : f32
        %mul3A_567 = vector.broadcast %mul3A_566 : f32 to vector<16xf32>
        %mul3A_568 = arith.mulf %gather3A_474, %mul3A_567 : vector<16xf32>
        tpu.vector_store_idx %arg24[%shift_right_logical3A_464, %and3A_467, %add3A_21], %mul3A_568 : memref<8x8x128xf32, #tpu.memory_space<vmem>>[vector<16xi32>, vector<16xi32>, vector<16xi32>], vector<16xf32>,
        %mul3A_569 = arith.constant 8.000000e+00 : f32
        %mul3A_570 = vector.broadcast %mul3A_569 : f32 to vector<16xf32>
        %mul3A_571 = arith.mulf %gather3A_475, %mul3A_570 : vector<16xf32>
        tpu.vector_store_idx %arg24[%shift_right_logical3A_464, %and3A_467, %add3A_24], %mul3A_571 : memref<8x8x128xf32, #tpu.memory_space<vmem>>[vector<16xi32>, vector<16xi32>, vector<16xi32>], vector<16xf32>,
      }
      %scan3A_293 = arith.constant 16 : i32
      %jit3A_294 = arith.constant 50 : i32
      %div3A_295 = arith.divsi %add3A_269, %jit3A_294 : i32
      %sign3A_296 = arith.constant 0 : i32
      %sign3A_297 = arith.cmpi sgt, %add3A_269, %sign3A_296 : i32
      %sign3A_298 = arith.extui %sign3A_297 : i1 to i32
      %sign3A_299 = arith.constant 0 : i32
      %sign3A_300 = arith.cmpi slt, %add3A_269, %sign3A_299 : i32
      %sign3A_301 = arith.extui %sign3A_300 : i1 to i32
      %sign3A_302 = arith.subi %sign3A_298, %sign3A_301 : i32
      %sign3A_303 = arith.constant 0 : i32
      %sign3A_304 = arith.cmpi sgt, %jit3A_294, %sign3A_303 : i32
      %sign3A_305 = arith.extui %sign3A_304 : i1 to i32
      %sign3A_306 = arith.constant 0 : i32
      %sign3A_307 = arith.cmpi slt, %jit3A_294, %sign3A_306 : i32
      %sign3A_308 = arith.extui %sign3A_307 : i1 to i32
      %sign3A_309 = arith.subi %sign3A_305, %sign3A_308 : i32
      %ne3A_310 = arith.cmpi ne, %sign3A_302, %sign3A_309 : i32
      %rem3A_311 = arith.remsi %add3A_269, %jit3A_294 : i32
      %ne3A_312 = arith.constant 0 : i32
      %ne3A_313 = arith.cmpi ne, %rem3A_311, %ne3A_312 : i32
      %and3A_314 = arith.andi %ne3A_310, %ne3A_313 : i1
      %sub3A_315 = arith.constant 1 : i32
      %sub3A_316 = arith.subi %div3A_295, %sub3A_315 : i32
      %select_n3A_317 = arith.select %and3A_314, %sub3A_316, %div3A_295 : i32
      %mul3A_318 = arith.constant 50 : i32
      %mul3A_319 = arith.muli %select_n3A_317, %mul3A_318 : i32
      %sub3A_320 = arith.subi %add3A_269, %mul3A_319 : i32
      %mul3A_321 = arith.constant 4 : i32
      %mul3A_322 = arith.muli %add3A, %mul3A_321 : i32
      %add3A_323 = arith.addi %mul3A_322, %select_n3A_317 : i32
      %dma_start3A_324 = arith.constant 0 : i32
      %dma_start3A_325 = arith.constant 0 : i32
      %dma_start3A_326 = arith.constant 0 : i32
      %dma_start3A_327 = tpu.memref_slice %arg4[%sub3A_320, %dma_start3A_324, %add3A_323, %dma_start3A_325, %dma_start3A_326] : memref<50x8x128x8x128xf32, #tpu.memory_space<hbm>> -> memref<1x8x1x8x128xf32, #tpu.memory_space<hbm>>
      %dma_start3A_328 = tpu.memref_squeeze %dma_start3A_327 : memref<1x8x1x8x128xf32, #tpu.memory_space<hbm>> -> memref<8x8x128xf32, #tpu.memory_space<hbm>>
      %dma_start3A_329 = arith.constant 0 : i32
      %dma_start3A_330 = arith.constant 0 : i32
      %dma_start3A_331 = arith.constant 0 : i32
      %dma_start3A_332 = tpu.memref_slice %arg4[%sub3A_320, %dma_start3A_329, %add3A_323, %dma_start3A_330, %dma_start3A_331] : memref<50x8x128x8x128xf32, #tpu.memory_space<hbm>> -> memref<1x8x1x8x128xf32, #tpu.memory_space<hbm>>
      %dma_start3A_333 = tpu.memref_squeeze %dma_start3A_332 : memref<1x8x1x8x128xf32, #tpu.memory_space<hbm>> -> memref<8x8x128xf32, #tpu.memory_space<hbm>>
      tpu.enqueue_dma source(%arg24 : memref<8x8x128xf32, #tpu.memory_space<vmem>>) target(%dma_start3A_333 : memref<8x8x128xf32, #tpu.memory_space<hbm>>) target_semaphore(%arg19 : memref<!tpu.dma_semaphore, #tpu.memory_space<semaphore_mem>>)
      %add3A_334 = arith.constant 4 : i32
      %add3A_335 = arith.addi %add3A_81, %add3A_334 : i32
      %ge3A_336 = arith.constant 3 : i32
      %ge3A_337 = arith.cmpi sge, %add3A_335, %ge3A_336 : i32
      %convert_element_type3A_338 = arith.extui %ge3A_337 : i1 to i32
      %cond3A_339 = arith.constant 0 : i32
      %cond3A_340 = arith.cmpi ne, %convert_element_type3A_338, %cond3A_339 : i32
      scf.if %cond3A_340 {
        %dma_wait3A_400 = arith.constant 0 : i32
        %dma_wait3A_401 = arith.constant 0 : i32
        %dma_wait3A_402 = arith.constant 0 : i32
        %dma_wait3A_403 = arith.constant 0 : i32
        %dma_wait3A_404 = arith.constant 0 : i32
        %dma_wait3A_405 = tpu.memref_slice %arg4[%dma_wait3A_400, %dma_wait3A_402, %dma_wait3A_401, %dma_wait3A_403, %dma_wait3A_404] : memref<50x8x128x8x128xf32, #tpu.memory_space<hbm>> -> memref<1x8x1x8x128xf32, #tpu.memory_space<hbm>>
        %dma_wait3A_406 = tpu.memref_squeeze %dma_wait3A_405 : memref<1x8x1x8x128xf32, #tpu.memory_space<hbm>> -> memref<8x8x128xf32, #tpu.memory_space<hbm>>
        %dma_wait3A_407 = arith.constant 0 : i32
        %dma_wait3A_408 = arith.constant 0 : i32
        %dma_wait3A_409 = arith.constant 0 : i32
        %dma_wait3A_410 = tpu.memref_slice %arg4[%dma_wait3A_400, %dma_wait3A_407, %dma_wait3A_401, %dma_wait3A_408, %dma_wait3A_409] : memref<50x8x128x8x128xf32, #tpu.memory_space<hbm>> -> memref<1x8x1x8x128xf32, #tpu.memory_space<hbm>>
        %dma_wait3A_411 = tpu.memref_squeeze %dma_wait3A_410 : memref<1x8x1x8x128xf32, #tpu.memory_space<hbm>> -> memref<8x8x128xf32, #tpu.memory_space<hbm>>
        tpu.wait_dma2 semaphore(%arg17 : memref<!tpu.dma_semaphore, #tpu.memory_space<semaphore_mem>>) src(%arg22 : memref<8x8x128xf32, #tpu.memory_space<vmem>>) dst(%dma_wait3A_411 : memref<8x8x128xf32, #tpu.memory_space<hbm>>)
      } else {
      }
      %add3A_341 = arith.constant 2 : i32
      %add3A_342 = arith.addi %add3A_335, %add3A_341 : i32
      %lt3A_343 = arith.constant 200 : i32
      %lt3A_344 = arith.cmpi slt, %add3A_342, %lt3A_343 : i32
      %convert_element_type3A_345 = arith.extui %lt3A_344 : i1 to i32
      %cond3A_346 = arith.constant 0 : i32
      %cond3A_347 = arith.cmpi ne, %convert_element_type3A_345, %cond3A_346 : i32
      scf.if %cond3A_347 {
        %add3A_400 = arith.constant 2 : i32
        %add3A_401 = arith.addi %add3A_335, %add3A_400 : i32
        %jit3A_402 = arith.constant 50 : i32
        %div3A_403 = arith.divsi %add3A_401, %jit3A_402 : i32
        %sign3A_404 = arith.constant 0 : i32
        %sign3A_405 = arith.cmpi sgt, %add3A_401, %sign3A_404 : i32
        %sign3A_406 = arith.extui %sign3A_405 : i1 to i32
        %sign3A_407 = arith.constant 0 : i32
        %sign3A_408 = arith.cmpi slt, %add3A_401, %sign3A_407 : i32
        %sign3A_409 = arith.extui %sign3A_408 : i1 to i32
        %sign3A_410 = arith.subi %sign3A_406, %sign3A_409 : i32
        %sign3A_411 = arith.constant 0 : i32
        %sign3A_412 = arith.cmpi sgt, %jit3A_402, %sign3A_411 : i32
        %sign3A_413 = arith.extui %sign3A_412 : i1 to i32
        %sign3A_414 = arith.constant 0 : i32
        %sign3A_415 = arith.cmpi slt, %jit3A_402, %sign3A_414 : i32
        %sign3A_416 = arith.extui %sign3A_415 : i1 to i32
        %sign3A_417 = arith.subi %sign3A_413, %sign3A_416 : i32
        %ne3A_418 = arith.cmpi ne, %sign3A_410, %sign3A_417 : i32
        %rem3A_419 = arith.remsi %add3A_401, %jit3A_402 : i32
        %ne3A_420 = arith.constant 0 : i32
        %ne3A_421 = arith.cmpi ne, %rem3A_419, %ne3A_420 : i32
        %and3A_422 = arith.andi %ne3A_418, %ne3A_421 : i1
        %sub3A_423 = arith.constant 1 : i32
        %sub3A_424 = arith.subi %div3A_403, %sub3A_423 : i32
        %select_n3A_425 = arith.select %and3A_422, %sub3A_424, %div3A_403 : i32
        %mul3A_426 = arith.constant 50 : i32
        %mul3A_427 = arith.muli %select_n3A_425, %mul3A_426 : i32
        %sub3A_428 = arith.subi %add3A_401, %mul3A_427 : i32
        %mul3A_429 = arith.constant 128 : i32
        %mul3A_430 = arith.muli %select_n3A_425, %mul3A_429 : i32
        %dma_start3A_431 = tpu.memref_slice %arg15[%sub3A_428, %mul3A_430] : memref<50x512xi32, #tpu.memory_space<vmem>> -> memref<1x128xi32, #tpu.memory_space<vmem>>
        %dma_start3A_432 = tpu.memref_squeeze %dma_start3A_431 : memref<1x128xi32, #tpu.memory_space<vmem>> -> memref<128xi32, #tpu.memory_space<vmem>>
        %dma_start3A_433 = arith.constant 0 : i32
        %dma_start3A_434 = arith.constant 0 : i32
        %dma_start3A_435 = tpu.memref_slice %arg3[%dma_start3A_433, %dma_start3A_434] : memref<1000000x64xf32, #tpu.memory_space<hbm>> -> memref<1000000x64xf32, #tpu.memory_space<hbm>>
        tpu.enqueue_indirect_dma source(%dma_start3A_435 : memref<1000000x64xf32, #tpu.memory_space<hbm>>) target(%arg6 : memref<128x64xf32, #tpu.memory_space<vmem>>) offsets(%dma_start3A_432 : memref<128xi32, #tpu.memory_space<vmem>>) semaphore(%arg11 : memref<!tpu.dma_semaphore, #tpu.memory_space<semaphore_mem>>)
      } else {
      }
      %dma_wait3A_348 = arith.constant 0 : i32
      %dma_wait3A_349 = arith.constant 0 : i32
      %dma_wait3A_350 = tpu.memref_slice %arg15[%dma_wait3A_348, %dma_wait3A_349] : memref<50x512xi32, #tpu.memory_space<vmem>> -> memref<1x128xi32, #tpu.memory_space<vmem>>
      %dma_wait3A_351 = tpu.memref_squeeze %dma_wait3A_350 : memref<1x128xi32, #tpu.memory_space<vmem>> -> memref<128xi32, #tpu.memory_space<vmem>>
      %dma_wait3A_352 = arith.constant 0 : i32
      %dma_wait3A_353 = arith.constant 0 : i32
      %dma_wait3A_354 = tpu.memref_slice %arg3[%dma_wait3A_352, %dma_wait3A_353] : memref<1000000x64xf32, #tpu.memory_space<hbm>> -> memref<1000000x64xf32, #tpu.memory_space<hbm>>
      tpu.wait_indirect_dma semaphore(%arg14 : memref<!tpu.dma_semaphore, #tpu.memory_space<semaphore_mem>>) src(%dma_wait3A_354 : memref<1000000x64xf32, #tpu.memory_space<hbm>>) dst(%arg9 : memref<128x64xf32, #tpu.memory_space<vmem>>)
      %scan3A_355 = arith.constant 0 : i32
      %scan3A_356 = arith.constant 16 : i32
      %scan3A_357 = arith.addi %scan3A_355, %scan3A_356 : i32
      %scan3A_358 = arith.constant 1 : i32
      scf.for %scan3A_400 = %scan3A_355 to %scan3A_357 step %scan3A_358  : i32 {
        %mul3A_401 = arith.constant 1 : i32
        %mul3A_402 = arith.muli %scan3A_400, %mul3A_401 : i32
        %add3A_403 = arith.constant 0 : i32
        %add3A_404 = arith.addi %add3A_403, %mul3A_402 : i32
        %add3A_405 = vector.broadcast %add3A_404 : i32 to vector<16xi32>
        %add3A_406 = arith.addi %iota3A, %add3A_405 : vector<16xi32>
        %and3A_407 = arith.constant 15 : i32
        %and3A_408 = vector.broadcast %and3A_407 : i32 to vector<16xi32>
        %and3A_409 = arith.andi %add3A_406, %and3A_408 : vector<16xi32>
        %add3A_410 = arith.constant 0 : i32
        %add3A_411 = vector.broadcast %add3A_410 : i32 to vector<16xi32>
        %add3A_412 = arith.addi %and3A_409, %add3A_411 : vector<16xi32>
        %shift_right_logical3A = arith.constant 3 : i32
        %shift_right_logical3A_413 = vector.broadcast %shift_right_logical3A : i32 to vector<16xi32>
        %shift_right_logical3A_414 = arith.shrui %add3A_412, %shift_right_logical3A_413 : vector<16xi32>
        %and3A_415 = arith.constant 7 : i32
        %and3A_416 = vector.broadcast %and3A_415 : i32 to vector<16xi32>
        %and3A_417 = arith.andi %add3A_412, %and3A_416 : vector<16xi32>
        %gather3A = tpu.vector_load_idx %arg9[%add3A_3, %add3A_412] : memref<128x64xf32, #tpu.memory_space<vmem>>[vector<16xi32>, vector<16xi32>], vector<16xf32>,
        %gather3A_418 = tpu.vector_load_idx %arg9[%add3A_6, %add3A_412] : memref<128x64xf32, #tpu.memory_space<vmem>>[vector<16xi32>, vector<16xi32>], vector<16xf32>,
        %gather3A_419 = tpu.vector_load_idx %arg9[%add3A_9, %add3A_412] : memref<128x64xf32, #tpu.memory_space<vmem>>[vector<16xi32>, vector<16xi32>], vector<16xf32>,
        %gather3A_420 = tpu.vector_load_idx %arg9[%add3A_12, %add3A_412] : memref<128x64xf32, #tpu.memory_space<vmem>>[vector<16xi32>, vector<16xi32>], vector<16xf32>,
        %gather3A_421 = tpu.vector_load_idx %arg9[%add3A_15, %add3A_412] : memref<128x64xf32, #tpu.memory_space<vmem>>[vector<16xi32>, vector<16xi32>], vector<16xf32>,
        %gather3A_422 = tpu.vector_load_idx %arg9[%add3A_18, %add3A_412] : memref<128x64xf32, #tpu.memory_space<vmem>>[vector<16xi32>, vector<16xi32>], vector<16xf32>,
        %gather3A_423 = tpu.vector_load_idx %arg9[%add3A_21, %add3A_412] : memref<128x64xf32, #tpu.memory_space<vmem>>[vector<16xi32>, vector<16xi32>], vector<16xf32>,
        %gather3A_424 = tpu.vector_load_idx %arg9[%add3A_24, %add3A_412] : memref<128x64xf32, #tpu.memory_space<vmem>>[vector<16xi32>, vector<16xi32>], vector<16xf32>,
        %add3A_425 = arith.constant 16 : i32
        %add3A_426 = vector.broadcast %add3A_425 : i32 to vector<16xi32>
        %add3A_427 = arith.addi %and3A_409, %add3A_426 : vector<16xi32>
        %shift_right_logical3A_428 = arith.constant 3 : i32
        %shift_right_logical3A_429 = vector.broadcast %shift_right_logical3A_428 : i32 to vector<16xi32>
        %shift_right_logical3A_430 = arith.shrui %add3A_427, %shift_right_logical3A_429 : vector<16xi32>
        %and3A_431 = arith.constant 7 : i32
        %and3A_432 = vector.broadcast %and3A_431 : i32 to vector<16xi32>
        %and3A_433 = arith.andi %add3A_427, %and3A_432 : vector<16xi32>
        %gather3A_434 = tpu.vector_load_idx %arg9[%add3A_3, %add3A_427] : memref<128x64xf32, #tpu.memory_space<vmem>>[vector<16xi32>, vector<16xi32>], vector<16xf32>,
        %gather3A_435 = tpu.vector_load_idx %arg9[%add3A_6, %add3A_427] : memref<128x64xf32, #tpu.memory_space<vmem>>[vector<16xi32>, vector<16xi32>], vector<16xf32>,
        %gather3A_436 = tpu.vector_load_idx %arg9[%add3A_9, %add3A_427] : memref<128x64xf32, #tpu.memory_space<vmem>>[vector<16xi32>, vector<16xi32>], vector<16xf32>,
        %gather3A_437 = tpu.vector_load_idx %arg9[%add3A_12, %add3A_427] : memref<128x64xf32, #tpu.memory_space<vmem>>[vector<16xi32>, vector<16xi32>], vector<16xf32>,
        %gather3A_438 = tpu.vector_load_idx %arg9[%add3A_15, %add3A_427] : memref<128x64xf32, #tpu.memory_space<vmem>>[vector<16xi32>, vector<16xi32>], vector<16xf32>,
        %gather3A_439 = tpu.vector_load_idx %arg9[%add3A_18, %add3A_427] : memref<128x64xf32, #tpu.memory_space<vmem>>[vector<16xi32>, vector<16xi32>], vector<16xf32>,
        %gather3A_440 = tpu.vector_load_idx %arg9[%add3A_21, %add3A_427] : memref<128x64xf32, #tpu.memory_space<vmem>>[vector<16xi32>, vector<16xi32>], vector<16xf32>,
        %gather3A_441 = tpu.vector_load_idx %arg9[%add3A_24, %add3A_427] : memref<128x64xf32, #tpu.memory_space<vmem>>[vector<16xi32>, vector<16xi32>], vector<16xf32>,
        %add3A_442 = arith.constant 32 : i32
        %add3A_443 = vector.broadcast %add3A_442 : i32 to vector<16xi32>
        %add3A_444 = arith.addi %and3A_409, %add3A_443 : vector<16xi32>
        %shift_right_logical3A_445 = arith.constant 3 : i32
        %shift_right_logical3A_446 = vector.broadcast %shift_right_logical3A_445 : i32 to vector<16xi32>
        %shift_right_logical3A_447 = arith.shrui %add3A_444, %shift_right_logical3A_446 : vector<16xi32>
        %and3A_448 = arith.constant 7 : i32
        %and3A_449 = vector.broadcast %and3A_448 : i32 to vector<16xi32>
        %and3A_450 = arith.andi %add3A_444, %and3A_449 : vector<16xi32>
        %gather3A_451 = tpu.vector_load_idx %arg9[%add3A_3, %add3A_444] : memref<128x64xf32, #tpu.memory_space<vmem>>[vector<16xi32>, vector<16xi32>], vector<16xf32>,
        %gather3A_452 = tpu.vector_load_idx %arg9[%add3A_6, %add3A_444] : memref<128x64xf32, #tpu.memory_space<vmem>>[vector<16xi32>, vector<16xi32>], vector<16xf32>,
        %gather3A_453 = tpu.vector_load_idx %arg9[%add3A_9, %add3A_444] : memref<128x64xf32, #tpu.memory_space<vmem>>[vector<16xi32>, vector<16xi32>], vector<16xf32>,
        %gather3A_454 = tpu.vector_load_idx %arg9[%add3A_12, %add3A_444] : memref<128x64xf32, #tpu.memory_space<vmem>>[vector<16xi32>, vector<16xi32>], vector<16xf32>,
        %gather3A_455 = tpu.vector_load_idx %arg9[%add3A_15, %add3A_444] : memref<128x64xf32, #tpu.memory_space<vmem>>[vector<16xi32>, vector<16xi32>], vector<16xf32>,
        %gather3A_456 = tpu.vector_load_idx %arg9[%add3A_18, %add3A_444] : memref<128x64xf32, #tpu.memory_space<vmem>>[vector<16xi32>, vector<16xi32>], vector<16xf32>,
        %gather3A_457 = tpu.vector_load_idx %arg9[%add3A_21, %add3A_444] : memref<128x64xf32, #tpu.memory_space<vmem>>[vector<16xi32>, vector<16xi32>], vector<16xf32>,
        %gather3A_458 = tpu.vector_load_idx %arg9[%add3A_24, %add3A_444] : memref<128x64xf32, #tpu.memory_space<vmem>>[vector<16xi32>, vector<16xi32>], vector<16xf32>,
        %add3A_459 = arith.constant 48 : i32
        %add3A_460 = vector.broadcast %add3A_459 : i32 to vector<16xi32>
        %add3A_461 = arith.addi %and3A_409, %add3A_460 : vector<16xi32>
        %shift_right_logical3A_462 = arith.constant 3 : i32
        %shift_right_logical3A_463 = vector.broadcast %shift_right_logical3A_462 : i32 to vector<16xi32>
        %shift_right_logical3A_464 = arith.shrui %add3A_461, %shift_right_logical3A_463 : vector<16xi32>
        %and3A_465 = arith.constant 7 : i32
        %and3A_466 = vector.broadcast %and3A_465 : i32 to vector<16xi32>
        %and3A_467 = arith.andi %add3A_461, %and3A_466 : vector<16xi32>
        %gather3A_468 = tpu.vector_load_idx %arg9[%add3A_3, %add3A_461] : memref<128x64xf32, #tpu.memory_space<vmem>>[vector<16xi32>, vector<16xi32>], vector<16xf32>,
        %gather3A_469 = tpu.vector_load_idx %arg9[%add3A_6, %add3A_461] : memref<128x64xf32, #tpu.memory_space<vmem>>[vector<16xi32>, vector<16xi32>], vector<16xf32>,
        %gather3A_470 = tpu.vector_load_idx %arg9[%add3A_9, %add3A_461] : memref<128x64xf32, #tpu.memory_space<vmem>>[vector<16xi32>, vector<16xi32>], vector<16xf32>,
        %gather3A_471 = tpu.vector_load_idx %arg9[%add3A_12, %add3A_461] : memref<128x64xf32, #tpu.memory_space<vmem>>[vector<16xi32>, vector<16xi32>], vector<16xf32>,
        %gather3A_472 = tpu.vector_load_idx %arg9[%add3A_15, %add3A_461] : memref<128x64xf32, #tpu.memory_space<vmem>>[vector<16xi32>, vector<16xi32>], vector<16xf32>,
        %gather3A_473 = tpu.vector_load_idx %arg9[%add3A_18, %add3A_461] : memref<128x64xf32, #tpu.memory_space<vmem>>[vector<16xi32>, vector<16xi32>], vector<16xf32>,
        %gather3A_474 = tpu.vector_load_idx %arg9[%add3A_21, %add3A_461] : memref<128x64xf32, #tpu.memory_space<vmem>>[vector<16xi32>, vector<16xi32>], vector<16xf32>,
        %gather3A_475 = tpu.vector_load_idx %arg9[%add3A_24, %add3A_461] : memref<128x64xf32, #tpu.memory_space<vmem>>[vector<16xi32>, vector<16xi32>], vector<16xf32>,
        %mul3A_476 = arith.constant 8.000000e+00 : f32
        %mul3A_477 = vector.broadcast %mul3A_476 : f32 to vector<16xf32>
        %mul3A_478 = arith.mulf %gather3A, %mul3A_477 : vector<16xf32>
        tpu.vector_store_idx %arg25[%shift_right_logical3A_414, %and3A_417, %add3A_3], %mul3A_478 : memref<8x8x128xf32, #tpu.memory_space<vmem>>[vector<16xi32>, vector<16xi32>, vector<16xi32>], vector<16xf32>,
        %mul3A_479 = arith.constant 8.000000e+00 : f32
        %mul3A_480 = vector.broadcast %mul3A_479 : f32 to vector<16xf32>
        %mul3A_481 = arith.mulf %gather3A_418, %mul3A_480 : vector<16xf32>
        tpu.vector_store_idx %arg25[%shift_right_logical3A_414, %and3A_417, %add3A_6], %mul3A_481 : memref<8x8x128xf32, #tpu.memory_space<vmem>>[vector<16xi32>, vector<16xi32>, vector<16xi32>], vector<16xf32>,
        %mul3A_482 = arith.constant 8.000000e+00 : f32
        %mul3A_483 = vector.broadcast %mul3A_482 : f32 to vector<16xf32>
        %mul3A_484 = arith.mulf %gather3A_419, %mul3A_483 : vector<16xf32>
        tpu.vector_store_idx %arg25[%shift_right_logical3A_414, %and3A_417, %add3A_9], %mul3A_484 : memref<8x8x128xf32, #tpu.memory_space<vmem>>[vector<16xi32>, vector<16xi32>, vector<16xi32>], vector<16xf32>,
        %mul3A_485 = arith.constant 8.000000e+00 : f32
        %mul3A_486 = vector.broadcast %mul3A_485 : f32 to vector<16xf32>
        %mul3A_487 = arith.mulf %gather3A_420, %mul3A_486 : vector<16xf32>
        tpu.vector_store_idx %arg25[%shift_right_logical3A_414, %and3A_417, %add3A_12], %mul3A_487 : memref<8x8x128xf32, #tpu.memory_space<vmem>>[vector<16xi32>, vector<16xi32>, vector<16xi32>], vector<16xf32>,
        %mul3A_488 = arith.constant 8.000000e+00 : f32
        %mul3A_489 = vector.broadcast %mul3A_488 : f32 to vector<16xf32>
        %mul3A_490 = arith.mulf %gather3A_421, %mul3A_489 : vector<16xf32>
        tpu.vector_store_idx %arg25[%shift_right_logical3A_414, %and3A_417, %add3A_15], %mul3A_490 : memref<8x8x128xf32, #tpu.memory_space<vmem>>[vector<16xi32>, vector<16xi32>, vector<16xi32>], vector<16xf32>,
        %mul3A_491 = arith.constant 8.000000e+00 : f32
        %mul3A_492 = vector.broadcast %mul3A_491 : f32 to vector<16xf32>
        %mul3A_493 = arith.mulf %gather3A_422, %mul3A_492 : vector<16xf32>
        tpu.vector_store_idx %arg25[%shift_right_logical3A_414, %and3A_417, %add3A_18], %mul3A_493 : memref<8x8x128xf32, #tpu.memory_space<vmem>>[vector<16xi32>, vector<16xi32>, vector<16xi32>], vector<16xf32>,
        %mul3A_494 = arith.constant 8.000000e+00 : f32
        %mul3A_495 = vector.broadcast %mul3A_494 : f32 to vector<16xf32>
        %mul3A_496 = arith.mulf %gather3A_423, %mul3A_495 : vector<16xf32>
        tpu.vector_store_idx %arg25[%shift_right_logical3A_414, %and3A_417, %add3A_21], %mul3A_496 : memref<8x8x128xf32, #tpu.memory_space<vmem>>[vector<16xi32>, vector<16xi32>, vector<16xi32>], vector<16xf32>,
        %mul3A_497 = arith.constant 8.000000e+00 : f32
        %mul3A_498 = vector.broadcast %mul3A_497 : f32 to vector<16xf32>
        %mul3A_499 = arith.mulf %gather3A_424, %mul3A_498 : vector<16xf32>
        tpu.vector_store_idx %arg25[%shift_right_logical3A_414, %and3A_417, %add3A_24], %mul3A_499 : memref<8x8x128xf32, #tpu.memory_space<vmem>>[vector<16xi32>, vector<16xi32>, vector<16xi32>], vector<16xf32>,
        %mul3A_500 = arith.constant 8.000000e+00 : f32
        %mul3A_501 = vector.broadcast %mul3A_500 : f32 to vector<16xf32>
        %mul3A_502 = arith.mulf %gather3A_434, %mul3A_501 : vector<16xf32>
        tpu.vector_store_idx %arg25[%shift_right_logical3A_430, %and3A_433, %add3A_3], %mul3A_502 : memref<8x8x128xf32, #tpu.memory_space<vmem>>[vector<16xi32>, vector<16xi32>, vector<16xi32>], vector<16xf32>,
        %mul3A_503 = arith.constant 8.000000e+00 : f32
        %mul3A_504 = vector.broadcast %mul3A_503 : f32 to vector<16xf32>
        %mul3A_505 = arith.mulf %gather3A_435, %mul3A_504 : vector<16xf32>
        tpu.vector_store_idx %arg25[%shift_right_logical3A_430, %and3A_433, %add3A_6], %mul3A_505 : memref<8x8x128xf32, #tpu.memory_space<vmem>>[vector<16xi32>, vector<16xi32>, vector<16xi32>], vector<16xf32>,
        %mul3A_506 = arith.constant 8.000000e+00 : f32
        %mul3A_507 = vector.broadcast %mul3A_506 : f32 to vector<16xf32>
        %mul3A_508 = arith.mulf %gather3A_436, %mul3A_507 : vector<16xf32>
        tpu.vector_store_idx %arg25[%shift_right_logical3A_430, %and3A_433, %add3A_9], %mul3A_508 : memref<8x8x128xf32, #tpu.memory_space<vmem>>[vector<16xi32>, vector<16xi32>, vector<16xi32>], vector<16xf32>,
        %mul3A_509 = arith.constant 8.000000e+00 : f32
        %mul3A_510 = vector.broadcast %mul3A_509 : f32 to vector<16xf32>
        %mul3A_511 = arith.mulf %gather3A_437, %mul3A_510 : vector<16xf32>
        tpu.vector_store_idx %arg25[%shift_right_logical3A_430, %and3A_433, %add3A_12], %mul3A_511 : memref<8x8x128xf32, #tpu.memory_space<vmem>>[vector<16xi32>, vector<16xi32>, vector<16xi32>], vector<16xf32>,
        %mul3A_512 = arith.constant 8.000000e+00 : f32
        %mul3A_513 = vector.broadcast %mul3A_512 : f32 to vector<16xf32>
        %mul3A_514 = arith.mulf %gather3A_438, %mul3A_513 : vector<16xf32>
        tpu.vector_store_idx %arg25[%shift_right_logical3A_430, %and3A_433, %add3A_15], %mul3A_514 : memref<8x8x128xf32, #tpu.memory_space<vmem>>[vector<16xi32>, vector<16xi32>, vector<16xi32>], vector<16xf32>,
        %mul3A_515 = arith.constant 8.000000e+00 : f32
        %mul3A_516 = vector.broadcast %mul3A_515 : f32 to vector<16xf32>
        %mul3A_517 = arith.mulf %gather3A_439, %mul3A_516 : vector<16xf32>
        tpu.vector_store_idx %arg25[%shift_right_logical3A_430, %and3A_433, %add3A_18], %mul3A_517 : memref<8x8x128xf32, #tpu.memory_space<vmem>>[vector<16xi32>, vector<16xi32>, vector<16xi32>], vector<16xf32>,
        %mul3A_518 = arith.constant 8.000000e+00 : f32
        %mul3A_519 = vector.broadcast %mul3A_518 : f32 to vector<16xf32>
        %mul3A_520 = arith.mulf %gather3A_440, %mul3A_519 : vector<16xf32>
        tpu.vector_store_idx %arg25[%shift_right_logical3A_430, %and3A_433, %add3A_21], %mul3A_520 : memref<8x8x128xf32, #tpu.memory_space<vmem>>[vector<16xi32>, vector<16xi32>, vector<16xi32>], vector<16xf32>,
        %mul3A_521 = arith.constant 8.000000e+00 : f32
        %mul3A_522 = vector.broadcast %mul3A_521 : f32 to vector<16xf32>
        %mul3A_523 = arith.mulf %gather3A_441, %mul3A_522 : vector<16xf32>
        tpu.vector_store_idx %arg25[%shift_right_logical3A_430, %and3A_433, %add3A_24], %mul3A_523 : memref<8x8x128xf32, #tpu.memory_space<vmem>>[vector<16xi32>, vector<16xi32>, vector<16xi32>], vector<16xf32>,
        %mul3A_524 = arith.constant 8.000000e+00 : f32
        %mul3A_525 = vector.broadcast %mul3A_524 : f32 to vector<16xf32>
        %mul3A_526 = arith.mulf %gather3A_451, %mul3A_525 : vector<16xf32>
        tpu.vector_store_idx %arg25[%shift_right_logical3A_447, %and3A_450, %add3A_3], %mul3A_526 : memref<8x8x128xf32, #tpu.memory_space<vmem>>[vector<16xi32>, vector<16xi32>, vector<16xi32>], vector<16xf32>,
        %mul3A_527 = arith.constant 8.000000e+00 : f32
        %mul3A_528 = vector.broadcast %mul3A_527 : f32 to vector<16xf32>
        %mul3A_529 = arith.mulf %gather3A_452, %mul3A_528 : vector<16xf32>
        tpu.vector_store_idx %arg25[%shift_right_logical3A_447, %and3A_450, %add3A_6], %mul3A_529 : memref<8x8x128xf32, #tpu.memory_space<vmem>>[vector<16xi32>, vector<16xi32>, vector<16xi32>], vector<16xf32>,
        %mul3A_530 = arith.constant 8.000000e+00 : f32
        %mul3A_531 = vector.broadcast %mul3A_530 : f32 to vector<16xf32>
        %mul3A_532 = arith.mulf %gather3A_453, %mul3A_531 : vector<16xf32>
        tpu.vector_store_idx %arg25[%shift_right_logical3A_447, %and3A_450, %add3A_9], %mul3A_532 : memref<8x8x128xf32, #tpu.memory_space<vmem>>[vector<16xi32>, vector<16xi32>, vector<16xi32>], vector<16xf32>,
        %mul3A_533 = arith.constant 8.000000e+00 : f32
        %mul3A_534 = vector.broadcast %mul3A_533 : f32 to vector<16xf32>
        %mul3A_535 = arith.mulf %gather3A_454, %mul3A_534 : vector<16xf32>
        tpu.vector_store_idx %arg25[%shift_right_logical3A_447, %and3A_450, %add3A_12], %mul3A_535 : memref<8x8x128xf32, #tpu.memory_space<vmem>>[vector<16xi32>, vector<16xi32>, vector<16xi32>], vector<16xf32>,
        %mul3A_536 = arith.constant 8.000000e+00 : f32
        %mul3A_537 = vector.broadcast %mul3A_536 : f32 to vector<16xf32>
        %mul3A_538 = arith.mulf %gather3A_455, %mul3A_537 : vector<16xf32>
        tpu.vector_store_idx %arg25[%shift_right_logical3A_447, %and3A_450, %add3A_15], %mul3A_538 : memref<8x8x128xf32, #tpu.memory_space<vmem>>[vector<16xi32>, vector<16xi32>, vector<16xi32>], vector<16xf32>,
        %mul3A_539 = arith.constant 8.000000e+00 : f32
        %mul3A_540 = vector.broadcast %mul3A_539 : f32 to vector<16xf32>
        %mul3A_541 = arith.mulf %gather3A_456, %mul3A_540 : vector<16xf32>
        tpu.vector_store_idx %arg25[%shift_right_logical3A_447, %and3A_450, %add3A_18], %mul3A_541 : memref<8x8x128xf32, #tpu.memory_space<vmem>>[vector<16xi32>, vector<16xi32>, vector<16xi32>], vector<16xf32>,
        %mul3A_542 = arith.constant 8.000000e+00 : f32
        %mul3A_543 = vector.broadcast %mul3A_542 : f32 to vector<16xf32>
        %mul3A_544 = arith.mulf %gather3A_457, %mul3A_543 : vector<16xf32>
        tpu.vector_store_idx %arg25[%shift_right_logical3A_447, %and3A_450, %add3A_21], %mul3A_544 : memref<8x8x128xf32, #tpu.memory_space<vmem>>[vector<16xi32>, vector<16xi32>, vector<16xi32>], vector<16xf32>,
        %mul3A_545 = arith.constant 8.000000e+00 : f32
        %mul3A_546 = vector.broadcast %mul3A_545 : f32 to vector<16xf32>
        %mul3A_547 = arith.mulf %gather3A_458, %mul3A_546 : vector<16xf32>
        tpu.vector_store_idx %arg25[%shift_right_logical3A_447, %and3A_450, %add3A_24], %mul3A_547 : memref<8x8x128xf32, #tpu.memory_space<vmem>>[vector<16xi32>, vector<16xi32>, vector<16xi32>], vector<16xf32>,
        %mul3A_548 = arith.constant 8.000000e+00 : f32
        %mul3A_549 = vector.broadcast %mul3A_548 : f32 to vector<16xf32>
        %mul3A_550 = arith.mulf %gather3A_468, %mul3A_549 : vector<16xf32>
        tpu.vector_store_idx %arg25[%shift_right_logical3A_464, %and3A_467, %add3A_3], %mul3A_550 : memref<8x8x128xf32, #tpu.memory_space<vmem>>[vector<16xi32>, vector<16xi32>, vector<16xi32>], vector<16xf32>,
        %mul3A_551 = arith.constant 8.000000e+00 : f32
        %mul3A_552 = vector.broadcast %mul3A_551 : f32 to vector<16xf32>
        %mul3A_553 = arith.mulf %gather3A_469, %mul3A_552 : vector<16xf32>
        tpu.vector_store_idx %arg25[%shift_right_logical3A_464, %and3A_467, %add3A_6], %mul3A_553 : memref<8x8x128xf32, #tpu.memory_space<vmem>>[vector<16xi32>, vector<16xi32>, vector<16xi32>], vector<16xf32>,
        %mul3A_554 = arith.constant 8.000000e+00 : f32
        %mul3A_555 = vector.broadcast %mul3A_554 : f32 to vector<16xf32>
        %mul3A_556 = arith.mulf %gather3A_470, %mul3A_555 : vector<16xf32>
        tpu.vector_store_idx %arg25[%shift_right_logical3A_464, %and3A_467, %add3A_9], %mul3A_556 : memref<8x8x128xf32, #tpu.memory_space<vmem>>[vector<16xi32>, vector<16xi32>, vector<16xi32>], vector<16xf32>,
        %mul3A_557 = arith.constant 8.000000e+00 : f32
        %mul3A_558 = vector.broadcast %mul3A_557 : f32 to vector<16xf32>
        %mul3A_559 = arith.mulf %gather3A_471, %mul3A_558 : vector<16xf32>
        tpu.vector_store_idx %arg25[%shift_right_logical3A_464, %and3A_467, %add3A_12], %mul3A_559 : memref<8x8x128xf32, #tpu.memory_space<vmem>>[vector<16xi32>, vector<16xi32>, vector<16xi32>], vector<16xf32>,
        %mul3A_560 = arith.constant 8.000000e+00 : f32
        %mul3A_561 = vector.broadcast %mul3A_560 : f32 to vector<16xf32>
        %mul3A_562 = arith.mulf %gather3A_472, %mul3A_561 : vector<16xf32>
        tpu.vector_store_idx %arg25[%shift_right_logical3A_464, %and3A_467, %add3A_15], %mul3A_562 : memref<8x8x128xf32, #tpu.memory_space<vmem>>[vector<16xi32>, vector<16xi32>, vector<16xi32>], vector<16xf32>,
        %mul3A_563 = arith.constant 8.000000e+00 : f32
        %mul3A_564 = vector.broadcast %mul3A_563 : f32 to vector<16xf32>
        %mul3A_565 = arith.mulf %gather3A_473, %mul3A_564 : vector<16xf32>
        tpu.vector_store_idx %arg25[%shift_right_logical3A_464, %and3A_467, %add3A_18], %mul3A_565 : memref<8x8x128xf32, #tpu.memory_space<vmem>>[vector<16xi32>, vector<16xi32>, vector<16xi32>], vector<16xf32>,
        %mul3A_566 = arith.constant 8.000000e+00 : f32
        %mul3A_567 = vector.broadcast %mul3A_566 : f32 to vector<16xf32>
        %mul3A_568 = arith.mulf %gather3A_474, %mul3A_567 : vector<16xf32>
        tpu.vector_store_idx %arg25[%shift_right_logical3A_464, %and3A_467, %add3A_21], %mul3A_568 : memref<8x8x128xf32, #tpu.memory_space<vmem>>[vector<16xi32>, vector<16xi32>, vector<16xi32>], vector<16xf32>,
        %mul3A_569 = arith.constant 8.000000e+00 : f32
        %mul3A_570 = vector.broadcast %mul3A_569 : f32 to vector<16xf32>
        %mul3A_571 = arith.mulf %gather3A_475, %mul3A_570 : vector<16xf32>
        tpu.vector_store_idx %arg25[%shift_right_logical3A_464, %and3A_467, %add3A_24], %mul3A_571 : memref<8x8x128xf32, #tpu.memory_space<vmem>>[vector<16xi32>, vector<16xi32>, vector<16xi32>], vector<16xf32>,
      }
      %scan3A_359 = arith.constant 16 : i32
      %jit3A_360 = arith.constant 50 : i32
      %div3A_361 = arith.divsi %add3A_335, %jit3A_360 : i32
      %sign3A_362 = arith.constant 0 : i32
      %sign3A_363 = arith.cmpi sgt, %add3A_335, %sign3A_362 : i32
      %sign3A_364 = arith.extui %sign3A_363 : i1 to i32
      %sign3A_365 = arith.constant 0 : i32
      %sign3A_366 = arith.cmpi slt, %add3A_335, %sign3A_365 : i32
      %sign3A_367 = arith.extui %sign3A_366 : i1 to i32
      %sign3A_368 = arith.subi %sign3A_364, %sign3A_367 : i32
      %sign3A_369 = arith.constant 0 : i32
      %sign3A_370 = arith.cmpi sgt, %jit3A_360, %sign3A_369 : i32
      %sign3A_371 = arith.extui %sign3A_370 : i1 to i32
      %sign3A_372 = arith.constant 0 : i32
      %sign3A_373 = arith.cmpi slt, %jit3A_360, %sign3A_372 : i32
      %sign3A_374 = arith.extui %sign3A_373 : i1 to i32
      %sign3A_375 = arith.subi %sign3A_371, %sign3A_374 : i32
      %ne3A_376 = arith.cmpi ne, %sign3A_368, %sign3A_375 : i32
      %rem3A_377 = arith.remsi %add3A_335, %jit3A_360 : i32
      %ne3A_378 = arith.constant 0 : i32
      %ne3A_379 = arith.cmpi ne, %rem3A_377, %ne3A_378 : i32
      %and3A_380 = arith.andi %ne3A_376, %ne3A_379 : i1
      %sub3A_381 = arith.constant 1 : i32
      %sub3A_382 = arith.subi %div3A_361, %sub3A_381 : i32
      %select_n3A_383 = arith.select %and3A_380, %sub3A_382, %div3A_361 : i32
      %mul3A_384 = arith.constant 50 : i32
      %mul3A_385 = arith.muli %select_n3A_383, %mul3A_384 : i32
      %sub3A_386 = arith.subi %add3A_335, %mul3A_385 : i32
      %mul3A_387 = arith.constant 4 : i32
      %mul3A_388 = arith.muli %add3A, %mul3A_387 : i32
      %add3A_389 = arith.addi %mul3A_388, %select_n3A_383 : i32
      %dma_start3A_390 = arith.constant 0 : i32
      %dma_start3A_391 = arith.constant 0 : i32
      %dma_start3A_392 = arith.constant 0 : i32
      %dma_start3A_393 = tpu.memref_slice %arg4[%sub3A_386, %dma_start3A_390, %add3A_389, %dma_start3A_391, %dma_start3A_392] : memref<50x8x128x8x128xf32, #tpu.memory_space<hbm>> -> memref<1x8x1x8x128xf32, #tpu.memory_space<hbm>>
      %dma_start3A_394 = tpu.memref_squeeze %dma_start3A_393 : memref<1x8x1x8x128xf32, #tpu.memory_space<hbm>> -> memref<8x8x128xf32, #tpu.memory_space<hbm>>
      %dma_start3A_395 = arith.constant 0 : i32
      %dma_start3A_396 = arith.constant 0 : i32
      %dma_start3A_397 = arith.constant 0 : i32
      %dma_start3A_398 = tpu.memref_slice %arg4[%sub3A_386, %dma_start3A_395, %add3A_389, %dma_start3A_396, %dma_start3A_397] : memref<50x8x128x8x128xf32, #tpu.memory_space<hbm>> -> memref<1x8x1x8x128xf32, #tpu.memory_space<hbm>>
      %dma_start3A_399 = tpu.memref_squeeze %dma_start3A_398 : memref<1x8x1x8x128xf32, #tpu.memory_space<hbm>> -> memref<8x8x128xf32, #tpu.memory_space<hbm>>
      tpu.enqueue_dma source(%arg25 : memref<8x8x128xf32, #tpu.memory_space<vmem>>) target(%dma_start3A_399 : memref<8x8x128xf32, #tpu.memory_space<hbm>>) target_semaphore(%arg20 : memref<!tpu.dma_semaphore, #tpu.memory_space<semaphore_mem>>)
    }
    %scan3A_41 = arith.constant 40 : i32
    %dma_wait3A = arith.constant 0 : i32
    %dma_wait3A_42 = arith.constant 0 : i32
    %dma_wait3A_43 = arith.constant 0 : i32
    %dma_wait3A_44 = arith.constant 0 : i32
    %dma_wait3A_45 = arith.constant 0 : i32
    %dma_wait3A_46 = tpu.memref_slice %arg4[%dma_wait3A, %dma_wait3A_43, %dma_wait3A_42, %dma_wait3A_44, %dma_wait3A_45] : memref<50x8x128x8x128xf32, #tpu.memory_space<hbm>> -> memref<1x8x1x8x128xf32, #tpu.memory_space<hbm>>
    %dma_wait3A_47 = tpu.memref_squeeze %dma_wait3A_46 : memref<1x8x1x8x128xf32, #tpu.memory_space<hbm>> -> memref<8x8x128xf32, #tpu.memory_space<hbm>>
    %dma_wait3A_48 = arith.constant 0 : i32
    %dma_wait3A_49 = arith.constant 0 : i32
    %dma_wait3A_50 = arith.constant 0 : i32
    %dma_wait3A_51 = tpu.memref_slice %arg4[%dma_wait3A, %dma_wait3A_48, %dma_wait3A_42, %dma_wait3A_49, %dma_wait3A_50] : memref<50x8x128x8x128xf32, #tpu.memory_space<hbm>> -> memref<1x8x1x8x128xf32, #tpu.memory_space<hbm>>
    %dma_wait3A_52 = tpu.memref_squeeze %dma_wait3A_51 : memref<1x8x1x8x128xf32, #tpu.memory_space<hbm>> -> memref<8x8x128xf32, #tpu.memory_space<hbm>>
    tpu.wait_dma2 semaphore(%arg18 : memref<!tpu.dma_semaphore, #tpu.memory_space<semaphore_mem>>) src(%arg23 : memref<8x8x128xf32, #tpu.memory_space<vmem>>) dst(%dma_wait3A_52 : memref<8x8x128xf32, #tpu.memory_space<hbm>>)
    %dma_wait3A_53 = arith.constant 0 : i32
    %dma_wait3A_54 = arith.constant 0 : i32
    %dma_wait3A_55 = arith.constant 0 : i32
    %dma_wait3A_56 = arith.constant 0 : i32
    %dma_wait3A_57 = arith.constant 0 : i32
    %dma_wait3A_58 = tpu.memref_slice %arg4[%dma_wait3A_53, %dma_wait3A_55, %dma_wait3A_54, %dma_wait3A_56, %dma_wait3A_57] : memref<50x8x128x8x128xf32, #tpu.memory_space<hbm>> -> memref<1x8x1x8x128xf32, #tpu.memory_space<hbm>>
    %dma_wait3A_59 = tpu.memref_squeeze %dma_wait3A_58 : memref<1x8x1x8x128xf32, #tpu.memory_space<hbm>> -> memref<8x8x128xf32, #tpu.memory_space<hbm>>
    %dma_wait3A_60 = arith.constant 0 : i32
    %dma_wait3A_61 = arith.constant 0 : i32
    %dma_wait3A_62 = arith.constant 0 : i32
    %dma_wait3A_63 = tpu.memref_slice %arg4[%dma_wait3A_53, %dma_wait3A_60, %dma_wait3A_54, %dma_wait3A_61, %dma_wait3A_62] : memref<50x8x128x8x128xf32, #tpu.memory_space<hbm>> -> memref<1x8x1x8x128xf32, #tpu.memory_space<hbm>>
    %dma_wait3A_64 = tpu.memref_squeeze %dma_wait3A_63 : memref<1x8x1x8x128xf32, #tpu.memory_space<hbm>> -> memref<8x8x128xf32, #tpu.memory_space<hbm>>
    tpu.wait_dma2 semaphore(%arg19 : memref<!tpu.dma_semaphore, #tpu.memory_space<semaphore_mem>>) src(%arg24 : memref<8x8x128xf32, #tpu.memory_space<vmem>>) dst(%dma_wait3A_64 : memref<8x8x128xf32, #tpu.memory_space<hbm>>)
    %dma_wait3A_65 = arith.constant 0 : i32
    %dma_wait3A_66 = arith.constant 0 : i32
    %dma_wait3A_67 = arith.constant 0 : i32
    %dma_wait3A_68 = arith.constant 0 : i32
    %dma_wait3A_69 = arith.constant 0 : i32
    %dma_wait3A_70 = tpu.memref_slice %arg4[%dma_wait3A_65, %dma_wait3A_67, %dma_wait3A_66, %dma_wait3A_68, %dma_wait3A_69] : memref<50x8x128x8x128xf32, #tpu.memory_space<hbm>> -> memref<1x8x1x8x128xf32, #tpu.memory_space<hbm>>
    %dma_wait3A_71 = tpu.memref_squeeze %dma_wait3A_70 : memref<1x8x1x8x128xf32, #tpu.memory_space<hbm>> -> memref<8x8x128xf32, #tpu.memory_space<hbm>>
    %dma_wait3A_72 = arith.constant 0 : i32
    %dma_wait3A_73 = arith.constant 0 : i32
    %dma_wait3A_74 = arith.constant 0 : i32
    %dma_wait3A_75 = tpu.memref_slice %arg4[%dma_wait3A_65, %dma_wait3A_72, %dma_wait3A_66, %dma_wait3A_73, %dma_wait3A_74] : memref<50x8x128x8x128xf32, #tpu.memory_space<hbm>> -> memref<1x8x1x8x128xf32, #tpu.memory_space<hbm>>
    %dma_wait3A_76 = tpu.memref_squeeze %dma_wait3A_75 : memref<1x8x1x8x128xf32, #tpu.memory_space<hbm>> -> memref<8x8x128xf32, #tpu.memory_space<hbm>>
    tpu.wait_dma2 semaphore(%arg20 : memref<!tpu.dma_semaphore, #tpu.memory_space<semaphore_mem>>) src(%arg25 : memref<8x8x128xf32, #tpu.memory_space<vmem>>) dst(%dma_wait3A_76 : memref<8x8x128xf32, #tpu.memory_space<hbm>>)
    return
  }
}

</mosaic_0001>

<sc_bundles>
// kernel: kernel.3.cloned.1.call-start
scs
__scs_entry_jumppad:
0x0: {  	(pc) =	sbr.rel $0x88, $3  }
0x1: {  	(tag) =	ssettag $0x0;
	lr =	simm.s32 $0x1  }
0x2: {  	[smem:$0x3F9F] =	sst lr;
	_ =	strace $0xD0000000  }
0x3: {  	_ = 	snop  }
0x4: {  	_ = 	snop  }
0x5: {  	_ = 	snop  }
0x6: {  	_ = 	snop  }
0x7: {  	_ = 	snop  }
__scs_overlays_trampoline_lowered:
0x8: {  	[smem:$0x3FAE] =	sst s0  }
0x9: {  	[smem:$0x3FAF] =	sst s1  }
0xa: {  	[smem:$0x3FB0] =	sst s2  }
0xb: {  	[smem:$0x3FB1] =	sst s3  }
0xc: {  	[smem:$0x3FB2] =	sst s4  }
0xd: {  	[smem:$0x3FB3] =	sst s5  }
0xe: {  	[smem:$0x3FB4] =	sst s6  }
0xf: {  	[smem:$0x3FB5] =	sst s7  }
0x10: {  	[smem:$0x3FB6] =	sst s8  }
0x11: {  	[smem:$0x3FB7] =	sst s9;
	s0 =	simm.s32 @!p0 $0x0  }
0x12: {  	s1 =	sld [smem:$0x3F9D];
	s0 =	simm.s32 @p0 $0x1  }
0x13: {  	[smem:$0x3FB8] =	sst s0;
	s0 =	simm.s32 @!p1 $0x0  }
0x14: {  	s2 =	sld [smem:$0x3F9C];
	s0 =	simm.s32 @p1 $0x1  }
0x15: {  	[smem:$0x3FB9] =	sst s0;
	s0 =	simm.s32 @!p2 $0x0  }
0x16: {  	s3 =	sld [smem:$0x3FDB];
	s0 =	simm.s32 @p2 $0x1  }
0x17: {  	s4 =	simm.s32 $0x1BF5;
	[smem:$0x3FBB] =	sst s0  }
0x18: {  	s0 =	sld [smem:$0x3F9E];
	_ =	swait.ge [sflag:s4], $0x0  }
0x19: {  	s7 =	sld [smem:$0x3F9F]  }
0x1a: {  	s8 =	sadd.s32 $0xFFFFE003, lr  }
0x1b: {  	s9 =	sadd.s32 $0xFFFFFEF7, lr;
	s5 =	simm.s32 $0xFFFFFFFF;
	p2 =	slt.u32 s8, $0xFFFFF086  }
0x1c: {  	p1 =	slt.u32 s9, $0xF7A;
	s5 =	simm.s32 @!p2 $0x0  }
0x1d: {  	s5 =	simm.s32 @p1 $0x1;
	p0 =	seq.s32 s7, s2  }
0x1e: {  	s7 =	smul.u32 @!p0 $0xF7A, s2;
	p2 =	seq.s32 @!p0 s5, $0x0  }
0x1f: {  	s9 =	smul.u32 $0xF7A, s1;
	s8 =	simm.s32 @!p0 $0x1BF5;
	p2 =	por !p2, p0  }
0x20: {  	[sflag:s8] =	ssyncset.s32 @!p0 $0xFFFFF086;
	s6 =	sadd.s32 @!p0 s3, s7;
	s7 =	simm.s32 @!p0 $0x108  }
0x21: {  	s3 =	sadd.s32 s3, s9;
	s6 =	sadd.s32 @!p0 $0x88, s6;
	s7 =	simm.s32 @p2 $0x1082  }
0x22: {  	[simem:s7], [sflag:s8] =	dma.local @!p0 [hbm:s6], $0xF7A  }
0x23: {  	s9 =	sor.u32 $0xD0000000, s2;
	s6 =	simm.s32 $0x108;
	_ =	swait.ge @!p0 [sflag:s8], $0x0  }
0x24: {  	s3 =	sadd.s32 $0x88, s3;
	s6 =	simm.s32 @!p1 $0x1082;
	[sflag:s4] =	ssyncset.s32 $0xFFFFF086  }
0x25: {  	[simem:s6], [sflag:s4] =	dma.local [hbm:s3], $0xF7A  }
0x26: {  	[smem:$0x3F9F] =	sst s1;
	(tag) =	ssettag s2;
	_ =	strace s9  }
0x27: {  	s1 =	sld [smem:$0x3FAF]  }
0x28: {  	s2 =	sld [smem:$0x3FB0]  }
0x29: {  	s4 =	sld [smem:$0x3FB2]  }
0x2a: {  	p0 =	seq.s32 s5, $0x0;
	s5 =	sld [smem:$0x3FB3]  }
0x2b: {  	s6 =	sld [smem:$0x3FB4]  }
0x2c: {  	s7 =	sld [smem:$0x3FB5]  }
0x2d: {  	s3 =	simm.s32 $0x108;
	s8 =	sld [smem:$0x3FB6]  }
0x2e: {  	s3 =	simm.s32 @!p0 $0x1082;
	s9 =	sld [smem:$0x3FB7]  }
0x2f: {  	lr =	sadd.s32 s0, s3;
	s0 =	sld [smem:$0x3FAE]  }
0x30: {  	s3 =	sld [smem:$0x3FB1]  }
0x31: {  	[smem:$0x3FBA] =	sst s10  }
0x32: {  	s10 =	sld [smem:$0x3FB8];
	_ =	sdelay $0x3  }
0x33: {  	p0 =	seq.s32 s10, $0x1;
	s10 =	sld [smem:$0x3FBA];
	_ =	sdelay $0x3  }
0x34: {  	[smem:$0x3FBA] =	sst s10  }
0x35: {  	s10 =	sld [smem:$0x3FB9];
	_ =	sdelay $0x3  }
0x36: {  	p1 =	seq.s32 s10, $0x1;
	s10 =	sld [smem:$0x3FBA];
	_ =	sdelay $0x3  }
0x37: {  	[smem:$0x3FBA] =	sst s10  }
0x38: {  	s10 =	sld [smem:$0x3FBB]  }
0x39: {  	_ = 	snop;
	(pc) =	sbr.ind lr, $3  }
0x3a: {  	_ = 	snop  }
0x3b: {  	_ = 	snop  }
0x3c: {  	p2 =	seq.s32 s10, $0x1;
	s10 =	sld [smem:$0x3FBA]  }
0x3d: {  	_ =	shalt  }
0x3e: {  	_ =	shalt  }
0x3f: {  	_ =	shalt  }
0x40: {  	_ =	shalt  }
0x41: {  	_ =	shalt  }
0x42: {  	_ =	shalt  }
0x43: {  	_ =	shalt  }
0x44: {  	_ =	shalt  }
0x45: {  	_ =	shalt  }
0x46: {  	_ =	shalt  }
0x47: {  	_ =	shalt  }
0x48: {  	_ =	shalt  }
0x49: {  	_ =	shalt  }
0x4a: {  	_ =	shalt  }
0x4b: {  	_ =	shalt  }
0x4c: {  	_ =	shalt  }
0x4d: {  	_ =	shalt  }
0x4e: {  	_ =	shalt  }
0x4f: {  	_ =	shalt  }
0x50: {  	_ =	shalt  }
0x51: {  	_ =	shalt  }
0x52: {  	_ =	shalt  }
0x53: {  	_ =	shalt  }
0x54: {  	_ =	shalt  }
0x55: {  	_ =	shalt  }
0x56: {  	_ =	shalt  }
0x57: {  	_ =	shalt  }
0x58: {  	_ =	shalt  }
0x59: {  	_ =	shalt  }
0x5a: {  	_ =	shalt  }
0x5b: {  	_ =	shalt  }
0x5c: {  	_ =	shalt  }
0x5d: {  	_ =	shalt  }
0x5e: {  	_ =	shalt  }
0x5f: {  	_ =	shalt  }
0x60: {  	_ =	shalt  }
0x61: {  	_ =	shalt  }
0x62: {  	_ =	shalt  }
0x63: {  	_ =	shalt  }
0x64: {  	_ =	shalt  }
0x65: {  	_ =	shalt  }
0x66: {  	_ =	shalt  }
0x67: {  	_ =	shalt  }
0x68: {  	_ =	shalt  }
0x69: {  	_ =	shalt  }
0x6a: {  	_ =	shalt  }
0x6b: {  	_ =	shalt  }
0x6c: {  	_ =	shalt  }
0x6d: {  	_ =	shalt  }
0x6e: {  	_ =	shalt  }
0x6f: {  	_ =	shalt  }
0x70: {  	_ =	shalt  }
0x71: {  	_ =	shalt  }
0x72: {  	_ =	shalt  }
0x73: {  	_ =	shalt  }
0x74: {  	_ =	shalt  }
0x75: {  	_ =	shalt  }
0x76: {  	_ =	shalt  }
0x77: {  	_ =	shalt  }
0x78: {  	_ =	shalt  }
0x79: {  	_ =	shalt  }
0x7a: {  	_ =	shalt  }
0x7b: {  	_ =	shalt  }
0x7c: {  	_ =	shalt  }
0x7d: {  	_ =	shalt  }
0x7e: {  	_ =	shalt  }
0x7f: {  	_ =	shalt  }
0x80: {  	_ =	shalt  }
0x81: {  	_ =	shalt  }
0x82: {  	_ =	shalt  }
0x83: {  	_ =	shalt  }
0x84: {  	_ =	shalt  }
0x85: {  	_ =	shalt  }
0x86: {  	_ =	shalt  }
0x87: {  	_ =	shalt  }
.Lfunc_end0:
.L_simem_size_0:
called_computation_lowered:
.L_overlay_start_0:
0x88: {  	s2 =	sld [smem:$0x3FD9]  }
0x89: {  	s3 =	sld [smem:$0x3FFE];
	_ =	sdelay $0x1  }
0x8a: {  	s1 =	srdreg.scid  }
0x8b: {  	s0 =	sand.u32 $0x1, s1  }
0x8c: {  	s17 =	sshll.u32 s0, $0xA;
	s2 =	sadd.s32 s3, s2  }
0x8d: {  	s2 =	sadd.s32 s2, s17  }
0x8e: {  	[smem:$0x3FC6] =	sst s2  }
0x8f: {  	_ = 	snop  }
0x90: {  	s2 =	sld [smem:$0x3FD0];
	(tm) =	ssettm $0x1  }
0x91: {  	s18 =	sld [smem:$0x3FFB];
	_ =	sdelay $0x3  }
0x92: {  	_ =	strace s18  }
0x93: {  	s3 =	sld [smem:$0x3FFC];
	_ =	sdelay $0x3  }
0x94: {  	_ =	strace s3  }
0x95: {  	s3 =	sld [smem:$0x3FFD];
	_ =	sdelay $0x3  }
0x96: {  	_ =	strace s3  }
0x97: {  	_ =	strace $0x8FFFFFFF  }
0x98: {  	s19 =	sld [smem:$0x3FDB];
	_ =	sdelay $0x1  }
0x99: {  	s4 =	simm.s32 $_scs_section_size  }
0x9a: {  	s5 =	simm.s32 $_size__tile_overlayer_lowered;
	s6 =	simm.s32 $_tile_overlayer_lowered  }
0x9b: {  	s22 =	simm.s32 $0x1BFF;
	s21 =	sshll.u32 s6, $0x1;
	s3 =	sadd.s32 s4, s19  }
0x9c: {  	s7 =	simm.s32 $0x0;
	s20 =	sshll.u32 s5, $0x1;
	s5 =	sadd.s32 s21, s3  }
0x9d: {  	[timem:s7], [sflag:s22] =	dma.local [hbm:s5], s20  }
0x9e: {  	_ =	swait.ge [sflag:s22], s20  }
0x9f: {  	s4 =	ssub.s32 $0x0, s20;
	[sflag:s22] =	ssyncset.done $0x0  }
0xa0: {  	[sflag:s22] =	ssyncadd.s32 s4;
	_ =	sdelay $0x1  }
0xa1: {  	s23 =	simm.s32 $0x1B8B  }
0xa2: {  	_ =	swait.ge [sflag:s23], $0x1  }
0xa3: {  	[sflag:s23] =	ssyncset.done $0x0  }
0xa4: {  	s25 =	simm.s32 $0x1B8E;
	s24 =	sld [smem:$0x3FFE];
	[sflag:s23] =	ssyncadd.s32 $0xFFFFFFFF  }
0xa5: {  	s26 =	simm.s32 $execute0_lowered;
	[smem:$0x3FD2] =	sst s25  }
0xa6: {  	s5 =	sshll.u32 s26, $0x1;
	_ =	strace $0x80000046;
	[dreg:$0x1] =	wrdreg $0xFFFFFFFF  }
0xa7: {  	s28 =	simm.s32 $_size_execute0_lowered;
	s3 =	sadd.s32 s3, s5;
	[dreg:$0x0] =	wrdreg $0x0  }
0xa8: {  	s5 =	sshll.u32 s28, $0x1;
	[dreg:$0x2] =	wrdreg s3  }
0xa9: {  	[dreg:$0x3] =	wrdreg s5  }
0xaa: {  	[dreg:$0x4] =	wrdreg $0xC0  }
0xab: {  	_ =	task [dreg:s7], $0x5FFFF  }
0xac: {  	[dreg:$0x1] =	wrdreg $0xFFFFFFFF  }
0xad: {  	[dreg:$0x0] =	wrdreg $0x60  }
0xae: {  	[dreg:$0x2] =	wrdreg s24  }
0xaf: {  	[dreg:$0x3] =	wrdreg s2  }
0xb0: {  	[dreg:$0x4] =	wrdreg $0x9  }
0xb1: {  	_ =	task.clear_ibuf [dreg:s7], $0x5FFFF;
	_ =	strace $0x90000046  }
0xb2: {  	s29 =	simm.s32 $0x9;
	_ =	strace $0x80000048  }
0xb3: {  	_ =	swait.ge [sflag:s29], $0x1  }
0xb4: {  	[sflag:s29] =	ssyncadd.s32 $0xFFFFFFFF  }
0xb5: {  	_ =	strace $0x90000048  }
0xb6: {  	_ =	sfence  }
0xb7: {  	s30 =	sld [smem:$0x0];
	_ =	sdelay $0x2  }
0xb8: {  	s31 =	sshll.u32 s1, $0xD;
	s1 =	sshrl.u32 s1, $0x2  }
0xb9: {  	s3 =	sand.u32 $0x4000, s31;
	s1 =	sadd.s32 s1, s30  }
0xba: {  	s0 =	sor.u32 s3, s0;
	s1 =	sshll.u32 s1, $0x11  }
0xbb: {  	s0 =	sor.u32 s1, s0  }
0xbc: {  	s0 =	sadd.s32 $0x8F2B, s0  }
0xbd: {  	[sflag:s0] =	ssyncadd.remote.s32 $0x1  }
0xbe: {  	_ =	sfence.sel $0xFFFF  }
0xbf: {  	[dreg:$0x0] =	wrdreg $0xFFFFFFFF;
	(pc) =	sbr.abs _section_cstart, $3  }
0xc0: {  	[dreg:$0x1] =	wrdreg $0xFFFFFFFF  }
0xc1: {  	_ =	task.clear_ibuf [dreg:s7], $0x2FFFF;
	_ =	strace $0x9FFFFFFF  }
0xc2: {  	(tm) =	ssettm $0x7FFFFFFF  }
0xc3: {  	_ =	shalt  }
tec
execute0_lowered:
.L_overlay_start_1:
0x0: {  	(tag) =	ssettag $0x1  }
0x1: {  	s0 =	rddreg [dreg:$0x0]  }
0x2: {  	s2 =	rddreg [dreg:$0x1]  }
0x3: {  	s1 =	srdreg.scid;
	s4 =	stileid.u32  }
0x4: {  	s3 =	simm.s32 $0x0;
	s9 =	simm.s32 $0x4000;
	s12 =	simm.s32 $0x80  }
0x5: {  	s14 =	simm.s32 $0x2000;
	s16 =	simm.s32 $0x10400;
	s17 =	simm.s32 $0x400  }
0x6: {  	s18 =	simm.s32 $0x20000;
	s19 =	simm.s32 $0x6000;
	s21 =	simm.s32 $0x12400  }
0x7: {  	s22 =	simm.s32 $0x8000;
	s24 =	simm.s32 $0x14400;
	s28 =	simm.s32 $0x16400  }
0x8: {  	s29 =	simm.s32 $0x7;
	s1 =	sand.u32 $0x1, s1;
	s4 =	sshll.u32 s4, $0x1  }
0x9: {  	v1 =	vlaneseq.u32;
	s30 =	simm.s32 $0x5;
	s31 =	simm.s32 $0x18400;
	s5 =	sor.u32 s1, s4  }
0xa: {  	[smem:$0x7FF] =	sst s3;
	v62 =	vmul.u32 $0x40, v1;
	v9 =	vor.u32 $0x10, v1;
	v10 =	vor.u32 $0x20, v1;
	s1 =	ssub.s32 $0x2, s1;
	s4 =	sshll.u32 s5, $0x6  }
0xb: {  	v11 =	vor.u32 $0x30, v1;
	v12 =	vor.u32 $0x40, v1;
	v13 =	vor.u32 $0x50, v1;
	_ =	strace $0x80000047;
	s6 =	sshrl.u32 s1, $0x1;
	s7 =	sadd.s32 s4, s0  }
0xc: {  	v14 =	vor.u32 $0x60, v1;
	v15 =	vor.u32 $0x70, v1;
	v2 =	vor.u32 $0x400, v62;
	s4 =	sadd.s32 $0xF42A00, s0;
	s25 =	ssub.s32 s1, s6;
	s26 =	sadd.s32 $0x600, s7  }
0xd: {  	v3 =	vor.u32 $0x800, v62;
	v4 =	vor.u32 $0xC00, v62;
	v5 =	vor.u32 $0x1000, v62;
	s6 =	sshll.u32 s5, $0x2;
	s0 =	smax.u32 s25, $0x1;
	[dreg:$0x3] =	wrdreg s26  }
0xe: {  	v6 =	vor.u32 $0x1400, v62;
	v7 =	vor.u32 $0x1800, v62;
	v8 =	vor.u32 $0x1C00, v62;
	[tilespmem:$0x1FFF0] =	vst v62;
	s5 =	simm.s32 $0x0;
	[dreg:$0x4] =	wrdreg s0;
	s26 =	simm.s32 $0x4  }
.LBB2_1:
0xf: {  	[dreg:$0x5] =	wrdreg s5  }
0x10: {  	s0 =	rddreg [dreg:$0x3]  }
0x11: {  	s1 =	simm.s32 $0x200;
	s20 =	simm.s32 $0xA000;
	s23 =	simm.s32 $0xB  }
0x12: {  	[tilespmem:s20], [sflag:$0xB] =	stream.strided.gather [hbm4b:s0+s1], $0x6400, s9, s1, $0x38;
	[tilespmem:$0x1A400] =	vst v63  }
0x13: {  	_ =	swait.ge [sflag:s23], $0x6400  }
0x14: {  	[sflag:s23] =	ssyncset.done $0x0  }
0x15: {  	[sflag:s23] =	ssyncadd.s32 $0xFFFF9C00  }
0x16: {  	[tilespmem:s3], [sflag:$0x1] =	stream.indirect.gather [hbm4b:s4+s12], $0x40, s20, s12, $0xb8;
	[tilespmem:$0x1A400] =	vst v63  }
0x17: {  	s25 =	simm.s32 $0xA200;
	s10 =	simm.s32 $0x0  }
0x18: {  	[tilespmem:s14], [sflag:$0x2] =	stream.indirect.gather [hbm4b:s4+s12], $0x40, s25, s12, $0xb8;
	[tilespmem:$0x1A400] =	vst v63  }
.LBB2_2:
0x19: {  	s7 =	smul.u32 $0x5, s10;
	_ =	sdelay $0x1  }
0x1a: {  	s0 =	sadd.s32 $0x2, s7  }
0x1b: {  	s1 =	sand.u32 $0xFF, s0  }
0x1c: {  	s1 =	smul.u32 $0x29, s1;
	_ =	sdelay $0x1  }
0x1d: {  	s8 =	sshrl.u32 s1, $0xB  }
0x1e: {  	s1 =	smul.u32 $0x1FFFCE, s8  }
0x1f: {  	s5 =	simm.s32 $0x0  }
0x20: {  	p0 =	seq.s32 s10, $0x0;
	v22 =	vadd.s32 s5, v1;
	s1 =	sadd.s32 s0, s1  }
0x21: {  	s5 =	simm.s32 @!p0 $0x8;
	v16 =	vand.u32 $0xF, v22;
	s1 =	sshll.u32 s1, $0xB  }
0x22: {  	_ =	swait.ge @!p0 [sflag:s5], $0x2000;
	v19 =	vor.u32 $0x20, v16;
	s11 =	sshll.u32 s8, $0x7;
	s1 =	sshra.s32 s1, $0x2  }
0x23: {  	v17 =	vand.u32 $0x7, v22;
	[sflag:s5] =	ssyncset.done @!p0 $0x0;
	v18 =	vand.u32 $0x28, v19;
	s1 =	sadd.s32 s11, s1  }
0x24: {  	s25 =	simm.s32 $0x1;
	v20 =	vor.u32 v4, v16;
	[sflag:s5] =	ssyncadd.s32 @!p0 $0xFFFFE000;
	v30 =	vor.u32 v17, v18;
	s1 =	sadd.s32 $0xA000, s1  }
0x25: {  	v17 =	vor.u32 v8, v30;
	[tilespmem:s9], [sflag:$0x3] =	stream.indirect.gather [hbm4b:s4+s12], $0x40, s1, s12, $0xb8;
	[tilespmem:$0x1A400] =	vst v63  }
0x26: {  	v18 =	vor.u32 v7, v16;
	_ =	swait.ge [sflag:s25], $0x2000  }
0x27: {  	v23 =	vor.u32 v2, v30;
	[sflag:s25] =	ssyncset.done $0x0  }
0x28: {  	v24 =	vor.u32 v2, v16;
	[sflag:s25] =	ssyncadd.s32 $0xFFFFE000  }
0x29: {  	v25 =	vor.u32 v62, v16;
	v36 =	vld.idx.msk [tilespmem:v20+s3+$0x0], $0xffff  }
0x2a: {  	v26 =	vor.u32 v3, v16;
	v21 =	vld.idx.msk [tilespmem:v17+s3+$0x0], $0xffff  }
0x2b: {  	v28 =	vor.u32 v62, v30;
	v37 =	vld.idx.msk [tilespmem:v18+s3+$0x0], $0xffff  }
0x2c: {  	v27 =	vor.u32 $0x10, v22;
	v31 =	vor.u32 v6, v16;
	v20 =	vld.idx.msk [tilespmem:v23+s3+$0x0], $0xffff  }
0x2d: {  	v29 =	vand.u32 $0x1F, v27;
	v34 =	vor.u32 v5, v30;
	v39 =	vld.idx.msk [tilespmem:v24+s3+$0x0], $0xffff  }
0x2e: {  	v51 =	vor.u32 v4, v29;
	v40 =	vld.idx.msk [tilespmem:v25+s3+$0x0], $0xffff  }
0x2f: {  	v18 =	vor.u32 v7, v29;
	v43 =	vld.idx.msk [tilespmem:v26+s3+$0x0], $0xffff  }
0x30: {  	v24 =	vor.u32 v2, v29;
	v26 =	vld.idx.msk [tilespmem:v28+s3+$0x0], $0xffff  }
0x31: {  	v25 =	vor.u32 v8, v16;
	v53 =	vld.idx.msk [tilespmem:v31+s3+$0x0], $0xffff  }
0x32: {  	v28 =	vor.u32 v5, v16;
	v34 =	vld.idx.msk [tilespmem:v34+s3+$0x0], $0xffff  }
0x33: {  	v47 =	vor.u32 v3, v29;
	v17 =	vor.u32 $0x30, v22;
	v51 =	vld.idx.msk [tilespmem:v51+s3+$0x0], $0xffff  }
0x34: {  	v59 =	vor.u32 v8, v29;
	v32 =	vand.u32 $0x3F, v17;
	v50 =	vld.idx.msk [tilespmem:v18+s3+$0x0], $0xffff  }
0x35: {  	v23 =	vor.u32 v3, v32;
	v33 =	vld.idx.msk [tilespmem:v24+s3+$0x0], $0xffff  }
0x36: {  	v46 =	vor.u32 v4, v30;
	v52 =	vld.idx.msk [tilespmem:v25+s3+$0x0], $0xffff  }
0x37: {  	v18 =	vor.u32 v2, v32;
	v58 =	vld.idx.msk [tilespmem:v28+s3+$0x0], $0xffff  }
0x38: {  	v25 =	vor.u32 v5, v29;
	v54 =	vmul.f32 $8.000000000e+00, v40;
	v40 =	vld.idx.msk [tilespmem:v47+s3+$0x0], $0xffff  }
0x39: {  	v35 =	vor.u32 v6, v30;
	v56 =	vmul.f32 $8.000000000e+00, v39;
	v39 =	vld.idx.msk [tilespmem:v59+s3+$0x0], $0xffff  }
0x3a: {  	v38 =	vor.u32 v5, v32;
	v42 =	vor.u32 v4, v32;
	v16 =	vld.idx.msk [tilespmem:v23+s3+$0x0], $0xffff;
	v23 =	vor.u32 v62, v32  }
0x3b: {  	v60 =	vor.u32 v7, v32;
	v55 =	vor.u32 v8, v32;
	v28 =	vor.u32 v6, v32;
	v32 =	vld.idx.msk [tilespmem:v46+s3+$0x0], $0xffff  }
0x3c: {  	v41 =	vor.u32 v7, v30;
	v18 =	vld.idx.msk [tilespmem:v18+s3+$0x0], $0xffff  }
0x3d: {  	v31 =	vld.idx.msk [tilespmem:v25+s3+$0x0], $0xffff  }
0x3e: {  	v22 =	vshll.u32 v22, $0x7;
	v44 =	vshll.u32 v17, $0x7;
	v25 =	vshll.u32 v27, $0x7;
	v27 =	vld.idx.msk [tilespmem:v35+s3+$0x0], $0xffff  }
0x3f: {  	v57 =	vand.u32 $0x380, v22;
	v61 =	vand.u32 $0x780, v22;
	v24 =	vld.idx.msk [tilespmem:v23+s3+$0x0], $0xffff;
	v23 =	vor.u32 v62, v29  }
0x40: {  	v22 =	vand.u32 $0x1C00, v44;
	v44 =	vor.u32 v10, v61;
	v17 =	vld.idx.msk [tilespmem:v28+s3+$0x0], $0xffff;
	v28 =	vor.u32 v6, v29  }
0x41: {  	v22 =	vor.u32 v57, v22;
	v37 =	vmul.f32 $8.000000000e+00, v37;
	v49 =	vmul.f32 $8.000000000e+00, v43;
	v35 =	vld.idx.msk [tilespmem:v41+s3+$0x0], $0xffff  }
0x42: {  	v43 =	vor.u32 v13, v61;
	v45 =	vand.u32 $0xC00, v25;
	v25 =	vshll.u32 v19, $0x7;
	v19 =	vld.idx.msk [tilespmem:v38+s3+$0x0], $0xffff  }
0x43: {  	v47 =	vor.u32 v14, v61;
	v41 =	vor.u32 v1, v61;
	v48 =	vand.u32 $0x1400, v25;
	v25 =	vld.idx.msk [tilespmem:v42+s3+$0x0], $0xffff  }
0x44: {  	v29 =	vor.u32 v57, v45;
	v38 =	vld.idx.msk [tilespmem:v23+s3+$0x0], $0xffff;
	v23 =	vor.u32 v57, v48;
	v57 =	vor.u32 v3, v30  }
0x45: {  	v53 =	vmul.f32 $8.000000000e+00, v53;
	v46 =	vor.u32 v11, v61;
	v42 =	vor.u32 v9, v61;
	v48 =	vld.idx.msk [tilespmem:v28+s3+$0x0], $0xffff  }
0x46: {  	v58 =	vmul.f32 $8.000000000e+00, v58;
	v52 =	vmul.f32 $8.000000000e+00, v52;
	v45 =	vor.u32 v12, v61;
	v28 =	vld.idx.msk [tilespmem:v55+s3+$0x0], $0xffff  }
0x47: {  	s1 =	simm.s32 $0x1;
	v55 =	vmul.f32 $8.000000000e+00, v36;
	v36 =	vmul.f32 $8.000000000e+00, v50;
	v30 =	vld.idx.msk [tilespmem:v60+s3+$0x0], $0xffff;
	v50 =	vor.u32 v15, v61  }
.LBB2_3:
0x48: {  	_ = 	snop  }
0x49: {  	v57 =	vld.idx.msk [tilespmem:v57+s3+$0x0], $0xffff;
	[tilespmem:v41+s16+$0x0] =	vst.idx.msk $0xffff, v54  }
0x4a: {  	[tilespmem:v42+s16+$0x0] =	vst.idx.msk $0xffff, v56  }
0x4b: {  	[tilespmem:v44+s16+$0x0] =	vst.idx.msk $0xffff, v49  }
0x4c: {  	v56 =	vor.u32 v1, v29;
	[tilespmem:v46+s16+$0x0] =	vst.idx.msk $0xffff, v55  }
0x4d: {  	[tilespmem:v45+s16+$0x0] =	vst.idx.msk $0xffff, v58;
	v58 =	vor.u32 v9, v29  }
0x4e: {  	v59 =	vor.u32 v10, v29;
	[tilespmem:v43+s16+$0x0] =	vst.idx.msk $0xffff, v53  }
0x4f: {  	v60 =	vor.u32 v11, v29;
	v38 =	vmul.f32 $8.000000000e+00, v38;
	[tilespmem:v47+s16+$0x0] =	vst.idx.msk $0xffff, v37  }
0x50: {  	v33 =	vmul.f32 $8.000000000e+00, v33;
	v61 =	vor.u32 v12, v29;
	[tilespmem:v50+s16+$0x0] =	vst.idx.msk $0xffff, v52  }
0x51: {  	v54 =	vmul.f32 $8.000000000e+00, v51;
	v63 =	vmul.f32 $8.000000000e+00, v40;
	v51 =	vor.u32 v13, v29;
	[tilespmem:v56+s16+$0x0] =	vst.idx.msk $0xffff, v38  }
0x52: {  	v52 =	vor.u32 v14, v29;
	[tilespmem:v58+s16+$0x0] =	vst.idx.msk $0xffff, v33  }
0x53: {  	v31 =	vmul.f32 $8.000000000e+00, v31;
	v29 =	vor.u32 v15, v29;
	[tilespmem:v59+s16+$0x0] =	vst.idx.msk $0xffff, v63  }
0x54: {  	v48 =	vmul.f32 $8.000000000e+00, v48;
	v53 =	vor.u32 v1, v23;
	[tilespmem:v60+s16+$0x0] =	vst.idx.msk $0xffff, v54  }
0x55: {  	v42 =	vmul.f32 $8.000000000e+00, v21;
	[tilespmem:v61+s16+$0x0] =	vst.idx.msk $0xffff, v31;
	v31 =	vor.u32 v9, v23  }
0x56: {  	v21 =	vor.u32 v15, v22;
	v39 =	vmul.f32 $8.000000000e+00, v39;
	v54 =	vor.u32 v10, v23;
	[tilespmem:v51+s16+$0x0] =	vst.idx.msk $0xffff, v48  }
0x57: {  	v44 =	vor.u32 v11, v22;
	v26 =	vmul.f32 $8.000000000e+00, v26;
	v56 =	vor.u32 v11, v23;
	[tilespmem:v52+s16+$0x0] =	vst.idx.msk $0xffff, v36  }
0x58: {  	v55 =	vor.u32 v15, v23;
	v20 =	vmul.f32 $8.000000000e+00, v20;
	v61 =	vor.u32 v12, v23;
	[tilespmem:v29+s16+$0x0] =	vst.idx.msk $0xffff, v39  }
0x59: {  	v58 =	vor.u32 v14, v23;
	v23 =	vor.u32 v13, v23;
	v29 =	vmul.f32 $8.000000000e+00, v57;
	[tilespmem:v53+s16+$0x0] =	vst.idx.msk $0xffff, v26  }
0x5a: {  	v46 =	vor.u32 v14, v22;
	v45 =	vor.u32 v10, v22;
	v26 =	vmul.f32 $8.000000000e+00, v32;
	[tilespmem:v31+s16+$0x0] =	vst.idx.msk $0xffff, v20  }
0x5b: {  	v34 =	vmul.f32 $8.000000000e+00, v34;
	v47 =	vor.u32 v13, v22;
	v50 =	vor.u32 v12, v22;
	[tilespmem:v54+s16+$0x0] =	vst.idx.msk $0xffff, v29  }
0x5c: {  	v27 =	vmul.f32 $8.000000000e+00, v27;
	v38 =	vor.u32 v9, v22;
	v22 =	vor.u32 v1, v22;
	[tilespmem:v56+s16+$0x0] =	vst.idx.msk $0xffff, v26  }
0x5d: {  	v35 =	vmul.f32 $8.000000000e+00, v35;
	[tilespmem:v61+s16+$0x0] =	vst.idx.msk $0xffff, v34  }
0x5e: {  	[tilespmem:v23+s16+$0x0] =	vst.idx.msk $0xffff, v27  }
0x5f: {  	s5 =	smov.u32 s1;
	v24 =	vmul.f32 $8.000000000e+00, v24;
	[tilespmem:v58+s16+$0x0] =	vst.idx.msk $0xffff, v35  }
0x60: {  	v18 =	vmul.f32 $8.000000000e+00, v18;
	v32 =	vadd.s32 s5, v1;
	[tilespmem:v55+s16+$0x0] =	vst.idx.msk $0xffff, v42  }
0x61: {  	v16 =	vmul.f32 $8.000000000e+00, v16;
	v20 =	vmul.f32 $8.000000000e+00, v30;
	v30 =	vand.u32 $0xF, v32;
	[tilespmem:v22+s16+$0x0] =	vst.idx.msk $0xffff, v24  }
0x62: {  	v25 =	vmul.f32 $8.000000000e+00, v25;
	v63 =	vor.u32 $0x20, v30;
	[tilespmem:v38+s16+$0x0] =	vst.idx.msk $0xffff, v18  }
0x63: {  	v59 =	vand.u32 $0x7, v32;
	v60 =	vand.u32 $0x28, v63;
	[tilespmem:v45+s16+$0x0] =	vst.idx.msk $0xffff, v16;
	v16 =	vmul.f32 $8.000000000e+00, v19  }
0x64: {  	v17 =	vmul.f32 $8.000000000e+00, v17;
	v26 =	vor.u32 v4, v30;
	v39 =	vor.u32 v59, v60;
	[tilespmem:v44+s16+$0x0] =	vst.idx.msk $0xffff, v25  }
0x65: {  	v22 =	vor.u32 v8, v39;
	[tilespmem:v50+s16+$0x0] =	vst.idx.msk $0xffff, v16  }
0x66: {  	v28 =	vmul.f32 $8.000000000e+00, v28;
	v23 =	vor.u32 v7, v30;
	[tilespmem:v47+s16+$0x0] =	vst.idx.msk $0xffff, v17  }
0x67: {  	v35 =	vor.u32 v2, v39;
	[tilespmem:v46+s16+$0x0] =	vst.idx.msk $0xffff, v20  }
0x68: {  	v43 =	vor.u32 v2, v30;
	[tilespmem:v21+s16+$0x0] =	vst.idx.msk $0xffff, v28  }
0x69: {  	v31 =	vor.u32 $0x10, v32;
	v40 =	vor.u32 v62, v30;
	v28 =	vld.idx.msk [tilespmem:v26+s3+$0x0], $0xffff  }
0x6a: {  	v24 =	vand.u32 $0x1F, v31;
	v18 =	vor.u32 v3, v30;
	v21 =	vld.idx.msk [tilespmem:v22+s3+$0x0], $0xffff  }
0x6b: {  	v38 =	vor.u32 v62, v24;
	v42 =	vld.idx.msk [tilespmem:v23+s3+$0x0], $0xffff  }
0x6c: {  	v51 =	vor.u32 v7, v39;
	v20 =	vld.idx.msk [tilespmem:v35+s3+$0x0], $0xffff  }
0x6d: {  	v37 =	vor.u32 $0x30, v32;
	v0 =	vor.u32 v4, v24;
	v55 =	vld.idx.msk [tilespmem:v43+s3+$0x0], $0xffff  }
0x6e: {  	v29 =	vshll.u32 v37, $0x7;
	v61 =	vshll.u32 v31, $0x7;
	v34 =	vor.u32 v62, v39;
	v40 =	vld.idx.msk [tilespmem:v40+s3+$0x0], $0xffff  }
0x6f: {  	v25 =	vand.u32 $0x3F, v37;
	v16 =	vshll.u32 v63, $0x7;
	v63 =	vor.u32 v7, v24;
	v57 =	vld.idx.msk [tilespmem:v18+s3+$0x0], $0xffff  }
0x70: {  	v48 =	vor.u32 v5, v30;
	v27 =	vand.u32 $0xC00, v61;
	v49 =	vor.u32 v3, v25;
	v38 =	vld.idx.msk [tilespmem:v38+s3+$0x0], $0xffff  }
0x71: {  	v31 =	vor.u32 v62, v25;
	v37 =	vor.u32 v2, v25;
	v17 =	vshll.u32 v32, $0x7;
	v35 =	vld.idx.msk [tilespmem:v51+s3+$0x0], $0xffff  }
0x72: {  	v16 =	vand.u32 $0x1400, v16;
	v26 =	vand.u32 $0x380, v17;
	v22 =	vand.u32 $0x1C00, v29;
	v51 =	vld.idx.msk [tilespmem:v0+s3+$0x0], $0xffff  }
0x73: {  	v23 =	vor.u32 v26, v16;
	v29 =	vor.u32 v26, v27;
	v22 =	vor.u32 v26, v22;
	v26 =	vld.idx.msk [tilespmem:v34+s3+$0x0], $0xffff  }
0x74: {  	v41 =	vor.u32 v5, v39;
	v61 =	vld.idx.msk [tilespmem:v63+s3+$0x0], $0xffff  }
0x75: {  	v19 =	vor.u32 v5, v24;
	v16 =	vld.idx.msk [tilespmem:v49+s3+$0x0], $0xffff  }
0x76: {  	v52 =	vor.u32 v3, v24;
	v44 =	vor.u32 v5, v25;
	v63 =	vld.idx.msk [tilespmem:v48+s3+$0x0], $0xffff  }
0x77: {  	v53 =	vor.u32 v6, v24;
	v59 =	vor.u32 v8, v24;
	v32 =	vor.u32 v8, v30;
	v18 =	vld.idx.msk [tilespmem:v37+s3+$0x0], $0xffff  }
0x78: {  	v50 =	vand.u32 $0x780, v17;
	v17 =	vor.u32 v6, v30;
	v30 =	vor.u32 v2, v24;
	v24 =	vld.idx.msk [tilespmem:v31+s3+$0x0], $0xffff  }
0x79: {  	v34 =	vld.idx.msk [tilespmem:v41+s3+$0x0], $0xffff  }
0x7a: {  	v60 =	vor.u32 v7, v25;
	v31 =	vld.idx.msk [tilespmem:v19+s3+$0x0], $0xffff  }
0x7b: {  	v58 =	vor.u32 v8, v25;
	v47 =	vor.u32 v4, v25;
	v25 =	vor.u32 v6, v25;
	v19 =	vld.idx.msk [tilespmem:v44+s3+$0x0], $0xffff  }
0x7c: {  	v48 =	vld.idx.msk [tilespmem:v53+s3+$0x0], $0xffff  }
0x7d: {  	v36 =	vor.u32 v4, v39;
	v33 =	vld.idx.msk [tilespmem:v30+s3+$0x0], $0xffff  }
0x7e: {  	v30 =	vld.idx.msk [tilespmem:v32+s3+$0x0], $0xffff  }
0x7f: {  	v62 =	vld.idx.msk [tilespmem:v17+s3+$0x0], $0xffff  }
0x80: {  	v17 =	vld.idx.msk [tilespmem:v25+s3+$0x0], $0xffff  }
0x81: {  	v27 =	vor.u32 v6, v39;
	v25 =	vld.idx.msk [tilespmem:v47+s3+$0x0], $0xffff  }
0x82: {  	v32 =	vld.idx.msk [tilespmem:v36+s3+$0x0], $0xffff  }
0x83: {  	p1 =	sne.s32 s1, $0xF;
	v46 =	vor.u32 v11, v50;
	v56 =	vmul.f32 $8.000000000e+00, v55;
	v55 =	vmul.f32 $8.000000000e+00, v28;
	v28 =	vld.idx.msk [tilespmem:v58+s3+$0x0], $0xffff  }
.Ltmp0:
0x84: {  	v45 =	vor.u32 v12, v50;
	v43 =	vor.u32 v13, v50;
	v54 =	vmul.f32 $8.000000000e+00, v40;
	v40 =	vld.idx.msk [tilespmem:v52+s3+$0x0], $0xffff;
	(pc) =	sbr.rel @p1 .LBB2_3-.Ltmp0, $4  }
0x85: {  	v41 =	vor.u32 v1, v50;
	v49 =	vmul.f32 $8.000000000e+00, v57;
	v57 =	vor.u32 v3, v39;
	v39 =	vld.idx.msk [tilespmem:v59+s3+$0x0], $0xffff  }
0x86: {  	v44 =	vor.u32 v10, v50;
	v37 =	vmul.f32 $8.000000000e+00, v42;
	v42 =	vor.u32 v9, v50;
	v27 =	vld.idx.msk [tilespmem:v27+s3+$0x0], $0xffff  }
0x87: {  	v47 =	vor.u32 v14, v50;
	v36 =	vmul.f32 $8.000000000e+00, v61;
	v53 =	vmul.f32 $8.000000000e+00, v62;
	v62 =	vld [tilespmem:$0x1FFF0]  }
0x88: {  	s1 =	sadd.s32 $0x1, s1;
	v50 =	vor.u32 v15, v50;
	v58 =	vmul.f32 $8.000000000e+00, v63;
	v52 =	vmul.f32 $8.000000000e+00, v30;
	v30 =	vld.idx.msk [tilespmem:v60+s3+$0x0], $0xffff  }
0x89: {  	_ =	sdelay $0x3  }
0x8a: {  	v0 =	vld.idx.msk [tilespmem:v57+s3+$0x0], $0xffff;
	[tilespmem:v41+s16+$0x0] =	vst.idx.msk $0xffff, v54  }
0x8b: {  	[tilespmem:v42+s16+$0x0] =	vst.idx.msk $0xffff, v56  }
0x8c: {  	[tilespmem:v44+s16+$0x0] =	vst.idx.msk $0xffff, v49  }
0x8d: {  	v57 =	vor.u32 v1, v29;
	[tilespmem:v46+s16+$0x0] =	vst.idx.msk $0xffff, v55  }
0x8e: {  	v59 =	vor.u32 v9, v29;
	[tilespmem:v45+s16+$0x0] =	vst.idx.msk $0xffff, v58  }
0x8f: {  	v60 =	vor.u32 v10, v29;
	[tilespmem:v43+s16+$0x0] =	vst.idx.msk $0xffff, v53  }
0x90: {  	v38 =	vmul.f32 $8.000000000e+00, v38;
	v61 =	vor.u32 v11, v29;
	[tilespmem:v47+s16+$0x0] =	vst.idx.msk $0xffff, v37  }
0x91: {  	v33 =	vmul.f32 $8.000000000e+00, v33;
	v63 =	vor.u32 v12, v29;
	[tilespmem:v50+s16+$0x0] =	vst.idx.msk $0xffff, v52  }
0x92: {  	v49 =	vmul.f32 $8.000000000e+00, v40;
	v50 =	vor.u32 v13, v29;
	[tilespmem:v57+s16+$0x0] =	vst.idx.msk $0xffff, v38  }
0x93: {  	v51 =	vmul.f32 $8.000000000e+00, v51;
	v52 =	vor.u32 v14, v29;
	[tilespmem:v59+s16+$0x0] =	vst.idx.msk $0xffff, v33  }
0x94: {  	v31 =	vmul.f32 $8.000000000e+00, v31;
	v29 =	vor.u32 v15, v29;
	[tilespmem:v60+s16+$0x0] =	vst.idx.msk $0xffff, v49  }
0x95: {  	v54 =	vor.u32 v1, v23;
	v53 =	vmul.f32 $8.000000000e+00, v48;
	[tilespmem:v61+s16+$0x0] =	vst.idx.msk $0xffff, v51  }
0x96: {  	[tilespmem:v63+s16+$0x0] =	vst.idx.msk $0xffff, v31;
	v31 =	vor.u32 v9, v23  }
0x97: {  	v56 =	vor.u32 v10, v23;
	v55 =	vmul.f32 $8.000000000e+00, v39;
	[tilespmem:v50+s16+$0x0] =	vst.idx.msk $0xffff, v53  }
0x98: {  	v26 =	vmul.f32 $8.000000000e+00, v26;
	v57 =	vor.u32 v11, v23;
	[tilespmem:v52+s16+$0x0] =	vst.idx.msk $0xffff, v36  }
0x99: {  	v20 =	vmul.f32 $8.000000000e+00, v20;
	[tilespmem:v29+s16+$0x0] =	vst.idx.msk $0xffff, v55;
	v29 =	vor.u32 v12, v23  }
0x9a: {  	v0 =	vmul.f32 $8.000000000e+00, v0;
	[tilespmem:v54+s16+$0x0] =	vst.idx.msk $0xffff, v26;
	v26 =	vor.u32 v13, v23  }
0x9b: {  	v32 =	vmul.f32 $8.000000000e+00, v32;
	v58 =	vor.u32 v14, v23;
	[tilespmem:v31+s16+$0x0] =	vst.idx.msk $0xffff, v20  }
0x9c: {  	v23 =	vor.u32 v15, v23;
	v20 =	vmul.f32 $8.000000000e+00, v34;
	[tilespmem:v56+s16+$0x0] =	vst.idx.msk $0xffff, v0  }
0x9d: {  	v0 =	vmul.f32 $8.000000000e+00, v27;
	v27 =	vor.u32 v1, v22;
	[tilespmem:v57+s16+$0x0] =	vst.idx.msk $0xffff, v32  }
0x9e: {  	v59 =	vor.u32 v9, v22;
	v31 =	vmul.f32 $8.000000000e+00, v35;
	[tilespmem:v29+s16+$0x0] =	vst.idx.msk $0xffff, v20  }
0x9f: {  	v20 =	vmul.f32 $8.000000000e+00, v21;
	v21 =	vor.u32 v10, v22;
	[tilespmem:v26+s16+$0x0] =	vst.idx.msk $0xffff, v0  }
0xa0: {  	v24 =	vmul.f32 $8.000000000e+00, v24;
	s1 =	smulhi.u32 $0xCCCCCCCD, s10;
	v0 =	vor.u32 v11, v22;
	[tilespmem:v58+s16+$0x0] =	vst.idx.msk $0xffff, v31  }
0xa1: {  	v18 =	vmul.f32 $8.000000000e+00, v18;
	v26 =	vor.u32 v12, v22;
	[tilespmem:v23+s16+$0x0] =	vst.idx.msk $0xffff, v20  }
0xa2: {  	v16 =	vmul.f32 $8.000000000e+00, v16;
	s1 =	sshrl.u32 s1, $0x3;
	v20 =	vor.u32 v13, v22;
	[tilespmem:v27+s16+$0x0] =	vst.idx.msk $0xffff, v24  }
0xa3: {  	s5 =	smul.u32 $0xFFFFFFCE, s1;
	v23 =	vor.u32 v14, v22;
	v24 =	vmul.f32 $8.000000000e+00, v25;
	[tilespmem:v59+s16+$0x0] =	vst.idx.msk $0xffff, v18  }
0xa4: {  	v18 =	vor.u32 v15, v22;
	[tilespmem:v21+s16+$0x0] =	vst.idx.msk $0xffff, v16;
	v16 =	vmul.f32 $8.000000000e+00, v19  }
0xa5: {  	s13 =	sadd.s32 s6, s1;
	s11 =	sadd.s32 s7, s5;
	[tilespmem:v0+s16+$0x0] =	vst.idx.msk $0xffff, v24;
	v0 =	vmul.f32 $8.000000000e+00, v17  }
0xa6: {  	s15 =	sshll.u32 s11, $0x14;
	s11 =	sshll.u32 s13, $0xA;
	v17 =	vmul.f32 $8.000000000e+00, v30;
	[tilespmem:v26+s16+$0x0] =	vst.idx.msk $0xffff, v16  }
0xa7: {  	s13 =	sadd.s32 s11, s15;
	v16 =	vmul.f32 $8.000000000e+00, v28;
	[tilespmem:v20+s16+$0x0] =	vst.idx.msk $0xffff, v0  }
0xa8: {  	s13 =	sshrl.u32 s13, $0x3;
	[tilespmem:v23+s16+$0x0] =	vst.idx.msk $0xffff, v17  }
0xa9: {  	s15 =	smul.u32 $0x1FFFCE, s1;
	s13 =	sadd.s32 s2, s13;
	[tilespmem:v18+s16+$0x0] =	vst.idx.msk $0xffff, v16  }
0xaa: {  	[hbm4b:s13+s17] =	stream.strided.scatter [tilespmem:s16], [sflag:$0x6], $0x2000, s18, s17, $0x38;
	[tilespmem:$0x1A400] =	vst v63  }
0xab: {  	s20 =	simm.s32 $0x0;
	s13 =	sadd.s32 $0x3, s7  }
0xac: {  	v0 =	vadd.s32 s20, v1;
	s23 =	sadd.s32 s13, s15  }
0xad: {  	s25 =	simm.s32 @!p0 $0x9;
	s1 =	sshll.u32 s1, $0x9;
	v16 =	vand.u32 $0xF, v0;
	s23 =	sshll.u32 s23, $0xB  }
0xae: {  	s20 =	sshrl.u32 s1, $0x2;
	v19 =	vor.u32 $0x20, v16;
	_ =	swait.ge @!p0 [sflag:s25], $0x2000;
	s23 =	sshra.s32 s23, $0x2  }
0xaf: {  	v17 =	vand.u32 $0x7, v0;
	v18 =	vand.u32 $0x28, v19;
	[sflag:s25] =	ssyncset.done @!p0 $0x0;
	s1 =	sadd.s32 s20, s23  }
0xb0: {  	v20 =	vor.u32 v4, v16;
	v32 =	vor.u32 v17, v18;
	[sflag:s25] =	ssyncadd.s32 @!p0 $0xFFFFE000;
	s25 =	simm.s32 $0x2;
	s1 =	sadd.s32 $0xA000, s1  }
0xb1: {  	v17 =	vor.u32 v8, v32;
	[tilespmem:s19], [sflag:$0x4] =	stream.indirect.gather [hbm4b:s4+s12], $0x40, s1, s12, $0xb8;
	[tilespmem:$0x1A400] =	vst v63  }
0xb2: {  	v18 =	vor.u32 v7, v16;
	_ =	swait.ge [sflag:s25], $0x2000  }
0xb3: {  	v22 =	vor.u32 v2, v32;
	[sflag:s25] =	ssyncset.done $0x0  }
0xb4: {  	v23 =	vor.u32 v2, v16;
	[sflag:s25] =	ssyncadd.s32 $0xFFFFE000  }
0xb5: {  	v24 =	vor.u32 v62, v16;
	v36 =	vld.idx.msk [tilespmem:v20+s14+$0x0], $0xffff  }
0xb6: {  	v26 =	vor.u32 v3, v16;
	v21 =	vld.idx.msk [tilespmem:v17+s14+$0x0], $0xffff  }
0xb7: {  	v27 =	vor.u32 v62, v32;
	v37 =	vld.idx.msk [tilespmem:v18+s14+$0x0], $0xffff  }
0xb8: {  	v25 =	vor.u32 $0x10, v0;
	v30 =	vor.u32 v6, v16;
	v20 =	vld.idx.msk [tilespmem:v22+s14+$0x0], $0xffff  }
0xb9: {  	v28 =	vand.u32 $0x1F, v25;
	v31 =	vor.u32 v5, v32;
	v39 =	vld.idx.msk [tilespmem:v23+s14+$0x0], $0xffff  }
0xba: {  	v51 =	vor.u32 v6, v28;
	v40 =	vld.idx.msk [tilespmem:v24+s14+$0x0], $0xffff  }
0xbb: {  	v18 =	vor.u32 v7, v28;
	v43 =	vld.idx.msk [tilespmem:v26+s14+$0x0], $0xffff  }
0xbc: {  	v23 =	vor.u32 v2, v28;
	v26 =	vld.idx.msk [tilespmem:v27+s14+$0x0], $0xffff  }
0xbd: {  	v17 =	vor.u32 $0x30, v0;
	v24 =	vor.u32 v8, v16;
	v53 =	vld.idx.msk [tilespmem:v30+s14+$0x0], $0xffff  }
0xbe: {  	v27 =	vor.u32 v5, v16;
	v34 =	vld.idx.msk [tilespmem:v31+s14+$0x0], $0xffff;
	v48 =	vshll.u32 v17, $0x7  }
0xbf: {  	v60 =	vor.u32 v6, v32;
	v29 =	vand.u32 $0x3F, v17;
	v42 =	vand.u32 $0x1C00, v48;
	v48 =	vld.idx.msk [tilespmem:v51+s14+$0x0], $0xffff  }
0xc0: {  	v22 =	vor.u32 v3, v29;
	v50 =	vld.idx.msk [tilespmem:v18+s14+$0x0], $0xffff  }
0xc1: {  	v31 =	vor.u32 v7, v32;
	v33 =	vld.idx.msk [tilespmem:v23+s14+$0x0], $0xffff  }
0xc2: {  	v47 =	vor.u32 v3, v28;
	v52 =	vld.idx.msk [tilespmem:v24+s14+$0x0], $0xffff  }
0xc3: {  	v59 =	vor.u32 v8, v28;
	v58 =	vld.idx.msk [tilespmem:v27+s14+$0x0], $0xffff  }
0xc4: {  	v24 =	vor.u32 v5, v28;
	v27 =	vld.idx.msk [tilespmem:v60+s14+$0x0], $0xffff  }
0xc5: {  	v16 =	vld.idx.msk [tilespmem:v22+s14+$0x0], $0xffff;
	v22 =	vor.u32 v62, v29  }
0xc6: {  	v61 =	vor.u32 v6, v29;
	v35 =	vld.idx.msk [tilespmem:v31+s14+$0x0], $0xffff  }
0xc7: {  	v63 =	vor.u32 v5, v29;
	v54 =	vmul.f32 $8.000000000e+00, v40;
	v40 =	vld.idx.msk [tilespmem:v47+s14+$0x0], $0xffff  }
0xc8: {  	v18 =	vor.u32 v2, v29;
	v56 =	vmul.f32 $8.000000000e+00, v39;
	v39 =	vld.idx.msk [tilespmem:v59+s14+$0x0], $0xffff  }
0xc9: {  	v55 =	vshll.u32 v19, $0x7;
	v30 =	vld.idx.msk [tilespmem:v24+s14+$0x0], $0xffff;
	v24 =	vshll.u32 v25, $0x7;
	v25 =	vor.u32 v4, v29  }
0xca: {  	v57 =	vand.u32 $0x1400, v55;
	v23 =	vld.idx.msk [tilespmem:v22+s14+$0x0], $0xffff;
	v22 =	vor.u32 v62, v28  }
0xcb: {  	v49 =	vor.u32 v4, v32;
	v0 =	vshll.u32 v0, $0x7;
	v60 =	vor.u32 v7, v29;
	v17 =	vld.idx.msk [tilespmem:v61+s14+$0x0], $0xffff  }
0xcc: {  	v31 =	vand.u32 $0x380, v0;
	v0 =	vand.u32 $0x780, v0;
	v19 =	vld.idx.msk [tilespmem:v63+s14+$0x0], $0xffff;
	v28 =	vor.u32 v4, v28  }
0xcd: {  	v37 =	vmul.f32 $8.000000000e+00, v37;
	v55 =	vmul.f32 $8.000000000e+00, v36;
	v63 =	vor.u32 v8, v29;
	v18 =	vld.idx.msk [tilespmem:v18+s14+$0x0], $0xffff  }
0xce: {  	v53 =	vmul.f32 $8.000000000e+00, v53;
	v41 =	vor.u32 v1, v0;
	v44 =	vor.u32 v10, v0;
	v25 =	vld.idx.msk [tilespmem:v25+s14+$0x0], $0xffff  }
0xcf: {  	v46 =	vor.u32 v11, v0;
	v45 =	vor.u32 v12, v0;
	v24 =	vand.u32 $0xC00, v24;
	v38 =	vld.idx.msk [tilespmem:v22+s14+$0x0], $0xffff  }
0xd0: {  	v29 =	vor.u32 v31, v24;
	v24 =	vor.u32 v31, v42;
	v22 =	vor.u32 v31, v57;
	v31 =	vld.idx.msk [tilespmem:v49+s14+$0x0], $0xffff  }
0xd1: {  	v47 =	vor.u32 v14, v0;
	v36 =	vmul.f32 $8.000000000e+00, v50;
	v51 =	vld.idx.msk [tilespmem:v28+s14+$0x0], $0xffff;
	v57 =	vor.u32 v3, v32  }
0xd2: {  	v50 =	vor.u32 v15, v0;
	v58 =	vmul.f32 $8.000000000e+00, v58;
	v42 =	vor.u32 v9, v0;
	v28 =	vld.idx.msk [tilespmem:v63+s14+$0x0], $0xffff  }
0xd3: {  	s23 =	simm.s32 $0x1;
	s1 =	sadd.s32 $0x1, s7;
	v52 =	vmul.f32 $8.000000000e+00, v52;
	v49 =	vmul.f32 $8.000000000e+00, v43;
	v43 =	vor.u32 v13, v0;
	v32 =	vld.idx.msk [tilespmem:v60+s14+$0x0], $0xffff  }
.LBB2_5:
0xd4: {  	_ =	sdelay $0x1  }
0xd5: {  	v0 =	vld.idx.msk [tilespmem:v57+s14+$0x0], $0xffff;
	[tilespmem:v41+s21+$0x0] =	vst.idx.msk $0xffff, v54  }
0xd6: {  	[tilespmem:v42+s21+$0x0] =	vst.idx.msk $0xffff, v56  }
0xd7: {  	[tilespmem:v44+s21+$0x0] =	vst.idx.msk $0xffff, v49  }
0xd8: {  	v57 =	vor.u32 v1, v29;
	[tilespmem:v46+s21+$0x0] =	vst.idx.msk $0xffff, v55  }
0xd9: {  	[tilespmem:v45+s21+$0x0] =	vst.idx.msk $0xffff, v58;
	v58 =	vor.u32 v9, v29  }
0xda: {  	v59 =	vor.u32 v10, v29;
	[tilespmem:v43+s21+$0x0] =	vst.idx.msk $0xffff, v53  }
0xdb: {  	v60 =	vor.u32 v11, v29;
	v38 =	vmul.f32 $8.000000000e+00, v38;
	[tilespmem:v47+s21+$0x0] =	vst.idx.msk $0xffff, v37  }
0xdc: {  	v61 =	vor.u32 v12, v29;
	v33 =	vmul.f32 $8.000000000e+00, v33;
	[tilespmem:v50+s21+$0x0] =	vst.idx.msk $0xffff, v52  }
0xdd: {  	v56 =	vmul.f32 $8.000000000e+00, v51;
	v63 =	vmul.f32 $8.000000000e+00, v40;
	v51 =	vor.u32 v13, v29;
	[tilespmem:v57+s21+$0x0] =	vst.idx.msk $0xffff, v38  }
0xde: {  	v52 =	vor.u32 v14, v29;
	[tilespmem:v58+s21+$0x0] =	vst.idx.msk $0xffff, v33  }
0xdf: {  	v30 =	vmul.f32 $8.000000000e+00, v30;
	v29 =	vor.u32 v15, v29;
	[tilespmem:v59+s21+$0x0] =	vst.idx.msk $0xffff, v63  }
0xe0: {  	v48 =	vmul.f32 $8.000000000e+00, v48;
	v53 =	vor.u32 v1, v22;
	[tilespmem:v60+s21+$0x0] =	vst.idx.msk $0xffff, v56  }
0xe1: {  	v54 =	vor.u32 v9, v24;
	[tilespmem:v61+s21+$0x0] =	vst.idx.msk $0xffff, v30;
	v30 =	vor.u32 v9, v22  }
0xe2: {  	v42 =	vmul.f32 $8.000000000e+00, v21;
	v39 =	vmul.f32 $8.000000000e+00, v39;
	v55 =	vor.u32 v10, v22;
	[tilespmem:v51+s21+$0x0] =	vst.idx.msk $0xffff, v48  }
0xe3: {  	v21 =	vor.u32 v15, v24;
	v26 =	vmul.f32 $8.000000000e+00, v26;
	v57 =	vor.u32 v11, v22;
	[tilespmem:v52+s21+$0x0] =	vst.idx.msk $0xffff, v36  }
0xe4: {  	v20 =	vmul.f32 $8.000000000e+00, v20;
	v58 =	vor.u32 v14, v22;
	[tilespmem:v29+s21+$0x0] =	vst.idx.msk $0xffff, v39;
	v29 =	vor.u32 v12, v22  }
0xe5: {  	v0 =	vmul.f32 $8.000000000e+00, v0;
	v56 =	vor.u32 v15, v22;
	v22 =	vor.u32 v13, v22;
	[tilespmem:v53+s21+$0x0] =	vst.idx.msk $0xffff, v26  }
0xe6: {  	v44 =	vor.u32 v11, v24;
	v46 =	vor.u32 v14, v24;
	v26 =	vmul.f32 $8.000000000e+00, v31;
	[tilespmem:v30+s21+$0x0] =	vst.idx.msk $0xffff, v20  }
0xe7: {  	v34 =	vmul.f32 $8.000000000e+00, v34;
	v45 =	vor.u32 v10, v24;
	v47 =	vor.u32 v13, v24;
	[tilespmem:v55+s21+$0x0] =	vst.idx.msk $0xffff, v0  }
0xe8: {  	v27 =	vmul.f32 $8.000000000e+00, v27;
	v50 =	vor.u32 v12, v24;
	v24 =	vor.u32 v1, v24;
	[tilespmem:v57+s21+$0x0] =	vst.idx.msk $0xffff, v26  }
0xe9: {  	v35 =	vmul.f32 $8.000000000e+00, v35;
	[tilespmem:v29+s21+$0x0] =	vst.idx.msk $0xffff, v34  }
0xea: {  	[tilespmem:v22+s21+$0x0] =	vst.idx.msk $0xffff, v27  }
0xeb: {  	s25 =	smov.u32 s23;
	v23 =	vmul.f32 $8.000000000e+00, v23;
	[tilespmem:v58+s21+$0x0] =	vst.idx.msk $0xffff, v35  }
0xec: {  	v18 =	vmul.f32 $8.000000000e+00, v18;
	v31 =	vadd.s32 s25, v1;
	[tilespmem:v56+s21+$0x0] =	vst.idx.msk $0xffff, v42  }
0xed: {  	v16 =	vmul.f32 $8.000000000e+00, v16;
	v30 =	vand.u32 $0xF, v31;
	[tilespmem:v24+s21+$0x0] =	vst.idx.msk $0xffff, v23  }
0xee: {  	v25 =	vmul.f32 $8.000000000e+00, v25;
	v60 =	vor.u32 $0x20, v30;
	[tilespmem:v54+s21+$0x0] =	vst.idx.msk $0xffff, v18  }
0xef: {  	v61 =	vand.u32 $0x28, v60;
	v29 =	vand.u32 $0x7, v31;
	[tilespmem:v45+s21+$0x0] =	vst.idx.msk $0xffff, v16;
	v16 =	vmul.f32 $8.000000000e+00, v19  }
0xf0: {  	v17 =	vmul.f32 $8.000000000e+00, v17;
	v26 =	vor.u32 v4, v30;
	v51 =	vor.u32 v29, v61;
	[tilespmem:v44+s21+$0x0] =	vst.idx.msk $0xffff, v25  }
0xf1: {  	v20 =	vmul.f32 $8.000000000e+00, v32;
	v24 =	vor.u32 v8, v51;
	[tilespmem:v50+s21+$0x0] =	vst.idx.msk $0xffff, v16  }
0xf2: {  	v28 =	vmul.f32 $8.000000000e+00, v28;
	v22 =	vor.u32 v7, v30;
	[tilespmem:v47+s21+$0x0] =	vst.idx.msk $0xffff, v17  }
0xf3: {  	v29 =	vor.u32 v2, v51;
	[tilespmem:v46+s21+$0x0] =	vst.idx.msk $0xffff, v20  }
0xf4: {  	v39 =	vor.u32 v2, v30;
	[tilespmem:v21+s21+$0x0] =	vst.idx.msk $0xffff, v28  }
0xf5: {  	v59 =	vor.u32 $0x10, v31;
	v0 =	vor.u32 v62, v30;
	v28 =	vld.idx.msk [tilespmem:v26+s14+$0x0], $0xffff  }
0xf6: {  	v23 =	vand.u32 $0x1F, v59;
	v18 =	vor.u32 v3, v30;
	v21 =	vld.idx.msk [tilespmem:v24+s14+$0x0], $0xffff  }
0xf7: {  	v56 =	vor.u32 v7, v23;
	v49 =	vld.idx.msk [tilespmem:v22+s14+$0x0], $0xffff  }
0xf8: {  	v43 =	vor.u32 v5, v30;
	v20 =	vld.idx.msk [tilespmem:v29+s14+$0x0], $0xffff  }
0xf9: {  	v38 =	vor.u32 v62, v23;
	v39 =	vld.idx.msk [tilespmem:v39+s14+$0x0], $0xffff  }
0xfa: {  	v48 =	vor.u32 v6, v23;
	v0 =	vld.idx.msk [tilespmem:v0+s14+$0x0], $0xffff  }
0xfb: {  	v37 =	vor.u32 $0x30, v31;
	v52 =	vor.u32 v3, v23;
	v45 =	vld.idx.msk [tilespmem:v18+s14+$0x0], $0xffff  }
0xfc: {  	v63 =	vshll.u32 v59, $0x7;
	v34 =	vor.u32 v62, v51;
	v25 =	vand.u32 $0x3F, v37;
	v61 =	vld.idx.msk [tilespmem:v56+s14+$0x0], $0xffff  }
0xfd: {  	v40 =	vshll.u32 v37, $0x7;
	v27 =	vand.u32 $0xC00, v63;
	v57 =	vor.u32 v3, v25;
	v63 =	vld.idx.msk [tilespmem:v43+s14+$0x0], $0xffff  }
0xfe: {  	v35 =	vor.u32 v5, v51;
	v32 =	vor.u32 v7, v51;
	v41 =	vor.u32 v2, v25;
	v38 =	vld.idx.msk [tilespmem:v38+s14+$0x0], $0xffff  }
0xff: {  	v37 =	vor.u32 v62, v25;
	v16 =	vshll.u32 v60, $0x7;
	v17 =	vshll.u32 v31, $0x7;
	v48 =	vld.idx.msk [tilespmem:v48+s14+$0x0], $0xffff  }
0x100: {  	v16 =	vand.u32 $0x1400, v16;
	v26 =	vand.u32 $0x380, v17;
	v24 =	vand.u32 $0x1C00, v40;
	v40 =	vld.idx.msk [tilespmem:v52+s14+$0x0], $0xffff  }
0x101: {  	v22 =	vor.u32 v26, v16;
	v29 =	vor.u32 v26, v27;
	v24 =	vor.u32 v26, v24;
	v26 =	vld.idx.msk [tilespmem:v34+s14+$0x0], $0xffff  }
0x102: {  	v59 =	vor.u32 v8, v23;
	v1 =	vor.u32 v4, v23;
	v16 =	vld.idx.msk [tilespmem:v57+s14+$0x0], $0xffff  }
0x103: {  	v19 =	vor.u32 v5, v23;
	v60 =	vor.u32 v7, v25;
	v31 =	vor.u32 v8, v30;
	v18 =	vld.idx.msk [tilespmem:v41+s14+$0x0], $0xffff  }
0x104: {  	v50 =	vand.u32 $0x780, v17;
	v17 =	vor.u32 v6, v30;
	v30 =	vor.u32 v2, v23;
	v23 =	vld.idx.msk [tilespmem:v37+s14+$0x0], $0xffff  }
0x105: {  	v36 =	vor.u32 v4, v51;
	v34 =	vld.idx.msk [tilespmem:v35+s14+$0x0], $0xffff  }
0x106: {  	v35 =	vld.idx.msk [tilespmem:v32+s14+$0x0], $0xffff  }
0x107: {  	v27 =	vor.u32 v6, v51;
	v57 =	vor.u32 v3, v51;
	v51 =	vld.idx.msk [tilespmem:v1+s14+$0x0], $0xffff  }
0x108: {  	v32 =	vld.idx.msk [tilespmem:v60+s14+$0x0], $0xffff  }
0x109: {  	v44 =	vor.u32 v5, v25;
	v62 =	vld.idx.msk [tilespmem:v31+s14+$0x0], $0xffff  }
0x10a: {  	v58 =	vor.u32 v8, v25;
	v31 =	vld.idx.msk [tilespmem:v36+s14+$0x0], $0xffff  }
0x10b: {  	v33 =	vld.idx.msk [tilespmem:v30+s14+$0x0], $0xffff  }
0x10c: {  	v53 =	vld.idx.msk [tilespmem:v17+s14+$0x0], $0xffff  }
0x10d: {  	v47 =	vor.u32 v4, v25;
	v25 =	vor.u32 v6, v25;
	v30 =	vld.idx.msk [tilespmem:v19+s14+$0x0], $0xffff  }
0x10e: {  	v42 =	vor.u32 v9, v50;
	v19 =	vld.idx.msk [tilespmem:v44+s14+$0x0], $0xffff  }
0x10f: {  	p1 =	sne.s32 s23, $0xF;
	v46 =	vor.u32 v11, v50;
	v43 =	vor.u32 v13, v50;
	v55 =	vmul.f32 $8.000000000e+00, v28;
	v28 =	vld.idx.msk [tilespmem:v58+s14+$0x0], $0xffff  }
.Ltmp1:
0x110: {  	v1 =	vlaneseq.u32;
	v17 =	vlaneseq.u32;
	v56 =	vmul.f32 $8.000000000e+00, v39;
	v39 =	vld.idx.msk [tilespmem:v59+s14+$0x0], $0xffff;
	(pc) =	sbr.rel @p1 .LBB2_5-.Ltmp1, $4  }
0x111: {  	v37 =	vmul.f32 $8.000000000e+00, v49;
	v44 =	vor.u32 v10, v50;
	v49 =	vmul.f32 $8.000000000e+00, v45;
	v27 =	vld.idx.msk [tilespmem:v27+s14+$0x0], $0xffff  }
0x112: {  	v45 =	vor.u32 v12, v50;
	v54 =	vmul.f32 $8.000000000e+00, v0;
	v41 =	vor.u32 v17, v50;
	v17 =	vld.idx.msk [tilespmem:v25+s14+$0x0], $0xffff  }
0x113: {  	v36 =	vmul.f32 $8.000000000e+00, v61;
	v58 =	vmul.f32 $8.000000000e+00, v63;
	v25 =	vld.idx.msk [tilespmem:v47+s14+$0x0], $0xffff;
	v47 =	vor.u32 v14, v50  }
0x114: {  	s23 =	sadd.s32 $0x1, s23;
	v50 =	vor.u32 v15, v50;
	v52 =	vmul.f32 $8.000000000e+00, v62;
	v62 =	vld [tilespmem:$0x1FFF0];
	v53 =	vmul.f32 $8.000000000e+00, v53  }
0x115: {  	_ =	sdelay $0x3  }
0x116: {  	v0 =	vld.idx.msk [tilespmem:v57+s14+$0x0], $0xffff;
	[tilespmem:v41+s21+$0x0] =	vst.idx.msk $0xffff, v54  }
0x117: {  	[tilespmem:v42+s21+$0x0] =	vst.idx.msk $0xffff, v56  }
0x118: {  	[tilespmem:v44+s21+$0x0] =	vst.idx.msk $0xffff, v49;
	v49 =	vlaneseq.u32  }
0x119: {  	[tilespmem:v46+s21+$0x0] =	vst.idx.msk $0xffff, v55;
	v1 =	vor.u32 v49, v29  }
0x11a: {  	[tilespmem:v45+s21+$0x0] =	vst.idx.msk $0xffff, v58;
	v45 =	vor.u32 v9, v29  }
0x11b: {  	v46 =	vor.u32 v10, v29;
	[tilespmem:v43+s21+$0x0] =	vst.idx.msk $0xffff, v53  }
0x11c: {  	v38 =	vmul.f32 $8.000000000e+00, v38;
	[tilespmem:v47+s21+$0x0] =	vst.idx.msk $0xffff, v37;
	v47 =	vor.u32 v11, v29  }
0x11d: {  	v33 =	vmul.f32 $8.000000000e+00, v33;
	[tilespmem:v50+s21+$0x0] =	vst.idx.msk $0xffff, v52;
	v52 =	vor.u32 v12, v29  }
0x11e: {  	v53 =	vor.u32 v13, v29;
	[tilespmem:v1+s21+$0x0] =	vst.idx.msk $0xffff, v38;
	v1 =	vmul.f32 $8.000000000e+00, v40  }
0x11f: {  	v54 =	vmul.f32 $8.000000000e+00, v51;
	v55 =	vor.u32 v14, v29;
	[tilespmem:v45+s21+$0x0] =	vst.idx.msk $0xffff, v33  }
0x120: {  	v29 =	vor.u32 v15, v29;
	[tilespmem:v46+s21+$0x0] =	vst.idx.msk $0xffff, v1;
	v1 =	vmul.f32 $8.000000000e+00, v30  }
0x121: {  	v56 =	vor.u32 v49, v22;
	v30 =	vmul.f32 $8.000000000e+00, v48;
	[tilespmem:v47+s21+$0x0] =	vst.idx.msk $0xffff, v54  }
0x122: {  	[tilespmem:v52+s21+$0x0] =	vst.idx.msk $0xffff, v1;
	v1 =	vor.u32 v9, v22  }
0x123: {  	v57 =	vor.u32 v10, v22;
	[tilespmem:v53+s21+$0x0] =	vst.idx.msk $0xffff, v30;
	v30 =	vmul.f32 $8.000000000e+00, v39  }
0x124: {  	v26 =	vmul.f32 $8.000000000e+00, v26;
	v58 =	vor.u32 v11, v22;
	[tilespmem:v55+s21+$0x0] =	vst.idx.msk $0xffff, v36  }
0x125: {  	v20 =	vmul.f32 $8.000000000e+00, v20;
	[tilespmem:v29+s21+$0x0] =	vst.idx.msk $0xffff, v30;
	v29 =	vor.u32 v12, v22  }
0x126: {  	v0 =	vmul.f32 $8.000000000e+00, v0;
	[tilespmem:v56+s21+$0x0] =	vst.idx.msk $0xffff, v26;
	v26 =	vor.u32 v13, v22  }
0x127: {  	v31 =	vmul.f32 $8.000000000e+00, v31;
	v30 =	vor.u32 v14, v22;
	[tilespmem:v1+s21+$0x0] =	vst.idx.msk $0xffff, v20  }
0x128: {  	v1 =	vmul.f32 $8.000000000e+00, v34;
	v20 =	vor.u32 v15, v22;
	[tilespmem:v57+s21+$0x0] =	vst.idx.msk $0xffff, v0  }
0x129: {  	v22 =	vor.u32 v49, v24;
	v0 =	vmul.f32 $8.000000000e+00, v27;
	[tilespmem:v58+s21+$0x0] =	vst.idx.msk $0xffff, v31  }
0x12a: {  	v27 =	vmul.f32 $8.000000000e+00, v35;
	v31 =	vor.u32 v9, v24;
	[tilespmem:v29+s21+$0x0] =	vst.idx.msk $0xffff, v1  }
0x12b: {  	v1 =	vmul.f32 $8.000000000e+00, v21;
	v21 =	vor.u32 v10, v24;
	[tilespmem:v26+s21+$0x0] =	vst.idx.msk $0xffff, v0  }
0x12c: {  	v23 =	vmul.f32 $8.000000000e+00, v23;
	v0 =	vor.u32 v11, v24;
	[tilespmem:v30+s21+$0x0] =	vst.idx.msk $0xffff, v27  }
0x12d: {  	v26 =	vor.u32 v12, v24;
	[tilespmem:v20+s21+$0x0] =	vst.idx.msk $0xffff, v1;
	v1 =	vmul.f32 $8.000000000e+00, v18  }
0x12e: {  	v16 =	vmul.f32 $8.000000000e+00, v16;
	v18 =	vor.u32 v13, v24;
	[tilespmem:v22+s21+$0x0] =	vst.idx.msk $0xffff, v23  }
0x12f: {  	v20 =	vor.u32 v14, v24;
	v22 =	vmul.f32 $8.000000000e+00, v25;
	[tilespmem:v31+s21+$0x0] =	vst.idx.msk $0xffff, v1  }
0x130: {  	v1 =	vor.u32 v15, v24;
	[tilespmem:v21+s21+$0x0] =	vst.idx.msk $0xffff, v16;
	v16 =	vmul.f32 $8.000000000e+00, v19  }
0x131: {  	s1 =	sadd.s32 s1, s5;
	[tilespmem:v0+s21+$0x0] =	vst.idx.msk $0xffff, v22;
	v0 =	vmul.f32 $8.000000000e+00, v17  }
0x132: {  	s1 =	sshll.u32 s1, $0x14;
	v17 =	vmul.f32 $8.000000000e+00, v32;
	[tilespmem:v26+s21+$0x0] =	vst.idx.msk $0xffff, v16  }
0x133: {  	s1 =	sadd.s32 s11, s1;
	v16 =	vmul.f32 $8.000000000e+00, v28;
	[tilespmem:v18+s21+$0x0] =	vst.idx.msk $0xffff, v0  }
0x134: {  	s1 =	sshrl.u32 s1, $0x3;
	[tilespmem:v20+s21+$0x0] =	vst.idx.msk $0xffff, v17  }
0x135: {  	s1 =	sadd.s32 s2, s1;
	[tilespmem:v1+s21+$0x0] =	vst.idx.msk $0xffff, v16  }
0x136: {  	[hbm4b:s1+s17] =	stream.strided.scatter [tilespmem:s21], [sflag:$0x7], $0x2000, s18, s17, $0x38;
	[tilespmem:$0x1A400] =	vst v63  }
0x137: {  	s23 =	simm.s32 $0x0;
	s1 =	sadd.s32 $0x4, s7  }
0x138: {  	v0 =	vadd.s32 s23, v49;
	s15 =	sadd.s32 s1, s15  }
0x139: {  	s23 =	simm.s32 @!p0 $0xA;
	v1 =	vand.u32 $0xF, v0;
	s15 =	sshll.u32 s15, $0xB  }
0x13a: {  	v19 =	vor.u32 $0x20, v1;
	_ =	swait.ge @!p0 [sflag:s23], $0x2000;
	s15 =	sshra.s32 s15, $0x2  }
0x13b: {  	v16 =	vand.u32 $0x7, v0;
	v17 =	vand.u32 $0x28, v19;
	[sflag:s23] =	ssyncset.done @!p0 $0x0;
	s15 =	sadd.s32 s20, s15  }
0x13c: {  	s25 =	simm.s32 $0x3;
	v18 =	vor.u32 v4, v1;
	v31 =	vor.u32 v16, v17;
	[sflag:s23] =	ssyncadd.s32 @!p0 $0xFFFFE000;
	s15 =	sadd.s32 $0xA000, s15  }
0x13d: {  	v16 =	vor.u32 v8, v31;
	[tilespmem:s22], [sflag:$0x5] =	stream.indirect.gather [hbm4b:s4+s12], $0x40, s15, s12, $0xb8;
	[tilespmem:$0x1A400] =	vst v63  }
0x13e: {  	v17 =	vor.u32 v7, v1;
	_ =	swait.ge [sflag:s25], $0x2000  }
0x13f: {  	v20 =	vor.u32 v2, v31;
	[sflag:s25] =	ssyncset.done $0x0  }
0x140: {  	v24 =	vor.u32 $0x10, v0;
	v22 =	vor.u32 v2, v1;
	[sflag:s25] =	ssyncadd.s32 $0xFFFFE000  }
0x141: {  	v25 =	vor.u32 $0x30, v0;
	v28 =	vand.u32 $0x1F, v24;
	v23 =	vor.u32 v62, v1;
	v36 =	vld.idx.msk [tilespmem:v18+s9+$0x0], $0xffff  }
0x142: {  	v29 =	vand.u32 $0x3F, v25;
	v30 =	vor.u32 v5, v28;
	v21 =	vld.idx.msk [tilespmem:v16+s9+$0x0], $0xffff  }
0x143: {  	v61 =	vor.u32 v5, v29;
	v37 =	vld.idx.msk [tilespmem:v17+s9+$0x0], $0xffff  }
0x144: {  	v63 =	vor.u32 v62, v28;
	v20 =	vld.idx.msk [tilespmem:v20+s9+$0x0], $0xffff  }
0x145: {  	v44 =	vor.u32 v6, v28;
	v39 =	vld.idx.msk [tilespmem:v22+s9+$0x0], $0xffff  }
0x146: {  	v18 =	vor.u32 v3, v1;
	v40 =	vld.idx.msk [tilespmem:v23+s9+$0x0], $0xffff  }
0x147: {  	v16 =	vor.u32 v62, v31;
	v30 =	vld.idx.msk [tilespmem:v30+s9+$0x0], $0xffff  }
0x148: {  	v48 =	vshll.u32 v19, $0x7;
	v17 =	vor.u32 v7, v28;
	v19 =	vld.idx.msk [tilespmem:v61+s9+$0x0], $0xffff  }
0x149: {  	v27 =	vor.u32 v3, v29;
	v38 =	vld.idx.msk [tilespmem:v63+s9+$0x0], $0xffff  }
0x14a: {  	v51 =	vand.u32 $0x1400, v48;
	v22 =	vor.u32 v2, v28;
	v48 =	vld.idx.msk [tilespmem:v44+s9+$0x0], $0xffff  }
0x14b: {  	v23 =	vor.u32 v8, v1;
	v43 =	vld.idx.msk [tilespmem:v18+s9+$0x0], $0xffff  }
0x14c: {  	v47 =	vor.u32 v3, v28;
	v26 =	vld.idx.msk [tilespmem:v16+s9+$0x0], $0xffff  }
0x14d: {  	v18 =	vor.u32 v6, v1;
	v50 =	vld.idx.msk [tilespmem:v17+s9+$0x0], $0xffff  }
0x14e: {  	v1 =	vor.u32 v5, v1;
	v16 =	vld.idx.msk [tilespmem:v27+s9+$0x0], $0xffff  }
0x14f: {  	v17 =	vor.u32 v2, v29;
	v33 =	vld.idx.msk [tilespmem:v22+s9+$0x0], $0xffff  }
0x150: {  	v27 =	vor.u32 v62, v29;
	v52 =	vld.idx.msk [tilespmem:v23+s9+$0x0], $0xffff  }
0x151: {  	v22 =	vor.u32 v5, v31;
	v54 =	vmul.f32 $8.000000000e+00, v40;
	v40 =	vld.idx.msk [tilespmem:v47+s9+$0x0], $0xffff  }
0x152: {  	v59 =	vor.u32 v6, v31;
	v53 =	vld.idx.msk [tilespmem:v18+s9+$0x0], $0xffff  }
0x153: {  	v58 =	vor.u32 v7, v29;
	v1 =	vld.idx.msk [tilespmem:v1+s9+$0x0], $0xffff  }
0x154: {  	v60 =	vor.u32 v6, v29;
	v18 =	vld.idx.msk [tilespmem:v17+s9+$0x0], $0xffff  }
0x155: {  	v25 =	vshll.u32 v25, $0x7;
	v0 =	vshll.u32 v0, $0x7;
	v42 =	vor.u32 v4, v31;
	v23 =	vld.idx.msk [tilespmem:v27+s9+$0x0], $0xffff  }
0x156: {  	v57 =	vor.u32 v3, v31;
	v61 =	vand.u32 $0x380, v0;
	v34 =	vld.idx.msk [tilespmem:v22+s9+$0x0], $0xffff;
	v22 =	vor.u32 v7, v31  }
0x157: {  	v0 =	vand.u32 $0x780, v0;
	v17 =	vshll.u32 v24, $0x7;
	v24 =	vor.u32 v4, v29;
	v27 =	vld.idx.msk [tilespmem:v59+s9+$0x0], $0xffff  }
0x158: {  	v63 =	vand.u32 $0x1C00, v25;
	v59 =	vor.u32 v8, v28;
	v28 =	vor.u32 v4, v28;
	v31 =	vld.idx.msk [tilespmem:v58+s9+$0x0], $0xffff  }
0x159: {  	v41 =	vor.u32 v49, v0;
	v44 =	vor.u32 v10, v0;
	v32 =	vand.u32 $0xC00, v17;
	v17 =	vld.idx.msk [tilespmem:v60+s9+$0x0], $0xffff  }
0x15a: {  	v46 =	vor.u32 v11, v0;
	v60 =	vor.u32 v8, v29;
	v29 =	vor.u32 v61, v32;
	v32 =	vld.idx.msk [tilespmem:v42+s9+$0x0], $0xffff  }
0x15b: {  	v45 =	vor.u32 v12, v0;
	v37 =	vmul.f32 $8.000000000e+00, v37;
	v56 =	vmul.f32 $8.000000000e+00, v39;
	v35 =	vld.idx.msk [tilespmem:v22+s9+$0x0], $0xffff  }
0x15c: {  	v55 =	vmul.f32 $8.000000000e+00, v36;
	v47 =	vor.u32 v14, v0;
	v42 =	vor.u32 v9, v0;
	v25 =	vld.idx.msk [tilespmem:v24+s9+$0x0], $0xffff  }
0x15d: {  	v49 =	vmul.f32 $8.000000000e+00, v43;
	v43 =	vor.u32 v13, v0;
	v22 =	vor.u32 v61, v51;
	v51 =	vld.idx.msk [tilespmem:v28+s9+$0x0], $0xffff  }
0x15e: {  	v36 =	vmul.f32 $8.000000000e+00, v50;
	v50 =	vor.u32 v15, v0;
	v52 =	vmul.f32 $8.000000000e+00, v52;
	v39 =	vld.idx.msk [tilespmem:v59+s9+$0x0], $0xffff  }
0x15f: {  	s15 =	simm.s32 $0x1;
	v24 =	vor.u32 v61, v63;
	v53 =	vmul.f32 $8.000000000e+00, v53;
	v58 =	vmul.f32 $8.000000000e+00, v1;
	v28 =	vld.idx.msk [tilespmem:v60+s9+$0x0], $0xffff  }
.LBB2_7:
0x160: {  	v0 =	vld.idx.msk [tilespmem:v57+s9+$0x0], $0xffff;
	[tilespmem:v41+s24+$0x0] =	vst.idx.msk $0xffff, v54  }
0x161: {  	[tilespmem:v42+s24+$0x0] =	vst.idx.msk $0xffff, v56  }
0x162: {  	v54 =	vlaneseq.u32;
	[tilespmem:v44+s24+$0x0] =	vst.idx.msk $0xffff, v49  }
0x163: {  	v57 =	vor.u32 v54, v29;
	[tilespmem:v46+s24+$0x0] =	vst.idx.msk $0xffff, v55  }
0x164: {  	[tilespmem:v45+s24+$0x0] =	vst.idx.msk $0xffff, v58;
	v58 =	vor.u32 v9, v29  }
0x165: {  	v59 =	vor.u32 v10, v29;
	[tilespmem:v43+s24+$0x0] =	vst.idx.msk $0xffff, v53  }
0x166: {  	v60 =	vor.u32 v11, v29;
	v38 =	vmul.f32 $8.000000000e+00, v38;
	[tilespmem:v47+s24+$0x0] =	vst.idx.msk $0xffff, v37  }
0x167: {  	v61 =	vor.u32 v12, v29;
	v33 =	vmul.f32 $8.000000000e+00, v33;
	[tilespmem:v50+s24+$0x0] =	vst.idx.msk $0xffff, v52  }
0x168: {  	v63 =	vmul.f32 $8.000000000e+00, v40;
	v50 =	vor.u32 v13, v29;
	[tilespmem:v57+s24+$0x0] =	vst.idx.msk $0xffff, v38  }
0x169: {  	v41 =	vmul.f32 $8.000000000e+00, v51;
	v51 =	vor.u32 v14, v29;
	[tilespmem:v58+s24+$0x0] =	vst.idx.msk $0xffff, v33  }
0x16a: {  	v30 =	vmul.f32 $8.000000000e+00, v30;
	v29 =	vor.u32 v15, v29;
	[tilespmem:v59+s24+$0x0] =	vst.idx.msk $0xffff, v63  }
0x16b: {  	v1 =	vmul.f32 $8.000000000e+00, v48;
	v52 =	vor.u32 v54, v22;
	[tilespmem:v60+s24+$0x0] =	vst.idx.msk $0xffff, v41  }
0x16c: {  	v42 =	vmul.f32 $8.000000000e+00, v21;
	[tilespmem:v61+s24+$0x0] =	vst.idx.msk $0xffff, v30;
	v30 =	vor.u32 v9, v22  }
0x16d: {  	v21 =	vor.u32 v15, v24;
	v55 =	vor.u32 v10, v22;
	[tilespmem:v50+s24+$0x0] =	vst.idx.msk $0xffff, v1;
	v1 =	vmul.f32 $8.000000000e+00, v39  }
0x16e: {  	v56 =	vor.u32 v15, v22;
	v26 =	vmul.f32 $8.000000000e+00, v26;
	v57 =	vor.u32 v11, v22;
	[tilespmem:v51+s24+$0x0] =	vst.idx.msk $0xffff, v36  }
0x16f: {  	v49 =	vor.u32 v12, v24;
	[tilespmem:v29+s24+$0x0] =	vst.idx.msk $0xffff, v1;
	v1 =	vmul.f32 $8.000000000e+00, v20;
	v20 =	vor.u32 v12, v22  }
0x170: {  	v0 =	vmul.f32 $8.000000000e+00, v0;
	v58 =	vor.u32 v14, v22;
	v22 =	vor.u32 v13, v22;
	[tilespmem:v52+s24+$0x0] =	vst.idx.msk $0xffff, v26  }
0x171: {  	v44 =	vor.u32 v11, v24;
	v46 =	vor.u32 v14, v24;
	v26 =	vmul.f32 $8.000000000e+00, v32;
	[tilespmem:v30+s24+$0x0] =	vst.idx.msk $0xffff, v1  }
0x172: {  	v34 =	vmul.f32 $8.000000000e+00, v34;
	v45 =	vor.u32 v10, v24;
	v53 =	vor.u32 v9, v24;
	[tilespmem:v55+s24+$0x0] =	vst.idx.msk $0xffff, v0  }
0x173: {  	v27 =	vmul.f32 $8.000000000e+00, v27;
	v47 =	vor.u32 v13, v24;
	v24 =	vor.u32 v54, v24;
	[tilespmem:v57+s24+$0x0] =	vst.idx.msk $0xffff, v26  }
0x174: {  	v35 =	vmul.f32 $8.000000000e+00, v35;
	[tilespmem:v20+s24+$0x0] =	vst.idx.msk $0xffff, v34  }
0x175: {  	[tilespmem:v22+s24+$0x0] =	vst.idx.msk $0xffff, v27  }
0x176: {  	s20 =	smov.u32 s15;
	v23 =	vmul.f32 $8.000000000e+00, v23;
	[tilespmem:v58+s24+$0x0] =	vst.idx.msk $0xffff, v35  }
0x177: {  	v18 =	vmul.f32 $8.000000000e+00, v18;
	v29 =	vadd.s32 s20, v54;
	[tilespmem:v56+s24+$0x0] =	vst.idx.msk $0xffff, v42  }
0x178: {  	v16 =	vmul.f32 $8.000000000e+00, v16;
	v30 =	vand.u32 $0xF, v29;
	[tilespmem:v24+s24+$0x0] =	vst.idx.msk $0xffff, v23  }
0x179: {  	v25 =	vmul.f32 $8.000000000e+00, v25;
	v55 =	vor.u32 $0x20, v30;
	[tilespmem:v53+s24+$0x0] =	vst.idx.msk $0xffff, v18  }
0x17a: {  	v59 =	vand.u32 $0x28, v55;
	v20 =	vand.u32 $0x7, v29;
	[tilespmem:v45+s24+$0x0] =	vst.idx.msk $0xffff, v16;
	v16 =	vmul.f32 $8.000000000e+00, v19  }
0x17b: {  	v17 =	vmul.f32 $8.000000000e+00, v17;
	v26 =	vor.u32 v4, v30;
	v48 =	vor.u32 v20, v59;
	[tilespmem:v44+s24+$0x0] =	vst.idx.msk $0xffff, v25  }
0x17c: {  	v1 =	vmul.f32 $8.000000000e+00, v31;
	v24 =	vor.u32 v8, v48;
	[tilespmem:v49+s24+$0x0] =	vst.idx.msk $0xffff, v16  }
0x17d: {  	v28 =	vmul.f32 $8.000000000e+00, v28;
	v22 =	vor.u32 v7, v30;
	[tilespmem:v47+s24+$0x0] =	vst.idx.msk $0xffff, v17  }
0x17e: {  	v20 =	vor.u32 v2, v48;
	[tilespmem:v46+s24+$0x0] =	vst.idx.msk $0xffff, v1  }
0x17f: {  	v37 =	vor.u32 v2, v30;
	[tilespmem:v21+s24+$0x0] =	vst.idx.msk $0xffff, v28  }
0x180: {  	v61 =	vor.u32 $0x30, v29;
	v0 =	vor.u32 v62, v30;
	v28 =	vld.idx.msk [tilespmem:v26+s9+$0x0], $0xffff  }
0x181: {  	v31 =	vor.u32 $0x10, v29;
	v63 =	vshll.u32 v61, $0x7;
	v18 =	vor.u32 v3, v30;
	v21 =	vld.idx.msk [tilespmem:v24+s9+$0x0], $0xffff  }
0x182: {  	v23 =	vand.u32 $0x1F, v31;
	v25 =	vand.u32 $0x3F, v61;
	v61 =	vor.u32 v8, v30;
	v49 =	vld.idx.msk [tilespmem:v22+s9+$0x0], $0xffff  }
0x183: {  	v38 =	vor.u32 v62, v23;
	v20 =	vld.idx.msk [tilespmem:v20+s9+$0x0], $0xffff  }
0x184: {  	v40 =	vor.u32 v3, v23;
	v53 =	vld.idx.msk [tilespmem:v37+s9+$0x0], $0xffff  }
0x185: {  	v59 =	vor.u32 v8, v23;
	v0 =	vld.idx.msk [tilespmem:v0+s9+$0x0], $0xffff  }
0x186: {  	v60 =	vshll.u32 v31, $0x7;
	v34 =	vor.u32 v62, v48;
	v47 =	vld.idx.msk [tilespmem:v18+s9+$0x0], $0xffff  }
0x187: {  	v27 =	vand.u32 $0xC00, v60;
	v32 =	vor.u32 v62, v25;
	v62 =	vor.u32 v7, v23;
	v60 =	vld.idx.msk [tilespmem:v61+s9+$0x0], $0xffff  }
0x188: {  	v41 =	vor.u32 v5, v30;
	v35 =	vor.u32 v5, v48;
	v31 =	vor.u32 v7, v48;
	v38 =	vld.idx.msk [tilespmem:v38+s9+$0x0], $0xffff  }
0x189: {  	v42 =	vor.u32 v2, v25;
	v16 =	vshll.u32 v55, $0x7;
	v17 =	vshll.u32 v29, $0x7;
	v40 =	vld.idx.msk [tilespmem:v40+s9+$0x0], $0xffff  }
0x18a: {  	v16 =	vand.u32 $0x1400, v16;
	v26 =	vand.u32 $0x380, v17;
	v24 =	vand.u32 $0x1C00, v63;
	v39 =	vld.idx.msk [tilespmem:v59+s9+$0x0], $0xffff  }
0x18b: {  	v22 =	vor.u32 v26, v16;
	v29 =	vor.u32 v26, v27;
	v24 =	vor.u32 v26, v24;
	v26 =	vld.idx.msk [tilespmem:v34+s9+$0x0], $0xffff  }
0x18c: {  	v50 =	vor.u32 v6, v23;
	v58 =	vld.idx.msk [tilespmem:v62+s9+$0x0], $0xffff  }
0x18d: {  	v1 =	vor.u32 v7, v25;
	v62 =	vld.idx.msk [tilespmem:v41+s9+$0x0], $0xffff  }
0x18e: {  	v63 =	vor.u32 v3, v25;
	v18 =	vld.idx.msk [tilespmem:v42+s9+$0x0], $0xffff  }
0x18f: {  	v51 =	vand.u32 $0x780, v17;
	v17 =	vor.u32 v6, v30;
	v30 =	vor.u32 v2, v23;
	v34 =	vld.idx.msk [tilespmem:v35+s9+$0x0], $0xffff  }
0x190: {  	v35 =	vld.idx.msk [tilespmem:v31+s9+$0x0], $0xffff  }
0x191: {  	v36 =	vor.u32 v4, v48;
	v57 =	vor.u32 v3, v48;
	v27 =	vor.u32 v6, v48;
	v48 =	vld.idx.msk [tilespmem:v50+s9+$0x0], $0xffff  }
0x192: {  	v19 =	vor.u32 v5, v23;
	v43 =	vor.u32 v4, v25;
	v31 =	vld.idx.msk [tilespmem:v1+s9+$0x0], $0xffff  }
0x193: {  	v44 =	vor.u32 v5, v25;
	v52 =	vor.u32 v8, v25;
	v25 =	vor.u32 v6, v25;
	v16 =	vld.idx.msk [tilespmem:v63+s9+$0x0], $0xffff  }
0x194: {  	v33 =	vld.idx.msk [tilespmem:v30+s9+$0x0], $0xffff  }
0x195: {  	v61 =	vld.idx.msk [tilespmem:v17+s9+$0x0], $0xffff  }
0x196: {  	v63 =	vor.u32 v4, v23;
	v23 =	vld.idx.msk [tilespmem:v32+s9+$0x0], $0xffff  }
0x197: {  	v30 =	vld.idx.msk [tilespmem:v19+s9+$0x0], $0xffff  }
0x198: {  	v17 =	vld.idx.msk [tilespmem:v25+s9+$0x0], $0xffff  }
0x199: {  	v19 =	vld.idx.msk [tilespmem:v44+s9+$0x0], $0xffff  }
0x19a: {  	p0 =	sne.s32 s15, $0xF;
	v46 =	vor.u32 v11, v51;
	v45 =	vor.u32 v12, v51;
	v25 =	vld.idx.msk [tilespmem:v43+s9+$0x0], $0xffff  }
.Ltmp2:
0x19b: {  	v41 =	vor.u32 v54, v51;
	v42 =	vor.u32 v9, v51;
	v37 =	vmul.f32 $8.000000000e+00, v49;
	v32 =	vld.idx.msk [tilespmem:v36+s9+$0x0], $0xffff;
	(pc) =	sbr.rel @p0 .LBB2_7-.Ltmp2, $4  }
0x19c: {  	v50 =	vor.u32 v15, v51;
	v49 =	vmul.f32 $8.000000000e+00, v47;
	v55 =	vmul.f32 $8.000000000e+00, v28;
	v28 =	vld.idx.msk [tilespmem:v52+s9+$0x0], $0xffff  }
0x19d: {  	v44 =	vor.u32 v10, v51;
	v54 =	vmul.f32 $8.000000000e+00, v0;
	v56 =	vmul.f32 $8.000000000e+00, v53;
	v27 =	vld.idx.msk [tilespmem:v27+s9+$0x0], $0xffff  }
0x19e: {  	v43 =	vor.u32 v13, v51;
	v36 =	vmul.f32 $8.000000000e+00, v58;
	v58 =	vmul.f32 $8.000000000e+00, v62;
	v62 =	vld [tilespmem:$0x1FFF0]  }
0x19f: {  	s15 =	sadd.s32 $0x1, s15;
	v47 =	vor.u32 v14, v51;
	v52 =	vmul.f32 $8.000000000e+00, v60;
	v51 =	vld.idx.msk [tilespmem:v63+s9+$0x0], $0xffff;
	v53 =	vmul.f32 $8.000000000e+00, v61  }
0x1a0: {  	_ =	sdelay $0x3  }
0x1a1: {  	v0 =	vld.idx.msk [tilespmem:v57+s9+$0x0], $0xffff;
	[tilespmem:v41+s24+$0x0] =	vst.idx.msk $0xffff, v54  }
0x1a2: {  	[tilespmem:v42+s24+$0x0] =	vst.idx.msk $0xffff, v56  }
0x1a3: {  	[tilespmem:v44+s24+$0x0] =	vst.idx.msk $0xffff, v49;
	v49 =	vlaneseq.u32  }
0x1a4: {  	[tilespmem:v46+s24+$0x0] =	vst.idx.msk $0xffff, v55;
	v1 =	vor.u32 v49, v29  }
0x1a5: {  	[tilespmem:v45+s24+$0x0] =	vst.idx.msk $0xffff, v58;
	v45 =	vor.u32 v9, v29  }
0x1a6: {  	v46 =	vor.u32 v10, v29;
	[tilespmem:v43+s24+$0x0] =	vst.idx.msk $0xffff, v53  }
0x1a7: {  	v38 =	vmul.f32 $8.000000000e+00, v38;
	[tilespmem:v47+s24+$0x0] =	vst.idx.msk $0xffff, v37;
	v47 =	vor.u32 v11, v29  }
0x1a8: {  	v33 =	vmul.f32 $8.000000000e+00, v33;
	[tilespmem:v50+s24+$0x0] =	vst.idx.msk $0xffff, v52;
	v52 =	vor.u32 v12, v29  }
0x1a9: {  	v53 =	vor.u32 v13, v29;
	[tilespmem:v1+s24+$0x0] =	vst.idx.msk $0xffff, v38;
	v1 =	vmul.f32 $8.000000000e+00, v40  }
0x1aa: {  	v55 =	vor.u32 v14, v29;
	v54 =	vmul.f32 $8.000000000e+00, v51;
	[tilespmem:v45+s24+$0x0] =	vst.idx.msk $0xffff, v33  }
0x1ab: {  	v29 =	vor.u32 v15, v29;
	[tilespmem:v46+s24+$0x0] =	vst.idx.msk $0xffff, v1;
	v1 =	vmul.f32 $8.000000000e+00, v30  }
0x1ac: {  	v56 =	vor.u32 v49, v22;
	v30 =	vmul.f32 $8.000000000e+00, v48;
	[tilespmem:v47+s24+$0x0] =	vst.idx.msk $0xffff, v54  }
0x1ad: {  	[tilespmem:v52+s24+$0x0] =	vst.idx.msk $0xffff, v1;
	v1 =	vor.u32 v9, v22  }
0x1ae: {  	v57 =	vor.u32 v10, v22;
	[tilespmem:v53+s24+$0x0] =	vst.idx.msk $0xffff, v30;
	v30 =	vmul.f32 $8.000000000e+00, v39  }
0x1af: {  	v26 =	vmul.f32 $8.000000000e+00, v26;
	v58 =	vor.u32 v11, v22;
	[tilespmem:v55+s24+$0x0] =	vst.idx.msk $0xffff, v36  }
0x1b0: {  	v20 =	vmul.f32 $8.000000000e+00, v20;
	[tilespmem:v29+s24+$0x0] =	vst.idx.msk $0xffff, v30;
	v29 =	vor.u32 v12, v22  }
0x1b1: {  	v0 =	vmul.f32 $8.000000000e+00, v0;
	[tilespmem:v56+s24+$0x0] =	vst.idx.msk $0xffff, v26;
	v26 =	vor.u32 v13, v22  }
0x1b2: {  	v32 =	vmul.f32 $8.000000000e+00, v32;
	v30 =	vor.u32 v14, v22;
	[tilespmem:v1+s24+$0x0] =	vst.idx.msk $0xffff, v20  }
0x1b3: {  	v1 =	vmul.f32 $8.000000000e+00, v34;
	v20 =	vor.u32 v15, v22;
	[tilespmem:v57+s24+$0x0] =	vst.idx.msk $0xffff, v0  }
0x1b4: {  	v22 =	vor.u32 v49, v24;
	v0 =	vmul.f32 $8.000000000e+00, v27;
	[tilespmem:v58+s24+$0x0] =	vst.idx.msk $0xffff, v32  }
0x1b5: {  	v59 =	vor.u32 v9, v24;
	v27 =	vmul.f32 $8.000000000e+00, v35;
	[tilespmem:v29+s24+$0x0] =	vst.idx.msk $0xffff, v1  }
0x1b6: {  	v1 =	vmul.f32 $8.000000000e+00, v21;
	v21 =	vor.u32 v10, v24;
	[tilespmem:v26+s24+$0x0] =	vst.idx.msk $0xffff, v0  }
0x1b7: {  	v23 =	vmul.f32 $8.000000000e+00, v23;
	v0 =	vor.u32 v11, v24;
	[tilespmem:v30+s24+$0x0] =	vst.idx.msk $0xffff, v27  }
0x1b8: {  	v26 =	vor.u32 v12, v24;
	[tilespmem:v20+s24+$0x0] =	vst.idx.msk $0xffff, v1;
	v1 =	vmul.f32 $8.000000000e+00, v18  }
0x1b9: {  	v16 =	vmul.f32 $8.000000000e+00, v16;
	v18 =	vor.u32 v13, v24;
	[tilespmem:v22+s24+$0x0] =	vst.idx.msk $0xffff, v23  }
0x1ba: {  	s15 =	smul.u32 $0xFFFFFFCE, s8;
	v20 =	vor.u32 v14, v24;
	v22 =	vmul.f32 $8.000000000e+00, v25;
	[tilespmem:v59+s24+$0x0] =	vst.idx.msk $0xffff, v1  }
0x1bb: {  	v1 =	vor.u32 v15, v24;
	[tilespmem:v21+s24+$0x0] =	vst.idx.msk $0xffff, v16;
	v16 =	vmul.f32 $8.000000000e+00, v19  }
0x1bc: {  	s23 =	sadd.s32 s8, s6;
	s0 =	sadd.s32 s0, s15;
	[tilespmem:v0+s24+$0x0] =	vst.idx.msk $0xffff, v22;
	v0 =	vmul.f32 $8.000000000e+00, v17  }
0x1bd: {  	s8 =	sshll.u32 s23, $0xA;
	s0 =	sshll.u32 s0, $0x14;
	v17 =	vmul.f32 $8.000000000e+00, v31;
	[tilespmem:v26+s24+$0x0] =	vst.idx.msk $0xffff, v16  }
0x1be: {  	p0 =	seq.s32 s10, $0x27;
	s0 =	sor.u32 s8, s0;
	v16 =	vmul.f32 $8.000000000e+00, v28;
	[tilespmem:v18+s24+$0x0] =	vst.idx.msk $0xffff, v0  }
0x1bf: {  	s8 =	sadd.s32 @!p0 $0x5, s7;
	s0 =	sshrl.u32 s0, $0x3;
	[tilespmem:v20+s24+$0x0] =	vst.idx.msk $0xffff, v17  }
0x1c0: {  	s15 =	smulhi.u32 @!p0 $0x51EB851F, s8;
	s0 =	sadd.s32 s2, s0;
	[tilespmem:v1+s24+$0x0] =	vst.idx.msk $0xffff, v16  }
0x1c1: {  	[hbm4b:s0+s17] =	stream.strided.scatter [tilespmem:s24], [sflag:$0x8], $0x2000, s18, s17, $0x38;
	[tilespmem:$0x1A400] =	vst v63  }
0x1c2: {  	s0 =	sshrl.u32 @!p0 s15, $0x4  }
0x1c3: {  	s0 =	smul.u32 @!p0 $0x1FFFCE, s0  }
0x1c4: {  	s20 =	simm.s32 $0x0  }
0x1c5: {  	s25 =	simm.s32 $0x6;
	v0 =	vadd.s32 s20, v49;
	s0 =	sadd.s32 @!p0 s8, s0  }
0x1c6: {  	v1 =	vand.u32 $0xF, v0;
	_ =	swait.ge [sflag:s25], $0x2000;
	s8 =	sshll.u32 @!p0 s15, $0x3;
	s0 =	sshll.u32 @!p0 s0, $0xB  }
0x1c7: {  	v19 =	vor.u32 $0x20, v1;
	[sflag:s25] =	ssyncset.done $0x0;
	s8 =	sand.u32 @!p0 $0x3FFFFF80, s8;
	s0 =	sshra.s32 @!p0 s0, $0x2  }
0x1c8: {  	v16 =	vand.u32 $0x7, v0;
	v17 =	vand.u32 $0x28, v19;
	[sflag:s25] =	ssyncadd.s32 $0xFFFFE000;
	s0 =	sadd.s32 @!p0 s8, s0  }
0x1c9: {  	v18 =	vor.u32 v4, v1;
	v32 =	vor.u32 v16, v17;
	s15 =	simm.s32 @!p0 $0x0;
	s8 =	simm.s32 @!p0 $0x80;
	s0 =	sadd.s32 @!p0 $0xA000, s0  }
0x1ca: {  	v16 =	vor.u32 v8, v32;
	[tilespmem:s15], [sflag:$0x1] =	stream.indirect.gather @!p0 [hbm4b:s4+s8], $0x40, s0, s8, $0xb8;
	[tilespmem:$0x1A400] =	vst v63  }
0x1cb: {  	v17 =	vor.u32 v7, v1;
	_ =	swait.ge [sflag:s26], $0x2000  }
0x1cc: {  	v20 =	vor.u32 v2, v32;
	[sflag:s26] =	ssyncset.done $0x0  }
0x1cd: {  	v24 =	vor.u32 $0x10, v0;
	v22 =	vor.u32 v2, v1;
	[sflag:s26] =	ssyncadd.s32 $0xFFFFE000  }
0x1ce: {  	v25 =	vor.u32 $0x30, v0;
	v28 =	vand.u32 $0x1F, v24;
	v23 =	vor.u32 v62, v1;
	v36 =	vld.idx.msk [tilespmem:v18+s19+$0x0], $0xffff  }
0x1cf: {  	v29 =	vand.u32 $0x3F, v25;
	v30 =	vor.u32 v5, v28;
	v21 =	vld.idx.msk [tilespmem:v16+s19+$0x0], $0xffff  }
0x1d0: {  	v61 =	vor.u32 v5, v29;
	v37 =	vld.idx.msk [tilespmem:v17+s19+$0x0], $0xffff  }
0x1d1: {  	v63 =	vor.u32 v62, v28;
	v20 =	vld.idx.msk [tilespmem:v20+s19+$0x0], $0xffff  }
0x1d2: {  	v44 =	vor.u32 v6, v28;
	v39 =	vld.idx.msk [tilespmem:v22+s19+$0x0], $0xffff  }
0x1d3: {  	v18 =	vor.u32 v3, v1;
	v40 =	vld.idx.msk [tilespmem:v23+s19+$0x0], $0xffff  }
0x1d4: {  	v16 =	vor.u32 v62, v32;
	v30 =	vld.idx.msk [tilespmem:v30+s19+$0x0], $0xffff  }
0x1d5: {  	v48 =	vshll.u32 v19, $0x7;
	v17 =	vor.u32 v7, v28;
	v19 =	vld.idx.msk [tilespmem:v61+s19+$0x0], $0xffff  }
0x1d6: {  	v27 =	vor.u32 v3, v29;
	v38 =	vld.idx.msk [tilespmem:v63+s19+$0x0], $0xffff  }
0x1d7: {  	v51 =	vand.u32 $0x1400, v48;
	v22 =	vor.u32 v2, v28;
	v48 =	vld.idx.msk [tilespmem:v44+s19+$0x0], $0xffff  }
0x1d8: {  	v23 =	vor.u32 v8, v1;
	v43 =	vld.idx.msk [tilespmem:v18+s19+$0x0], $0xffff  }
0x1d9: {  	v47 =	vor.u32 v3, v28;
	v26 =	vld.idx.msk [tilespmem:v16+s19+$0x0], $0xffff  }
0x1da: {  	v59 =	vor.u32 v8, v28;
	v50 =	vld.idx.msk [tilespmem:v17+s19+$0x0], $0xffff  }
0x1db: {  	v18 =	vor.u32 v6, v1;
	v16 =	vld.idx.msk [tilespmem:v27+s19+$0x0], $0xffff  }
0x1dc: {  	v1 =	vor.u32 v5, v1;
	v33 =	vld.idx.msk [tilespmem:v22+s19+$0x0], $0xffff  }
0x1dd: {  	v17 =	vor.u32 v2, v29;
	v52 =	vld.idx.msk [tilespmem:v23+s19+$0x0], $0xffff  }
0x1de: {  	v27 =	vor.u32 v62, v29;
	v54 =	vmul.f32 $8.000000000e+00, v40;
	v40 =	vld.idx.msk [tilespmem:v47+s19+$0x0], $0xffff  }
0x1df: {  	v22 =	vor.u32 v5, v32;
	v56 =	vmul.f32 $8.000000000e+00, v39;
	v39 =	vld.idx.msk [tilespmem:v59+s19+$0x0], $0xffff  }
0x1e0: {  	v31 =	vor.u32 v6, v32;
	v53 =	vld.idx.msk [tilespmem:v18+s19+$0x0], $0xffff  }
0x1e1: {  	v58 =	vor.u32 v7, v29;
	v1 =	vld.idx.msk [tilespmem:v1+s19+$0x0], $0xffff  }
0x1e2: {  	v25 =	vshll.u32 v25, $0x7;
	v60 =	vor.u32 v6, v29;
	v18 =	vld.idx.msk [tilespmem:v17+s19+$0x0], $0xffff  }
0x1e3: {  	v0 =	vshll.u32 v0, $0x7;
	v42 =	vor.u32 v4, v32;
	v57 =	vor.u32 v3, v32;
	v23 =	vld.idx.msk [tilespmem:v27+s19+$0x0], $0xffff  }
0x1e4: {  	v28 =	vor.u32 v4, v28;
	v61 =	vand.u32 $0x380, v0;
	v34 =	vld.idx.msk [tilespmem:v22+s19+$0x0], $0xffff;
	v22 =	vor.u32 v7, v32  }
0x1e5: {  	v0 =	vand.u32 $0x780, v0;
	v17 =	vshll.u32 v24, $0x7;
	v24 =	vor.u32 v4, v29;
	v27 =	vld.idx.msk [tilespmem:v31+s19+$0x0], $0xffff  }
0x1e6: {  	v63 =	vand.u32 $0x1C00, v25;
	v41 =	vor.u32 v49, v0;
	v44 =	vor.u32 v10, v0;
	v32 =	vld.idx.msk [tilespmem:v58+s19+$0x0], $0xffff  }
0x1e7: {  	v46 =	vor.u32 v11, v0;
	v31 =	vand.u32 $0xC00, v17;
	v17 =	vld.idx.msk [tilespmem:v60+s19+$0x0], $0xffff;
	v60 =	vor.u32 v8, v29  }
0x1e8: {  	v45 =	vor.u32 v12, v0;
	v37 =	vmul.f32 $8.000000000e+00, v37;
	v29 =	vor.u32 v61, v31;
	v31 =	vld.idx.msk [tilespmem:v42+s19+$0x0], $0xffff  }
0x1e9: {  	v55 =	vmul.f32 $8.000000000e+00, v36;
	v47 =	vor.u32 v14, v0;
	v42 =	vor.u32 v9, v0;
	v35 =	vld.idx.msk [tilespmem:v22+s19+$0x0], $0xffff  }
0x1ea: {  	v49 =	vmul.f32 $8.000000000e+00, v43;
	v43 =	vor.u32 v13, v0;
	v36 =	vmul.f32 $8.000000000e+00, v50;
	v25 =	vld.idx.msk [tilespmem:v24+s19+$0x0], $0xffff  }
0x1eb: {  	v50 =	vor.u32 v15, v0;
	v52 =	vmul.f32 $8.000000000e+00, v52;
	v22 =	vor.u32 v61, v51;
	v51 =	vld.idx.msk [tilespmem:v28+s19+$0x0], $0xffff  }
0x1ec: {  	s0 =	simm.s32 $0x1;
	v24 =	vor.u32 v61, v63;
	v53 =	vmul.f32 $8.000000000e+00, v53;
	v58 =	vmul.f32 $8.000000000e+00, v1;
	v28 =	vld.idx.msk [tilespmem:v60+s19+$0x0], $0xffff  }
.LBB2_9:
0x1ed: {  	v0 =	vld.idx.msk [tilespmem:v57+s19+$0x0], $0xffff;
	[tilespmem:v41+s28+$0x0] =	vst.idx.msk $0xffff, v54  }
0x1ee: {  	[tilespmem:v42+s28+$0x0] =	vst.idx.msk $0xffff, v56  }
0x1ef: {  	v54 =	vlaneseq.u32;
	[tilespmem:v44+s28+$0x0] =	vst.idx.msk $0xffff, v49  }
0x1f0: {  	v57 =	vor.u32 v54, v29;
	[tilespmem:v46+s28+$0x0] =	vst.idx.msk $0xffff, v55  }
0x1f1: {  	[tilespmem:v45+s28+$0x0] =	vst.idx.msk $0xffff, v58;
	v58 =	vor.u32 v9, v29  }
0x1f2: {  	v59 =	vor.u32 v10, v29;
	[tilespmem:v43+s28+$0x0] =	vst.idx.msk $0xffff, v53  }
0x1f3: {  	v60 =	vor.u32 v11, v29;
	v38 =	vmul.f32 $8.000000000e+00, v38;
	[tilespmem:v47+s28+$0x0] =	vst.idx.msk $0xffff, v37  }
0x1f4: {  	v61 =	vor.u32 v12, v29;
	v33 =	vmul.f32 $8.000000000e+00, v33;
	[tilespmem:v50+s28+$0x0] =	vst.idx.msk $0xffff, v52  }
0x1f5: {  	v63 =	vmul.f32 $8.000000000e+00, v40;
	v50 =	vor.u32 v13, v29;
	[tilespmem:v57+s28+$0x0] =	vst.idx.msk $0xffff, v38  }
0x1f6: {  	v41 =	vmul.f32 $8.000000000e+00, v51;
	v51 =	vor.u32 v14, v29;
	[tilespmem:v58+s28+$0x0] =	vst.idx.msk $0xffff, v33  }
0x1f7: {  	v30 =	vmul.f32 $8.000000000e+00, v30;
	v29 =	vor.u32 v15, v29;
	[tilespmem:v59+s28+$0x0] =	vst.idx.msk $0xffff, v63  }
0x1f8: {  	v1 =	vmul.f32 $8.000000000e+00, v48;
	v52 =	vor.u32 v54, v22;
	[tilespmem:v60+s28+$0x0] =	vst.idx.msk $0xffff, v41  }
0x1f9: {  	v42 =	vmul.f32 $8.000000000e+00, v21;
	[tilespmem:v61+s28+$0x0] =	vst.idx.msk $0xffff, v30;
	v30 =	vor.u32 v9, v22  }
0x1fa: {  	v21 =	vor.u32 v15, v24;
	v55 =	vor.u32 v10, v22;
	[tilespmem:v50+s28+$0x0] =	vst.idx.msk $0xffff, v1;
	v1 =	vmul.f32 $8.000000000e+00, v39  }
0x1fb: {  	v56 =	vor.u32 v15, v22;
	v26 =	vmul.f32 $8.000000000e+00, v26;
	v57 =	vor.u32 v11, v22;
	[tilespmem:v51+s28+$0x0] =	vst.idx.msk $0xffff, v36  }
0x1fc: {  	v49 =	vor.u32 v12, v24;
	[tilespmem:v29+s28+$0x0] =	vst.idx.msk $0xffff, v1;
	v1 =	vmul.f32 $8.000000000e+00, v20;
	v20 =	vor.u32 v12, v22  }
0x1fd: {  	v0 =	vmul.f32 $8.000000000e+00, v0;
	v58 =	vor.u32 v14, v22;
	v22 =	vor.u32 v13, v22;
	[tilespmem:v52+s28+$0x0] =	vst.idx.msk $0xffff, v26  }
0x1fe: {  	v44 =	vor.u32 v11, v24;
	v46 =	vor.u32 v14, v24;
	v26 =	vmul.f32 $8.000000000e+00, v31;
	[tilespmem:v30+s28+$0x0] =	vst.idx.msk $0xffff, v1  }
0x1ff: {  	v34 =	vmul.f32 $8.000000000e+00, v34;
	v45 =	vor.u32 v10, v24;
	v53 =	vor.u32 v9, v24;
	[tilespmem:v55+s28+$0x0] =	vst.idx.msk $0xffff, v0  }
0x200: {  	v27 =	vmul.f32 $8.000000000e+00, v27;
	v47 =	vor.u32 v13, v24;
	v24 =	vor.u32 v54, v24;
	[tilespmem:v57+s28+$0x0] =	vst.idx.msk $0xffff, v26  }
0x201: {  	v35 =	vmul.f32 $8.000000000e+00, v35;
	[tilespmem:v20+s28+$0x0] =	vst.idx.msk $0xffff, v34  }
0x202: {  	[tilespmem:v22+s28+$0x0] =	vst.idx.msk $0xffff, v27  }
0x203: {  	s8 =	smov.u32 s0;
	v23 =	vmul.f32 $8.000000000e+00, v23;
	[tilespmem:v58+s28+$0x0] =	vst.idx.msk $0xffff, v35  }
0x204: {  	v18 =	vmul.f32 $8.000000000e+00, v18;
	v29 =	vadd.s32 s8, v54;
	[tilespmem:v56+s28+$0x0] =	vst.idx.msk $0xffff, v42  }
0x205: {  	v16 =	vmul.f32 $8.000000000e+00, v16;
	v30 =	vand.u32 $0xF, v29;
	[tilespmem:v24+s28+$0x0] =	vst.idx.msk $0xffff, v23  }
0x206: {  	v25 =	vmul.f32 $8.000000000e+00, v25;
	v55 =	vor.u32 $0x20, v30;
	[tilespmem:v53+s28+$0x0] =	vst.idx.msk $0xffff, v18  }
0x207: {  	v59 =	vand.u32 $0x28, v55;
	v20 =	vand.u32 $0x7, v29;
	[tilespmem:v45+s28+$0x0] =	vst.idx.msk $0xffff, v16;
	v16 =	vmul.f32 $8.000000000e+00, v19  }
0x208: {  	v17 =	vmul.f32 $8.000000000e+00, v17;
	v26 =	vor.u32 v4, v30;
	v48 =	vor.u32 v20, v59;
	[tilespmem:v44+s28+$0x0] =	vst.idx.msk $0xffff, v25  }
0x209: {  	v1 =	vmul.f32 $8.000000000e+00, v32;
	v24 =	vor.u32 v8, v48;
	[tilespmem:v49+s28+$0x0] =	vst.idx.msk $0xffff, v16  }
0x20a: {  	v28 =	vmul.f32 $8.000000000e+00, v28;
	v22 =	vor.u32 v7, v30;
	[tilespmem:v47+s28+$0x0] =	vst.idx.msk $0xffff, v17  }
0x20b: {  	v20 =	vor.u32 v2, v48;
	[tilespmem:v46+s28+$0x0] =	vst.idx.msk $0xffff, v1  }
0x20c: {  	v37 =	vor.u32 v2, v30;
	[tilespmem:v21+s28+$0x0] =	vst.idx.msk $0xffff, v28  }
0x20d: {  	v61 =	vor.u32 $0x30, v29;
	v0 =	vor.u32 v62, v30;
	v28 =	vld.idx.msk [tilespmem:v26+s19+$0x0], $0xffff  }
0x20e: {  	v31 =	vor.u32 $0x10, v29;
	v63 =	vshll.u32 v61, $0x7;
	v18 =	vor.u32 v3, v30;
	v21 =	vld.idx.msk [tilespmem:v24+s19+$0x0], $0xffff  }
0x20f: {  	v23 =	vand.u32 $0x1F, v31;
	v25 =	vand.u32 $0x3F, v61;
	v61 =	vor.u32 v8, v30;
	v49 =	vld.idx.msk [tilespmem:v22+s19+$0x0], $0xffff  }
0x210: {  	v38 =	vor.u32 v62, v23;
	v20 =	vld.idx.msk [tilespmem:v20+s19+$0x0], $0xffff  }
0x211: {  	v40 =	vor.u32 v3, v23;
	v53 =	vld.idx.msk [tilespmem:v37+s19+$0x0], $0xffff  }
0x212: {  	v59 =	vor.u32 v8, v23;
	v0 =	vld.idx.msk [tilespmem:v0+s19+$0x0], $0xffff  }
0x213: {  	v60 =	vshll.u32 v31, $0x7;
	v34 =	vor.u32 v62, v48;
	v47 =	vld.idx.msk [tilespmem:v18+s19+$0x0], $0xffff  }
0x214: {  	v27 =	vand.u32 $0xC00, v60;
	v32 =	vor.u32 v62, v25;
	v62 =	vor.u32 v7, v23;
	v60 =	vld.idx.msk [tilespmem:v61+s19+$0x0], $0xffff  }
0x215: {  	v41 =	vor.u32 v5, v30;
	v35 =	vor.u32 v5, v48;
	v31 =	vor.u32 v7, v48;
	v38 =	vld.idx.msk [tilespmem:v38+s19+$0x0], $0xffff  }
0x216: {  	v42 =	vor.u32 v2, v25;
	v16 =	vshll.u32 v55, $0x7;
	v17 =	vshll.u32 v29, $0x7;
	v40 =	vld.idx.msk [tilespmem:v40+s19+$0x0], $0xffff  }
0x217: {  	v16 =	vand.u32 $0x1400, v16;
	v26 =	vand.u32 $0x380, v17;
	v24 =	vand.u32 $0x1C00, v63;
	v39 =	vld.idx.msk [tilespmem:v59+s19+$0x0], $0xffff  }
0x218: {  	v22 =	vor.u32 v26, v16;
	v29 =	vor.u32 v26, v27;
	v24 =	vor.u32 v26, v24;
	v26 =	vld.idx.msk [tilespmem:v34+s19+$0x0], $0xffff  }
0x219: {  	v36 =	vor.u32 v4, v48;
	v58 =	vld.idx.msk [tilespmem:v62+s19+$0x0], $0xffff  }
0x21a: {  	v50 =	vor.u32 v6, v23;
	v62 =	vld.idx.msk [tilespmem:v41+s19+$0x0], $0xffff  }
0x21b: {  	v63 =	vor.u32 v3, v25;
	v18 =	vld.idx.msk [tilespmem:v42+s19+$0x0], $0xffff  }
0x21c: {  	v51 =	vand.u32 $0x780, v17;
	v17 =	vor.u32 v6, v30;
	v30 =	vor.u32 v2, v23;
	v34 =	vld.idx.msk [tilespmem:v35+s19+$0x0], $0xffff  }
0x21d: {  	v35 =	vld.idx.msk [tilespmem:v31+s19+$0x0], $0xffff  }
0x21e: {  	v57 =	vor.u32 v3, v48;
	v19 =	vor.u32 v5, v23;
	v31 =	vld.idx.msk [tilespmem:v36+s19+$0x0], $0xffff  }
0x21f: {  	v43 =	vor.u32 v4, v25;
	v44 =	vor.u32 v5, v25;
	v27 =	vor.u32 v6, v48;
	v48 =	vld.idx.msk [tilespmem:v50+s19+$0x0], $0xffff  }
0x220: {  	v52 =	vor.u32 v8, v25;
	v1 =	vor.u32 v7, v25;
	v25 =	vor.u32 v6, v25;
	v16 =	vld.idx.msk [tilespmem:v63+s19+$0x0], $0xffff  }
0x221: {  	v33 =	vld.idx.msk [tilespmem:v30+s19+$0x0], $0xffff  }
0x222: {  	v61 =	vld.idx.msk [tilespmem:v17+s19+$0x0], $0xffff  }
0x223: {  	v63 =	vor.u32 v4, v23;
	v23 =	vld.idx.msk [tilespmem:v32+s19+$0x0], $0xffff  }
0x224: {  	v30 =	vld.idx.msk [tilespmem:v19+s19+$0x0], $0xffff  }
0x225: {  	v17 =	vld.idx.msk [tilespmem:v25+s19+$0x0], $0xffff  }
0x226: {  	v19 =	vld.idx.msk [tilespmem:v44+s19+$0x0], $0xffff  }
0x227: {  	p1 =	sne.s32 s0, $0xF;
	v46 =	vor.u32 v11, v51;
	v45 =	vor.u32 v12, v51;
	v25 =	vld.idx.msk [tilespmem:v43+s19+$0x0], $0xffff  }
.Ltmp3:
0x228: {  	v41 =	vor.u32 v54, v51;
	v42 =	vor.u32 v9, v51;
	v55 =	vmul.f32 $8.000000000e+00, v28;
	v28 =	vld.idx.msk [tilespmem:v52+s19+$0x0], $0xffff;
	(pc) =	sbr.rel @p1 .LBB2_9-.Ltmp3, $4  }
0x229: {  	v50 =	vor.u32 v15, v51;
	v37 =	vmul.f32 $8.000000000e+00, v49;
	v49 =	vmul.f32 $8.000000000e+00, v47;
	v32 =	vld.idx.msk [tilespmem:v1+s19+$0x0], $0xffff  }
0x22a: {  	v44 =	vor.u32 v10, v51;
	v54 =	vmul.f32 $8.000000000e+00, v0;
	v56 =	vmul.f32 $8.000000000e+00, v53;
	v27 =	vld.idx.msk [tilespmem:v27+s19+$0x0], $0xffff  }
0x22b: {  	v43 =	vor.u32 v13, v51;
	v36 =	vmul.f32 $8.000000000e+00, v58;
	v58 =	vmul.f32 $8.000000000e+00, v62;
	v62 =	vld [tilespmem:$0x1FFF0]  }
0x22c: {  	s0 =	sadd.s32 $0x1, s0;
	v47 =	vor.u32 v14, v51;
	v52 =	vmul.f32 $8.000000000e+00, v60;
	v51 =	vld.idx.msk [tilespmem:v63+s19+$0x0], $0xffff;
	v53 =	vmul.f32 $8.000000000e+00, v61  }
0x22d: {  	_ =	sdelay $0x3  }
0x22e: {  	v0 =	vld.idx.msk [tilespmem:v57+s19+$0x0], $0xffff;
	[tilespmem:v41+s28+$0x0] =	vst.idx.msk $0xffff, v54  }
0x22f: {  	[tilespmem:v42+s28+$0x0] =	vst.idx.msk $0xffff, v56  }
0x230: {  	[tilespmem:v44+s28+$0x0] =	vst.idx.msk $0xffff, v49;
	v49 =	vlaneseq.u32  }
0x231: {  	[tilespmem:v46+s28+$0x0] =	vst.idx.msk $0xffff, v55;
	v1 =	vor.u32 v49, v29  }
0x232: {  	[tilespmem:v45+s28+$0x0] =	vst.idx.msk $0xffff, v58;
	v45 =	vor.u32 v9, v29  }
0x233: {  	v46 =	vor.u32 v10, v29;
	[tilespmem:v43+s28+$0x0] =	vst.idx.msk $0xffff, v53  }
0x234: {  	v38 =	vmul.f32 $8.000000000e+00, v38;
	[tilespmem:v47+s28+$0x0] =	vst.idx.msk $0xffff, v37;
	v47 =	vor.u32 v11, v29  }
0x235: {  	v33 =	vmul.f32 $8.000000000e+00, v33;
	v53 =	vor.u32 v12, v29;
	[tilespmem:v50+s28+$0x0] =	vst.idx.msk $0xffff, v52  }
0x236: {  	v54 =	vor.u32 v13, v29;
	[tilespmem:v1+s28+$0x0] =	vst.idx.msk $0xffff, v38;
	v1 =	vmul.f32 $8.000000000e+00, v40  }
0x237: {  	v56 =	vor.u32 v14, v29;
	v55 =	vmul.f32 $8.000000000e+00, v51;
	[tilespmem:v45+s28+$0x0] =	vst.idx.msk $0xffff, v33  }
0x238: {  	v29 =	vor.u32 v15, v29;
	[tilespmem:v46+s28+$0x0] =	vst.idx.msk $0xffff, v1;
	v1 =	vmul.f32 $8.000000000e+00, v30  }
0x239: {  	v57 =	vor.u32 v49, v22;
	v30 =	vmul.f32 $8.000000000e+00, v48;
	[tilespmem:v47+s28+$0x0] =	vst.idx.msk $0xffff, v55  }
0x23a: {  	[tilespmem:v53+s28+$0x0] =	vst.idx.msk $0xffff, v1;
	v1 =	vor.u32 v9, v22  }
0x23b: {  	v58 =	vor.u32 v10, v22;
	[tilespmem:v54+s28+$0x0] =	vst.idx.msk $0xffff, v30;
	v30 =	vmul.f32 $8.000000000e+00, v39  }
0x23c: {  	v26 =	vmul.f32 $8.000000000e+00, v26;
	v59 =	vor.u32 v11, v22;
	[tilespmem:v56+s28+$0x0] =	vst.idx.msk $0xffff, v36  }
0x23d: {  	v20 =	vmul.f32 $8.000000000e+00, v20;
	[tilespmem:v29+s28+$0x0] =	vst.idx.msk $0xffff, v30;
	v29 =	vor.u32 v12, v22  }
0x23e: {  	v0 =	vmul.f32 $8.000000000e+00, v0;
	[tilespmem:v57+s28+$0x0] =	vst.idx.msk $0xffff, v26;
	v26 =	vor.u32 v13, v22  }
0x23f: {  	v31 =	vmul.f32 $8.000000000e+00, v31;
	v30 =	vor.u32 v14, v22;
	[tilespmem:v1+s28+$0x0] =	vst.idx.msk $0xffff, v20  }
0x240: {  	v1 =	vmul.f32 $8.000000000e+00, v34;
	v20 =	vor.u32 v15, v22;
	[tilespmem:v58+s28+$0x0] =	vst.idx.msk $0xffff, v0  }
0x241: {  	v22 =	vor.u32 v49, v24;
	v0 =	vmul.f32 $8.000000000e+00, v27;
	[tilespmem:v59+s28+$0x0] =	vst.idx.msk $0xffff, v31  }
0x242: {  	v27 =	vmul.f32 $8.000000000e+00, v35;
	v31 =	vor.u32 v9, v24;
	[tilespmem:v29+s28+$0x0] =	vst.idx.msk $0xffff, v1  }
0x243: {  	v1 =	vmul.f32 $8.000000000e+00, v21;
	v21 =	vor.u32 v10, v24;
	[tilespmem:v26+s28+$0x0] =	vst.idx.msk $0xffff, v0  }
0x244: {  	v23 =	vmul.f32 $8.000000000e+00, v23;
	v0 =	vor.u32 v11, v24;
	[tilespmem:v30+s28+$0x0] =	vst.idx.msk $0xffff, v27  }
0x245: {  	v26 =	vor.u32 v12, v24;
	[tilespmem:v20+s28+$0x0] =	vst.idx.msk $0xffff, v1;
	v1 =	vmul.f32 $8.000000000e+00, v18  }
0x246: {  	v16 =	vmul.f32 $8.000000000e+00, v16;
	v18 =	vor.u32 v13, v24;
	[tilespmem:v22+s28+$0x0] =	vst.idx.msk $0xffff, v23  }
0x247: {  	v20 =	vor.u32 v14, v24;
	v22 =	vmul.f32 $8.000000000e+00, v25;
	[tilespmem:v31+s28+$0x0] =	vst.idx.msk $0xffff, v1  }
0x248: {  	v1 =	vor.u32 v15, v24;
	[tilespmem:v21+s28+$0x0] =	vst.idx.msk $0xffff, v16;
	v16 =	vmul.f32 $8.000000000e+00, v19  }
0x249: {  	s0 =	sadd.s32 s13, s5;
	[tilespmem:v0+s28+$0x0] =	vst.idx.msk $0xffff, v22;
	v0 =	vmul.f32 $8.000000000e+00, v17  }
0x24a: {  	s0 =	sshll.u32 s0, $0x14;
	v17 =	vmul.f32 $8.000000000e+00, v32;
	[tilespmem:v26+s28+$0x0] =	vst.idx.msk $0xffff, v16  }
0x24b: {  	s0 =	sadd.s32 s11, s0;
	v16 =	vmul.f32 $8.000000000e+00, v28;
	[tilespmem:v18+s28+$0x0] =	vst.idx.msk $0xffff, v0  }
0x24c: {  	s7 =	sadd.s32 @!p0 $0x6, s7;
	s0 =	sshrl.u32 s0, $0x3;
	[tilespmem:v20+s28+$0x0] =	vst.idx.msk $0xffff, v17  }
0x24d: {  	s8 =	smulhi.u32 @!p0 $0x51EB851F, s7;
	s0 =	sadd.s32 s2, s0;
	[tilespmem:v1+s28+$0x0] =	vst.idx.msk $0xffff, v16  }
0x24e: {  	[hbm4b:s0+s17] =	stream.strided.scatter [tilespmem:s28], [sflag:$0x9], $0x2000, s18, s17, $0x38;
	[tilespmem:$0x1A400] =	vst v63  }
0x24f: {  	s0 =	sshrl.u32 @!p0 s8, $0x4  }
0x250: {  	s0 =	smul.u32 @!p0 $0x1FFFCE, s0  }
0x251: {  	s25 =	simm.s32 $0x0  }
0x252: {  	v0 =	vadd.s32 s25, v49;
	s0 =	sadd.s32 @!p0 s7, s0  }
0x253: {  	v1 =	vand.u32 $0xF, v0;
	_ =	swait.ge [sflag:s29], $0x2000;
	s7 =	sshll.u32 @!p0 s8, $0x3;
	s0 =	sshll.u32 @!p0 s0, $0xB  }
0x254: {  	v19 =	vor.u32 $0x20, v1;
	[sflag:s29] =	ssyncset.done $0x0;
	s7 =	sand.u32 @!p0 $0x3FFFFF80, s7;
	s0 =	sshra.s32 @!p0 s0, $0x2  }
0x255: {  	v16 =	vand.u32 $0x7, v0;
	v17 =	vand.u32 $0x28, v19;
	[sflag:s29] =	ssyncadd.s32 $0xFFFFE000;
	s0 =	sadd.s32 @!p0 s7, s0  }
0x256: {  	v18 =	vor.u32 v4, v1;
	v32 =	vor.u32 v16, v17;
	s8 =	simm.s32 @!p0 $0x2000;
	s7 =	simm.s32 @!p0 $0x80;
	s0 =	sadd.s32 @!p0 $0xA000, s0  }
0x257: {  	v16 =	vor.u32 v8, v32;
	[tilespmem:s8], [sflag:$0x2] =	stream.indirect.gather @!p0 [hbm4b:s4+s7], $0x40, s0, s7, $0xb8;
	[tilespmem:$0x1A400] =	vst v63  }
0x258: {  	v17 =	vor.u32 v7, v1;
	_ =	swait.ge [sflag:s30], $0x2000  }
0x259: {  	v20 =	vor.u32 v2, v32;
	[sflag:s30] =	ssyncset.done $0x0  }
0x25a: {  	v24 =	vor.u32 $0x10, v0;
	v22 =	vor.u32 v2, v1;
	[sflag:s30] =	ssyncadd.s32 $0xFFFFE000  }
0x25b: {  	v25 =	vor.u32 $0x30, v0;
	v28 =	vand.u32 $0x1F, v24;
	v23 =	vor.u32 v62, v1;
	v36 =	vld.idx.msk [tilespmem:v18+s22+$0x0], $0xffff  }
0x25c: {  	v29 =	vand.u32 $0x3F, v25;
	v30 =	vor.u32 v5, v28;
	v21 =	vld.idx.msk [tilespmem:v16+s22+$0x0], $0xffff  }
0x25d: {  	v61 =	vor.u32 v5, v29;
	v37 =	vld.idx.msk [tilespmem:v17+s22+$0x0], $0xffff  }
0x25e: {  	v63 =	vor.u32 v62, v28;
	v20 =	vld.idx.msk [tilespmem:v20+s22+$0x0], $0xffff  }
0x25f: {  	v44 =	vor.u32 v6, v28;
	v39 =	vld.idx.msk [tilespmem:v22+s22+$0x0], $0xffff  }
0x260: {  	v18 =	vor.u32 v3, v1;
	v40 =	vld.idx.msk [tilespmem:v23+s22+$0x0], $0xffff  }
0x261: {  	v16 =	vor.u32 v62, v32;
	v30 =	vld.idx.msk [tilespmem:v30+s22+$0x0], $0xffff  }
0x262: {  	v48 =	vshll.u32 v19, $0x7;
	v17 =	vor.u32 v7, v28;
	v19 =	vld.idx.msk [tilespmem:v61+s22+$0x0], $0xffff  }
0x263: {  	v27 =	vor.u32 v3, v29;
	v38 =	vld.idx.msk [tilespmem:v63+s22+$0x0], $0xffff  }
0x264: {  	v51 =	vand.u32 $0x1400, v48;
	v22 =	vor.u32 v2, v28;
	v48 =	vld.idx.msk [tilespmem:v44+s22+$0x0], $0xffff  }
0x265: {  	v23 =	vor.u32 v8, v1;
	v43 =	vld.idx.msk [tilespmem:v18+s22+$0x0], $0xffff  }
0x266: {  	v47 =	vor.u32 v3, v28;
	v26 =	vld.idx.msk [tilespmem:v16+s22+$0x0], $0xffff  }
0x267: {  	v59 =	vor.u32 v8, v28;
	v50 =	vld.idx.msk [tilespmem:v17+s22+$0x0], $0xffff  }
0x268: {  	v18 =	vor.u32 v6, v1;
	v16 =	vld.idx.msk [tilespmem:v27+s22+$0x0], $0xffff  }
0x269: {  	v1 =	vor.u32 v5, v1;
	v33 =	vld.idx.msk [tilespmem:v22+s22+$0x0], $0xffff  }
0x26a: {  	v17 =	vor.u32 v2, v29;
	v52 =	vld.idx.msk [tilespmem:v23+s22+$0x0], $0xffff  }
0x26b: {  	v27 =	vor.u32 v62, v29;
	v54 =	vmul.f32 $8.000000000e+00, v40;
	v40 =	vld.idx.msk [tilespmem:v47+s22+$0x0], $0xffff  }
0x26c: {  	v22 =	vor.u32 v5, v32;
	v56 =	vmul.f32 $8.000000000e+00, v39;
	v39 =	vld.idx.msk [tilespmem:v59+s22+$0x0], $0xffff  }
0x26d: {  	v31 =	vor.u32 v6, v32;
	v53 =	vld.idx.msk [tilespmem:v18+s22+$0x0], $0xffff  }
0x26e: {  	v58 =	vor.u32 v7, v29;
	v1 =	vld.idx.msk [tilespmem:v1+s22+$0x0], $0xffff  }
0x26f: {  	v25 =	vshll.u32 v25, $0x7;
	v60 =	vor.u32 v6, v29;
	v18 =	vld.idx.msk [tilespmem:v17+s22+$0x0], $0xffff  }
0x270: {  	v0 =	vshll.u32 v0, $0x7;
	v42 =	vor.u32 v4, v32;
	v57 =	vor.u32 v3, v32;
	v23 =	vld.idx.msk [tilespmem:v27+s22+$0x0], $0xffff  }
0x271: {  	v28 =	vor.u32 v4, v28;
	v61 =	vand.u32 $0x380, v0;
	v34 =	vld.idx.msk [tilespmem:v22+s22+$0x0], $0xffff;
	v22 =	vor.u32 v7, v32  }
0x272: {  	v0 =	vand.u32 $0x780, v0;
	v17 =	vshll.u32 v24, $0x7;
	v24 =	vor.u32 v4, v29;
	v27 =	vld.idx.msk [tilespmem:v31+s22+$0x0], $0xffff  }
0x273: {  	v63 =	vand.u32 $0x1C00, v25;
	v41 =	vor.u32 v49, v0;
	v44 =	vor.u32 v10, v0;
	v32 =	vld.idx.msk [tilespmem:v58+s22+$0x0], $0xffff  }
0x274: {  	v46 =	vor.u32 v11, v0;
	v31 =	vand.u32 $0xC00, v17;
	v17 =	vld.idx.msk [tilespmem:v60+s22+$0x0], $0xffff;
	v60 =	vor.u32 v8, v29  }
0x275: {  	v45 =	vor.u32 v12, v0;
	v37 =	vmul.f32 $8.000000000e+00, v37;
	v29 =	vor.u32 v61, v31;
	v31 =	vld.idx.msk [tilespmem:v42+s22+$0x0], $0xffff  }
0x276: {  	v55 =	vmul.f32 $8.000000000e+00, v36;
	v47 =	vor.u32 v14, v0;
	v42 =	vor.u32 v9, v0;
	v35 =	vld.idx.msk [tilespmem:v22+s22+$0x0], $0xffff  }
0x277: {  	v49 =	vmul.f32 $8.000000000e+00, v43;
	v43 =	vor.u32 v13, v0;
	v36 =	vmul.f32 $8.000000000e+00, v50;
	v25 =	vld.idx.msk [tilespmem:v24+s22+$0x0], $0xffff  }
0x278: {  	v50 =	vor.u32 v15, v0;
	v52 =	vmul.f32 $8.000000000e+00, v52;
	v22 =	vor.u32 v61, v51;
	v51 =	vld.idx.msk [tilespmem:v28+s22+$0x0], $0xffff  }
0x279: {  	s0 =	simm.s32 $0x1;
	v24 =	vor.u32 v61, v63;
	v53 =	vmul.f32 $8.000000000e+00, v53;
	v58 =	vmul.f32 $8.000000000e+00, v1;
	v28 =	vld.idx.msk [tilespmem:v60+s22+$0x0], $0xffff  }
.LBB2_11:
0x27a: {  	v0 =	vld.idx.msk [tilespmem:v57+s22+$0x0], $0xffff;
	[tilespmem:v41+s31+$0x0] =	vst.idx.msk $0xffff, v54  }
0x27b: {  	[tilespmem:v42+s31+$0x0] =	vst.idx.msk $0xffff, v56  }
0x27c: {  	v54 =	vlaneseq.u32;
	[tilespmem:v44+s31+$0x0] =	vst.idx.msk $0xffff, v49  }
0x27d: {  	v57 =	vor.u32 v54, v29;
	[tilespmem:v46+s31+$0x0] =	vst.idx.msk $0xffff, v55  }
0x27e: {  	[tilespmem:v45+s31+$0x0] =	vst.idx.msk $0xffff, v58;
	v58 =	vor.u32 v9, v29  }
0x27f: {  	v59 =	vor.u32 v10, v29;
	[tilespmem:v43+s31+$0x0] =	vst.idx.msk $0xffff, v53  }
0x280: {  	v60 =	vor.u32 v11, v29;
	v38 =	vmul.f32 $8.000000000e+00, v38;
	[tilespmem:v47+s31+$0x0] =	vst.idx.msk $0xffff, v37  }
0x281: {  	v61 =	vor.u32 v12, v29;
	v33 =	vmul.f32 $8.000000000e+00, v33;
	[tilespmem:v50+s31+$0x0] =	vst.idx.msk $0xffff, v52  }
0x282: {  	v63 =	vmul.f32 $8.000000000e+00, v40;
	v50 =	vor.u32 v13, v29;
	[tilespmem:v57+s31+$0x0] =	vst.idx.msk $0xffff, v38  }
0x283: {  	v41 =	vmul.f32 $8.000000000e+00, v51;
	v51 =	vor.u32 v14, v29;
	[tilespmem:v58+s31+$0x0] =	vst.idx.msk $0xffff, v33  }
0x284: {  	v30 =	vmul.f32 $8.000000000e+00, v30;
	v29 =	vor.u32 v15, v29;
	[tilespmem:v59+s31+$0x0] =	vst.idx.msk $0xffff, v63  }
0x285: {  	v1 =	vmul.f32 $8.000000000e+00, v48;
	v52 =	vor.u32 v54, v22;
	[tilespmem:v60+s31+$0x0] =	vst.idx.msk $0xffff, v41  }
0x286: {  	v42 =	vmul.f32 $8.000000000e+00, v21;
	[tilespmem:v61+s31+$0x0] =	vst.idx.msk $0xffff, v30;
	v30 =	vor.u32 v9, v22  }
0x287: {  	v21 =	vor.u32 v15, v24;
	v55 =	vor.u32 v10, v22;
	[tilespmem:v50+s31+$0x0] =	vst.idx.msk $0xffff, v1;
	v1 =	vmul.f32 $8.000000000e+00, v39  }
0x288: {  	v56 =	vor.u32 v15, v22;
	v26 =	vmul.f32 $8.000000000e+00, v26;
	v57 =	vor.u32 v11, v22;
	[tilespmem:v51+s31+$0x0] =	vst.idx.msk $0xffff, v36  }
0x289: {  	v49 =	vor.u32 v12, v24;
	[tilespmem:v29+s31+$0x0] =	vst.idx.msk $0xffff, v1;
	v1 =	vmul.f32 $8.000000000e+00, v20;
	v20 =	vor.u32 v12, v22  }
0x28a: {  	v0 =	vmul.f32 $8.000000000e+00, v0;
	v58 =	vor.u32 v14, v22;
	v22 =	vor.u32 v13, v22;
	[tilespmem:v52+s31+$0x0] =	vst.idx.msk $0xffff, v26  }
0x28b: {  	v44 =	vor.u32 v11, v24;
	v46 =	vor.u32 v14, v24;
	v26 =	vmul.f32 $8.000000000e+00, v31;
	[tilespmem:v30+s31+$0x0] =	vst.idx.msk $0xffff, v1  }
0x28c: {  	v34 =	vmul.f32 $8.000000000e+00, v34;
	v45 =	vor.u32 v10, v24;
	v53 =	vor.u32 v9, v24;
	[tilespmem:v55+s31+$0x0] =	vst.idx.msk $0xffff, v0  }
0x28d: {  	v27 =	vmul.f32 $8.000000000e+00, v27;
	v47 =	vor.u32 v13, v24;
	v24 =	vor.u32 v54, v24;
	[tilespmem:v57+s31+$0x0] =	vst.idx.msk $0xffff, v26  }
0x28e: {  	v35 =	vmul.f32 $8.000000000e+00, v35;
	[tilespmem:v20+s31+$0x0] =	vst.idx.msk $0xffff, v34  }
0x28f: {  	[tilespmem:v22+s31+$0x0] =	vst.idx.msk $0xffff, v27  }
0x290: {  	s7 =	smov.u32 s0;
	v23 =	vmul.f32 $8.000000000e+00, v23;
	[tilespmem:v58+s31+$0x0] =	vst.idx.msk $0xffff, v35  }
0x291: {  	v18 =	vmul.f32 $8.000000000e+00, v18;
	v29 =	vadd.s32 s7, v54;
	[tilespmem:v56+s31+$0x0] =	vst.idx.msk $0xffff, v42  }
0x292: {  	v16 =	vmul.f32 $8.000000000e+00, v16;
	v30 =	vand.u32 $0xF, v29;
	[tilespmem:v24+s31+$0x0] =	vst.idx.msk $0xffff, v23  }
0x293: {  	v25 =	vmul.f32 $8.000000000e+00, v25;
	v55 =	vor.u32 $0x20, v30;
	[tilespmem:v53+s31+$0x0] =	vst.idx.msk $0xffff, v18  }
0x294: {  	v59 =	vand.u32 $0x28, v55;
	v20 =	vand.u32 $0x7, v29;
	[tilespmem:v45+s31+$0x0] =	vst.idx.msk $0xffff, v16;
	v16 =	vmul.f32 $8.000000000e+00, v19  }
0x295: {  	v17 =	vmul.f32 $8.000000000e+00, v17;
	v26 =	vor.u32 v4, v30;
	v48 =	vor.u32 v20, v59;
	[tilespmem:v44+s31+$0x0] =	vst.idx.msk $0xffff, v25  }
0x296: {  	v1 =	vmul.f32 $8.000000000e+00, v32;
	v24 =	vor.u32 v8, v48;
	[tilespmem:v49+s31+$0x0] =	vst.idx.msk $0xffff, v16  }
0x297: {  	v28 =	vmul.f32 $8.000000000e+00, v28;
	v22 =	vor.u32 v7, v30;
	[tilespmem:v47+s31+$0x0] =	vst.idx.msk $0xffff, v17  }
0x298: {  	v20 =	vor.u32 v2, v48;
	[tilespmem:v46+s31+$0x0] =	vst.idx.msk $0xffff, v1  }
0x299: {  	v37 =	vor.u32 v2, v30;
	[tilespmem:v21+s31+$0x0] =	vst.idx.msk $0xffff, v28  }
0x29a: {  	v61 =	vor.u32 $0x30, v29;
	v0 =	vor.u32 v62, v30;
	v28 =	vld.idx.msk [tilespmem:v26+s22+$0x0], $0xffff  }
0x29b: {  	v31 =	vor.u32 $0x10, v29;
	v63 =	vshll.u32 v61, $0x7;
	v18 =	vor.u32 v3, v30;
	v21 =	vld.idx.msk [tilespmem:v24+s22+$0x0], $0xffff  }
0x29c: {  	v23 =	vand.u32 $0x1F, v31;
	v25 =	vand.u32 $0x3F, v61;
	v61 =	vor.u32 v8, v30;
	v49 =	vld.idx.msk [tilespmem:v22+s22+$0x0], $0xffff  }
0x29d: {  	v38 =	vor.u32 v62, v23;
	v20 =	vld.idx.msk [tilespmem:v20+s22+$0x0], $0xffff  }
0x29e: {  	v40 =	vor.u32 v3, v23;
	v53 =	vld.idx.msk [tilespmem:v37+s22+$0x0], $0xffff  }
0x29f: {  	v59 =	vor.u32 v8, v23;
	v0 =	vld.idx.msk [tilespmem:v0+s22+$0x0], $0xffff  }
0x2a0: {  	v60 =	vshll.u32 v31, $0x7;
	v34 =	vor.u32 v62, v48;
	v47 =	vld.idx.msk [tilespmem:v18+s22+$0x0], $0xffff  }
0x2a1: {  	v27 =	vand.u32 $0xC00, v60;
	v32 =	vor.u32 v62, v25;
	v62 =	vor.u32 v7, v23;
	v60 =	vld.idx.msk [tilespmem:v61+s22+$0x0], $0xffff  }
0x2a2: {  	v41 =	vor.u32 v5, v30;
	v35 =	vor.u32 v5, v48;
	v31 =	vor.u32 v7, v48;
	v38 =	vld.idx.msk [tilespmem:v38+s22+$0x0], $0xffff  }
0x2a3: {  	v42 =	vor.u32 v2, v25;
	v16 =	vshll.u32 v55, $0x7;
	v17 =	vshll.u32 v29, $0x7;
	v40 =	vld.idx.msk [tilespmem:v40+s22+$0x0], $0xffff  }
0x2a4: {  	v16 =	vand.u32 $0x1400, v16;
	v26 =	vand.u32 $0x380, v17;
	v24 =	vand.u32 $0x1C00, v63;
	v39 =	vld.idx.msk [tilespmem:v59+s22+$0x0], $0xffff  }
0x2a5: {  	v22 =	vor.u32 v26, v16;
	v29 =	vor.u32 v26, v27;
	v24 =	vor.u32 v26, v24;
	v26 =	vld.idx.msk [tilespmem:v34+s22+$0x0], $0xffff  }
0x2a6: {  	v36 =	vor.u32 v4, v48;
	v58 =	vld.idx.msk [tilespmem:v62+s22+$0x0], $0xffff  }
0x2a7: {  	v50 =	vor.u32 v6, v23;
	v62 =	vld.idx.msk [tilespmem:v41+s22+$0x0], $0xffff  }
0x2a8: {  	v63 =	vor.u32 v3, v25;
	v18 =	vld.idx.msk [tilespmem:v42+s22+$0x0], $0xffff  }
0x2a9: {  	v51 =	vand.u32 $0x780, v17;
	v17 =	vor.u32 v6, v30;
	v30 =	vor.u32 v2, v23;
	v34 =	vld.idx.msk [tilespmem:v35+s22+$0x0], $0xffff  }
0x2aa: {  	v35 =	vld.idx.msk [tilespmem:v31+s22+$0x0], $0xffff  }
0x2ab: {  	v57 =	vor.u32 v3, v48;
	v19 =	vor.u32 v5, v23;
	v31 =	vld.idx.msk [tilespmem:v36+s22+$0x0], $0xffff  }
0x2ac: {  	v43 =	vor.u32 v4, v25;
	v44 =	vor.u32 v5, v25;
	v27 =	vor.u32 v6, v48;
	v48 =	vld.idx.msk [tilespmem:v50+s22+$0x0], $0xffff  }
0x2ad: {  	v52 =	vor.u32 v8, v25;
	v1 =	vor.u32 v7, v25;
	v25 =	vor.u32 v6, v25;
	v16 =	vld.idx.msk [tilespmem:v63+s22+$0x0], $0xffff  }
0x2ae: {  	v33 =	vld.idx.msk [tilespmem:v30+s22+$0x0], $0xffff  }
0x2af: {  	v61 =	vld.idx.msk [tilespmem:v17+s22+$0x0], $0xffff  }
0x2b0: {  	v63 =	vor.u32 v4, v23;
	v23 =	vld.idx.msk [tilespmem:v32+s22+$0x0], $0xffff  }
0x2b1: {  	v30 =	vld.idx.msk [tilespmem:v19+s22+$0x0], $0xffff  }
0x2b2: {  	v17 =	vld.idx.msk [tilespmem:v25+s22+$0x0], $0xffff  }
0x2b3: {  	v19 =	vld.idx.msk [tilespmem:v44+s22+$0x0], $0xffff  }
0x2b4: {  	p0 =	sne.s32 s0, $0xF;
	v46 =	vor.u32 v11, v51;
	v45 =	vor.u32 v12, v51;
	v25 =	vld.idx.msk [tilespmem:v43+s22+$0x0], $0xffff  }
.Ltmp4:
0x2b5: {  	v41 =	vor.u32 v54, v51;
	v42 =	vor.u32 v9, v51;
	v55 =	vmul.f32 $8.000000000e+00, v28;
	v28 =	vld.idx.msk [tilespmem:v52+s22+$0x0], $0xffff;
	(pc) =	sbr.rel @p0 .LBB2_11-.Ltmp4, $4  }
0x2b6: {  	v50 =	vor.u32 v15, v51;
	v37 =	vmul.f32 $8.000000000e+00, v49;
	v49 =	vmul.f32 $8.000000000e+00, v47;
	v32 =	vld.idx.msk [tilespmem:v1+s22+$0x0], $0xffff  }
0x2b7: {  	v44 =	vor.u32 v10, v51;
	v54 =	vmul.f32 $8.000000000e+00, v0;
	v56 =	vmul.f32 $8.000000000e+00, v53;
	v27 =	vld.idx.msk [tilespmem:v27+s22+$0x0], $0xffff  }
0x2b8: {  	v43 =	vor.u32 v13, v51;
	v36 =	vmul.f32 $8.000000000e+00, v58;
	v58 =	vmul.f32 $8.000000000e+00, v62;
	v62 =	vld [tilespmem:$0x1FFF0]  }
0x2b9: {  	s0 =	sadd.s32 $0x1, s0;
	v47 =	vor.u32 v14, v51;
	v52 =	vmul.f32 $8.000000000e+00, v60;
	v51 =	vld.idx.msk [tilespmem:v63+s22+$0x0], $0xffff;
	v53 =	vmul.f32 $8.000000000e+00, v61  }
0x2ba: {  	_ =	sdelay $0x3  }
0x2bb: {  	v0 =	vld.idx.msk [tilespmem:v57+s22+$0x0], $0xffff;
	[tilespmem:v41+s31+$0x0] =	vst.idx.msk $0xffff, v54  }
0x2bc: {  	[tilespmem:v42+s31+$0x0] =	vst.idx.msk $0xffff, v56  }
0x2bd: {  	v56 =	vlaneseq.u32;
	[tilespmem:v44+s31+$0x0] =	vst.idx.msk $0xffff, v49  }
0x2be: {  	v1 =	vor.u32 v56, v29;
	[tilespmem:v46+s31+$0x0] =	vst.idx.msk $0xffff, v55  }
0x2bf: {  	v57 =	vor.u32 v9, v29;
	[tilespmem:v45+s31+$0x0] =	vst.idx.msk $0xffff, v58  }
0x2c0: {  	v58 =	vor.u32 v10, v29;
	[tilespmem:v43+s31+$0x0] =	vst.idx.msk $0xffff, v53  }
0x2c1: {  	v38 =	vmul.f32 $8.000000000e+00, v38;
	v59 =	vor.u32 v11, v29;
	[tilespmem:v47+s31+$0x0] =	vst.idx.msk $0xffff, v37  }
0x2c2: {  	v33 =	vmul.f32 $8.000000000e+00, v33;
	v60 =	vor.u32 v12, v29;
	[tilespmem:v50+s31+$0x0] =	vst.idx.msk $0xffff, v52  }
0x2c3: {  	v61 =	vor.u32 v13, v29;
	[tilespmem:v1+s31+$0x0] =	vst.idx.msk $0xffff, v38;
	v1 =	vmul.f32 $8.000000000e+00, v40  }
0x2c4: {  	v41 =	vor.u32 v14, v29;
	v63 =	vmul.f32 $8.000000000e+00, v51;
	[tilespmem:v57+s31+$0x0] =	vst.idx.msk $0xffff, v33  }
0x2c5: {  	v45 =	vor.u32 v15, v29;
	[tilespmem:v58+s31+$0x0] =	vst.idx.msk $0xffff, v1;
	v1 =	vmul.f32 $8.000000000e+00, v30  }
0x2c6: {  	v46 =	vmul.f32 $8.000000000e+00, v48;
	v47 =	vor.u32 v56, v22;
	[tilespmem:v59+s31+$0x0] =	vst.idx.msk $0xffff, v63  }
0x2c7: {  	[tilespmem:v60+s31+$0x0] =	vst.idx.msk $0xffff, v1;
	v1 =	vor.u32 v9, v22  }
0x2c8: {  	v49 =	vor.u32 v10, v22;
	v48 =	vmul.f32 $8.000000000e+00, v39;
	[tilespmem:v61+s31+$0x0] =	vst.idx.msk $0xffff, v46  }
0x2c9: {  	v26 =	vmul.f32 $8.000000000e+00, v26;
	v50 =	vor.u32 v11, v22;
	[tilespmem:v41+s31+$0x0] =	vst.idx.msk $0xffff, v36  }
0x2ca: {  	v20 =	vmul.f32 $8.000000000e+00, v20;
	v51 =	vor.u32 v12, v22;
	[tilespmem:v45+s31+$0x0] =	vst.idx.msk $0xffff, v48  }
0x2cb: {  	v0 =	vmul.f32 $8.000000000e+00, v0;
	v52 =	vor.u32 v13, v22;
	[tilespmem:v47+s31+$0x0] =	vst.idx.msk $0xffff, v26  }
0x2cc: {  	v31 =	vmul.f32 $8.000000000e+00, v31;
	v53 =	vor.u32 v14, v22;
	[tilespmem:v1+s31+$0x0] =	vst.idx.msk $0xffff, v20  }
0x2cd: {  	v54 =	vor.u32 v15, v22;
	v1 =	vmul.f32 $8.000000000e+00, v34;
	[tilespmem:v49+s31+$0x0] =	vst.idx.msk $0xffff, v0  }
0x2ce: {  	v55 =	vor.u32 v56, v24;
	v0 =	vmul.f32 $8.000000000e+00, v27;
	[tilespmem:v50+s31+$0x0] =	vst.idx.msk $0xffff, v31  }
0x2cf: {  	v56 =	vmul.f32 $8.000000000e+00, v35;
	v57 =	vor.u32 v9, v24;
	[tilespmem:v51+s31+$0x0] =	vst.idx.msk $0xffff, v1  }
0x2d0: {  	v58 =	vor.u32 v10, v24;
	v1 =	vmul.f32 $8.000000000e+00, v21;
	[tilespmem:v52+s31+$0x0] =	vst.idx.msk $0xffff, v0  }
0x2d1: {  	v23 =	vmul.f32 $8.000000000e+00, v23;
	v0 =	vor.u32 v11, v24;
	[tilespmem:v53+s31+$0x0] =	vst.idx.msk $0xffff, v56  }
0x2d2: {  	v59 =	vor.u32 v12, v24;
	[tilespmem:v54+s31+$0x0] =	vst.idx.msk $0xffff, v1;
	v1 =	vmul.f32 $8.000000000e+00, v18  }
0x2d3: {  	v16 =	vmul.f32 $8.000000000e+00, v16;
	v60 =	vor.u32 v13, v24;
	[tilespmem:v55+s31+$0x0] =	vst.idx.msk $0xffff, v23  }
0x2d4: {  	v63 =	vmul.f32 $8.000000000e+00, v25;
	v61 =	vor.u32 v14, v24;
	[tilespmem:v57+s31+$0x0] =	vst.idx.msk $0xffff, v1  }
0x2d5: {  	s10 =	sadd.s32 $0x1, s10;
	v1 =	vor.u32 v15, v24;
	[tilespmem:v58+s31+$0x0] =	vst.idx.msk $0xffff, v16;
	v16 =	vmul.f32 $8.000000000e+00, v19  }
0x2d6: {  	s0 =	sadd.s32 s1, s5;
	p0 =	sne.s32 s10, $0x28;
	[tilespmem:v0+s31+$0x0] =	vst.idx.msk $0xffff, v63;
	v0 =	vmul.f32 $8.000000000e+00, v17  }
.Ltmp5:
0x2d7: {  	s0 =	sshll.u32 s0, $0x14;
	v17 =	vmul.f32 $8.000000000e+00, v32;
	[tilespmem:v59+s31+$0x0] =	vst.idx.msk $0xffff, v16;
	(pc) =	sbr.rel @p0 .LBB2_2-.Ltmp5, $4  }
0x2d8: {  	s0 =	sadd.s32 s11, s0;
	v16 =	vmul.f32 $8.000000000e+00, v28;
	[tilespmem:v60+s31+$0x0] =	vst.idx.msk $0xffff, v0  }
0x2d9: {  	s0 =	sshrl.u32 s0, $0x3;
	[tilespmem:v61+s31+$0x0] =	vst.idx.msk $0xffff, v17  }
0x2da: {  	s0 =	sadd.s32 s2, s0;
	[tilespmem:v1+s31+$0x0] =	vst.idx.msk $0xffff, v16  }
0x2db: {  	v1 =	vlaneseq.u32;
	[hbm4b:s0+s17] =	stream.strided.scatter [tilespmem:s31], [sflag:$0xA], $0x2000, s18, s17, $0x38;
	[tilespmem:$0x1A400] =	vst v63  }
0x2dc: {  	s0 =	simm.s32 $0x8  }
0x2dd: {  	_ =	swait.ge [sflag:s0], $0x2000  }
0x2de: {  	[sflag:s0] =	ssyncset.done $0x0  }
0x2df: {  	s23 =	simm.s32 $0x9;
	[sflag:s0] =	ssyncadd.s32 $0xFFFFE000  }
0x2e0: {  	_ =	swait.ge [sflag:s23], $0x2000  }
0x2e1: {  	[sflag:s23] =	ssyncset.done $0x0  }
0x2e2: {  	s1 =	simm.s32 $0xA;
	[sflag:s23] =	ssyncadd.s32 $0xFFFFE000  }
0x2e3: {  	_ =	swait.ge [sflag:s1], $0x2000  }
0x2e4: {  	s5 =	rddreg [dreg:$0x5]  }
0x2e5: {  	s25 =	rddreg [dreg:$0x4];
	s5 =	sadd.s32 $0x1, s5  }
0x2e6: {  	p0 =	sne.s32 s5, s25  }
.Ltmp6:
0x2e7: {  	_ = 	snop;
	(pc) =	sbr.rel @p0 .LBB2_1-.Ltmp6, $3  }
0x2e8: {  	_ =	sdelay $0x1  }
0x2e9: {  	[sflag:s1] =	ssyncset.done $0x0  }
0x2ea: {  	[sflag:s1] =	ssyncadd.s32 $0xFFFFE000  }
0x2eb: {  	_ =	sfence.sel $0x180000  }
0x2ec: {  	[bflag:$0x0] =	sbarrier.arrive $0xFFFF  }
0x2ed: {  	_ =	strace $0x90000047  }
0x2ee: {  	s0 =	stileid.u32;
	[bflag:$0x2] =	sbarrier.arrive $0xFFFF  }
0x2ef: {  	p0 =	sne.s32 s0, $0x0;
	s0 =	rddreg [dreg:$0x2]  }
0x2f0: {  	s0 =	sadd.s32 @!p0 $0x100000, s0  }
0x2f1: {  	[sflag:s0] =	ssyncadd.tile.s32 @!p0 $0x1;
	_ =	shalt  }
.Lfunc_end2:
_tile_overlayer_lowered:
.L_overlay_start_2:
0x2f2: {  	(tag) =	ssettag $0x2  }
0x2f3: {  	s0 =	rddreg [dreg:$0x0];
	s2 =	stileid.u32  }
0x2f4: {  	s1 =	rddreg [dreg:$0x1];
	p0 =	sne.s32 s2, $0x0  }
0x2f5: {  	s3 =	rddreg [dreg:$0x2];
	[bflag:$0x3] =	sbarrier.arrive $0xFFFF;
	s2 =	simm.s32 @!p0 $0x1C0B  }
0x2f6: {  	[timem:s3], [sflag:s2] =	dma.local @!p0 [hbm:s0], s1  }
0x2f7: {  	s0 =	simm.s32 @!p0 $0xB  }
0x2f8: {  	_ =	swait.ge @!p0 [sflag:s0], s1  }
0x2f9: {  	s1 =	ssub.s32 @!p0 $0x0, s1;
	[sflag:s0] =	ssyncset.done @!p0 $0x0  }
0x2fa: {  	[sflag:s0] =	ssyncadd.s32 @!p0 s1  }
0x2fb: {  	[bflag:$0x3] =	sbarrier.arrive $0xFFFF  }
0x2fc: {  	_ =	shalt  }

</sc_bundles>
